<compile_context>
chip_gen: v7x
topology: tpu7x:2x2x1
jax: 0.10.2.dev20260603
libtpu: 0.0.44.dev20260713+nightly
codegen_flags: <defaults>
</compile_context>

<pallas_src>
import functools

import jax
import jax.numpy as jnp
from jax import lax
from jax.experimental import pallas as pl
from jax.experimental.pallas import tpu as pltpu
from jax.experimental.pallas import tpu_sc as plsc

N = 10000
E = 320000
D = 128
NC = 2
NS = 16
NW = NC * NS
K = 128
NCH = 80
EPWP = NCH * K
EPAD = NW * EPWP
NP = 10240
RPW = NP // NS


@functools.cache
def _sc_mesh():
  return plsc.VectorSubcoreMesh(core_axis_name="c", subcore_axis_name="s")


KA = 80
NCHA = 125


def _sc_agg(h, src, dst, zeros_rows):

  @functools.partial(
      pl.kernel,
      mesh=_sc_mesh(),
      out_type=jax.ShapeDtypeStruct((NC * NP, D), jnp.float32),
      scratch_types=(
          [pltpu.VMEM((KA,), jnp.int32) for _ in range(4)]
          + [pltpu.VMEM((KA,), jnp.int32) for _ in range(4)]
          + [
              pltpu.VMEM((KA, D), jnp.float32),
              pltpu.VMEM((KA, D), jnp.float32),
              pltpu.VMEM((K, D), jnp.float32),
              pltpu.VMEM_SHARED((NP, D), jnp.float32),
              pltpu.SemaphoreType.DMA,
              pltpu.SemaphoreType.DMA,
              pltpu.SemaphoreType.DMA,
          ]
          + [pltpu.SemaphoreType.DMA for _ in range(4)]
          + [pltpu.SemaphoreType.DMA]
      ),
  )
  def body(h_hbm, src_hbm, dst_hbm, zr_hbm, agg_out,
           sv0, sv1, sv2, sv3, dv0, dv1, dv2, dv3,
           rows0, rows1, zstage, acc_sh, sgt, ss0, ss1,
           si0, si1, si2, si3, sst):
    cid = lax.axis_index("c")
    sid = lax.axis_index("s")
    row0 = sid * RPW
    srcv = (sv0, sv1, sv2, sv3)
    dstv = (dv0, dv1, dv2, dv3)
    rows = (rows0, rows1)
    ss = (ss0, ss1)
    si = (si0, si1, si2, si3)

    pltpu.async_copy(zr_hbm, zstage, sst).wait()

    @pl.loop(0, RPW, step=K)
    def _(j):
      pltpu.sync_copy(zstage, acc_sh.at[pl.ds(row0 + j, K)])

    plsc.subcore_barrier()
    base = cid * (E // NC) + sid * (E // NW)

    def idx_load(cc, q):
      pltpu.async_copy(src_hbm.at[pl.ds(base + cc * KA, KA)], srcv[q], si[q])
      pltpu.async_copy(dst_hbm.at[pl.ds(base + cc * KA, KA)], dstv[q], si[q])

    def chunk(cc, q, b, first):
      if not first:
        pltpu.make_async_copy(zr_hbm.at[pl.ds(0, KA)], rows[b], ss[b]).wait()
      q2 = (q + 2) % 4
      if isinstance(cc, int):
        if cc + 2 < NCHA:
          idx_load(cc + 2, q2)
      else:
        @pl.when(cc + 2 < NCHA)
        def _():
          idx_load(cc + 2, q2)
      pltpu.make_async_copy(src_hbm.at[pl.ds(base, KA)], srcv[q],
                            si[q]).wait()
      pltpu.make_async_copy(src_hbm.at[pl.ds(base, KA)], dstv[q],
                            si[q]).wait()
      pltpu.async_copy(h_hbm.at[srcv[q]], rows[b], sgt).wait()
      pltpu.async_copy(rows[b], acc_sh.at[dstv[q]], ss[b], add=True)

    idx_load(0, 0)
    idx_load(1, 1)
    chunk(0, 0, 0, True)
    chunk(1, 1, 1, True)
    chunk(2, 2, 0, False)
    chunk(3, 3, 1, False)

    @pl.loop(4, NCHA - 1, step=4)
    def _(c):
      for bb in (0, 1, 2, 3):
        chunk(c + bb, bb, bb % 2, False)

    chunk(NCHA - 1, 0, 0, False)

    pltpu.make_async_copy(zr_hbm.at[pl.ds(0, KA)], rows1, ss1).wait()
    pltpu.make_async_copy(zr_hbm.at[pl.ds(0, KA)], rows0, ss0).wait()

    plsc.subcore_barrier()
    out_r = cid * NP + row0

    @pl.loop(0, RPW, step=K)
    def _(j):
      pltpu.sync_copy(acc_sh.at[pl.ds(row0 + j, K)], zstage)
      pltpu.sync_copy(zstage, agg_out.at[pl.ds(out_r + j, K)])

  return body(h, src, dst, zeros_rows).reshape(NC, NP, D)


def _sc_deg(dst3, zeros_rows, ones_rows):

  NQ = 8

  @functools.partial(
      pl.kernel,
      mesh=_sc_mesh(),
      out_type=jax.ShapeDtypeStruct((NC * NP, D), jnp.float32),
      scratch_types=[
          pltpu.VMEM((NCH, K), jnp.int32),
          pltpu.VMEM((K, D), jnp.float32),
          pltpu.VMEM_SHARED((NP, D), jnp.float32),
          pltpu.SemaphoreType.DMA,
          pltpu.SemaphoreType.DMA,
      ],
  )
  def body(dst_hbm, zr_hbm, ones_hbm, deg_out, dst_v, rows_v, acc_sh,
           ssc, sst):
    cid = lax.axis_index("c")
    sid = lax.axis_index("s")
    wid = cid * NS + sid
    row0 = sid * RPW
    pltpu.async_copy(dst_hbm.at[wid], dst_v, sst).wait()
    pltpu.async_copy(zr_hbm, rows_v, sst).wait()

    @pl.loop(0, RPW, step=K)
    def _(j):
      pltpu.sync_copy(rows_v, acc_sh.at[pl.ds(row0 + j, K)])

    plsc.subcore_barrier()
    pltpu.async_copy(ones_hbm, rows_v, sst).wait()

    @pl.loop(0, NQ)
    def _(cc):
      pltpu.async_copy(rows_v, acc_sh.at[dst_v.at[cc]], ssc, add=True)

    @pl.loop(NQ, NCH)
    def _(cc):
      pltpu.make_async_copy(ones_hbm, rows_v, ssc).wait()
      pltpu.async_copy(rows_v, acc_sh.at[dst_v.at[cc]], ssc, add=True)

    @pl.loop(0, NQ)
    def _(cc):
      pltpu.make_async_copy(ones_hbm, rows_v, ssc).wait()

    plsc.subcore_barrier()
    out_r = cid * NP + row0

    @pl.loop(0, RPW, step=K)
    def _(j):
      pltpu.sync_copy(acc_sh.at[pl.ds(row0 + j, K)], rows_v)
      pltpu.sync_copy(rows_v, deg_out.at[pl.ds(out_r + j, K)])

  return body(dst3, zeros_rows, ones_rows).reshape(NC, NP, D)


ROWS_BLK = 1000


def _tc_layer1_body(h_ref, agg_ref, deg_ref, ws_ref, wn_ref, b_ref, out_ref):
  agg = agg_ref[0] + agg_ref[1]
  deg = deg_ref[0] + deg_ref[1]
  dinv = 1.0 / jnp.maximum(deg, 1.0)
  hs = jnp.dot(h_ref[...], ws_ref[...], preferred_element_type=jnp.float32)
  hn = jnp.dot(agg, wn_ref[...], preferred_element_type=jnp.float32)
  out_ref[...] = jnp.maximum(hs + hn * dinv + b_ref[...], 0.0)


def _tc_layer1(h, aggp, degs, W_self, W_neigh, b):
  grid = (N // ROWS_BLK,)
  return pl.pallas_call(
      _tc_layer1_body,
      grid=grid,
      in_specs=[
          pl.BlockSpec((ROWS_BLK, D), lambda i: (i, 0)),
          pl.BlockSpec((NC, ROWS_BLK, D), lambda i: (0, i, 0)),
          pl.BlockSpec((NC, ROWS_BLK, 1), lambda i: (0, i, 0)),
          pl.BlockSpec((D, D), lambda i: (0, 0)),
          pl.BlockSpec((D, D), lambda i: (0, 0)),
          pl.BlockSpec((1, D), lambda i: (0, 0)),
      ],
      out_specs=pl.BlockSpec((ROWS_BLK, D), lambda i: (i, 0)),
      out_shape=jax.ShapeDtypeStruct((N, D), jnp.float32),
  )(h, aggp, degs, W_self, W_neigh, b.reshape(1, D))


def _tc_layer2_body(h_ref, agg_ref, deg_ref, ws_ref, wn_ref, b_ref,
                    wr0_ref, br0_ref, wr1_ref, br1_ref, out_ref):
  agg = agg_ref[0] + agg_ref[1]
  deg = deg_ref[0] + deg_ref[1]
  dinv = 1.0 / jnp.maximum(deg, 1.0)
  hs = jnp.dot(h_ref[...], ws_ref[...], preferred_element_type=jnp.float32)
  hn = jnp.dot(agg, wn_ref[...], preferred_element_type=jnp.float32)
  h2 = jnp.maximum(hs + hn * dinv + b_ref[...], 0.0)
  r = jnp.maximum(
      jnp.dot(h2, wr0_ref[...], preferred_element_type=jnp.float32)
      + br0_ref[...], 0.0)
  out_ref[...] = (
      jnp.dot(r, wr1_ref[...], preferred_element_type=jnp.float32)
      + br1_ref[...])


def _tc_layer2(h, aggp, degs, W_self, W_neigh, b, Wr0, br0, Wr1, br1):
  grid = (N // ROWS_BLK,)
  H1 = Wr0.shape[1]
  return pl.pallas_call(
      _tc_layer2_body,
      grid=grid,
      in_specs=[
          pl.BlockSpec((ROWS_BLK, D), lambda i: (i, 0)),
          pl.BlockSpec((NC, ROWS_BLK, D), lambda i: (0, i, 0)),
          pl.BlockSpec((NC, ROWS_BLK, 1), lambda i: (0, i, 0)),
          pl.BlockSpec((D, D), lambda i: (0, 0)),
          pl.BlockSpec((D, D), lambda i: (0, 0)),
          pl.BlockSpec((1, D), lambda i: (0, 0)),
          pl.BlockSpec((D, H1), lambda i: (0, 0)),
          pl.BlockSpec((1, H1), lambda i: (0, 0)),
          pl.BlockSpec((H1, 1), lambda i: (0, 0)),
          pl.BlockSpec((1, 1), lambda i: (0, 0)),
      ],
      out_specs=pl.BlockSpec((ROWS_BLK, 1), lambda i: (i, 0)),
      out_shape=jax.ShapeDtypeStruct((N, 1), jnp.float32),
  )(h, aggp, degs, W_self, W_neigh, b.reshape(1, D),
    Wr0, br0.reshape(1, H1), Wr1, br1.reshape(1, 1))


def kernel(x, edge_index, W_self0, W_neigh0, b0, W_self1, W_neigh1, b1,
           Wr0, br0, Wr1, br1):
  ei = edge_index.astype(jnp.int32)
  src = ei[0]
  dst = ei[1]
  pad_dst = N + (jnp.arange(EPAD - E, dtype=jnp.int32) % (NP - N))
  dst3 = jnp.concatenate([dst, pad_dst]).reshape(NW, NCH, K)
  zeros_rows = jnp.zeros((K, D), jnp.float32)
  ones_rows = jnp.ones((K, D), jnp.float32)

  degp = _sc_deg(dst3, zeros_rows, ones_rows)
  degs = degp[:, :, :1]
  x_dep = x + 0.0 * degs[0, :N]
  agg0 = _sc_agg(x_dep, src, dst, zeros_rows)
  h1 = _tc_layer1(x, agg0, degs, W_self0, W_neigh0, b0)
  agg1 = _sc_agg(h1, src, dst, zeros_rows)
  return _tc_layer2(h1, agg1, degs, W_self1, W_neigh1, b1, Wr0, br0, Wr1, br1)

# --- scband reference (transcript-rebuilt; emitter-appended) ---
"""Pipeline reference for scband-molecule-gcnmodel-65893388255631 (READ-ONLY COPY).

The authoritative reference and input builder live on the scoring server;
editing this copy changes nothing except your own understanding.
"""

import jax, jax.numpy as jnp
import numpy as np

N_NODES = 10000
N_EDGES = 320000
D_FEAT = 128
HIDDEN = [128, 128]
READOUT = [128, 64, 1]


def setup_inputs(seed: int = 0) -> dict:
    key = jax.random.key(seed)
    ks = jax.random.split(key, 16)
    x = jax.random.normal(ks[0], (N_NODES, D_FEAT), dtype=jnp.float32)
    edge_index = jax.random.randint(ks[1], (2, N_EDGES), 0, N_NODES, dtype=jnp.int64)
    # SAGEConv stack params: layer l has W_self, W_neigh, bias
    dims = [D_FEAT] + HIDDEN
    params = {}
    ki = 2
    for l in range(len(HIDDEN)):
        fan_in, fan_out = dims[l], dims[l + 1]
        s = 1.0 / np.sqrt(fan_in)
        params[f"W_self{l}"] = jax.random.uniform(ks[ki], (fan_in, fan_out), minval=-s, maxval=s, dtype=jnp.float32); ki += 1
        params[f"W_neigh{l}"] = jax.random.uniform(ks[ki], (fan_in, fan_out), minval=-s, maxval=s, dtype=jnp.float32); ki += 1
        params[f"b{l}"] = jnp.zeros((fan_out,), dtype=jnp.float32)
    # readout MLP params
    for l in range(len(READOUT) - 1):
        fan_in, fan_out = READOUT[l], READOUT[l + 1]
        s = 1.0 / np.sqrt(fan_in)
        params[f"Wr{l}"] = jax.random.uniform(ks[ki], (fan_in, fan_out), minval=-s, maxval=s, dtype=jnp.float32); ki += 1
        params[f"br{l}"] = jnp.zeros((fan_out,), dtype=jnp.float32)
    inp = {"x": x, "edge_index": edge_index}
    inp.update(params)
    return inp


def _sage_layer(h, src, dst, W_self, W_neigh, b, n_nodes):
    msg = h[src]  # gather over edges
    agg = jax.ops.segment_sum(msg, dst, num_segments=n_nodes)
    deg = jax.ops.segment_sum(jnp.ones((src.shape[0],), dtype=h.dtype), dst, num_segments=n_nodes)
    h_neigh = agg / jnp.clip(deg, 1.0)[:, None]
    out = h @ W_self + h_neigh @ W_neigh + b
    return jax.nn.relu(out)


def reference(x, edge_index, W_self0, W_neigh0, b0, W_self1, W_neigh1, b1, Wr0, br0, Wr1, br1):
    src = edge_index[0]
    dst = edge_index[1]
    n = x.shape[0]
    # SAGEConv stack (convolution)
    h = _sage_layer(x, src, dst, W_self0, W_neigh0, b0, n)
    h = _sage_layer(h, src, dst, W_self1, W_neigh1, b1, n)
    # PoolAtomFeatures: identity on node features
    pooled = h
    # readout MLP per atom
    r = jax.nn.relu(pooled @ Wr0 + br0)
    r = r @ Wr1 + br1
    return r

if __name__ == "__main__":
    import jax
    _d = setup_inputs()
    print(jax.jit(kernel)(*tuple(_d.values())))

</pallas_src>

<mosaic_0001>
#map = affine_map<(d0, d1) -> (0, 0)>
#map1 = affine_map<(d0, d1) -> (0)>
module attributes {stable_mosaic.version = 14 : i64} {
  func.func @body(%arg0: i32, %arg1: i32, %arg2: memref<10000x128xf32, #tpu.memory_space<hbm>>, %arg3: memref<320000xi32, #tpu.memory_space<hbm>>, %arg4: memref<320000xi32, #tpu.memory_space<hbm>>, %arg5: memref<128x128xf32, #tpu.memory_space<hbm>>, %arg6: memref<20480x128xf32, #tpu.memory_space<hbm>>, %arg7: memref<80xi32, #tpu.memory_space<vmem>>, %arg8: memref<80xi32, #tpu.memory_space<vmem>>, %arg9: memref<80xi32, #tpu.memory_space<vmem>>, %arg10: memref<80xi32, #tpu.memory_space<vmem>>, %arg11: memref<80xi32, #tpu.memory_space<vmem>>, %arg12: memref<80xi32, #tpu.memory_space<vmem>>, %arg13: memref<80xi32, #tpu.memory_space<vmem>>, %arg14: memref<80xi32, #tpu.memory_space<vmem>>, %arg15: memref<80x128xf32, #tpu.memory_space<vmem>>, %arg16: memref<80x128xf32, #tpu.memory_space<vmem>>, %arg17: memref<128x128xf32, #tpu.memory_space<vmem>>, %arg18: memref<10240x128xf32, #tpu.memory_space<vmem_shared>>, %arg19: memref<!tpu.dma_semaphore, #tpu.memory_space<semaphore_mem>>, %arg20: memref<!tpu.dma_semaphore, #tpu.memory_space<semaphore_mem>>, %arg21: memref<!tpu.dma_semaphore, #tpu.memory_space<semaphore_mem>>, %arg22: memref<!tpu.dma_semaphore, #tpu.memory_space<semaphore_mem>>, %arg23: memref<!tpu.dma_semaphore, #tpu.memory_space<semaphore_mem>>, %arg24: memref<!tpu.dma_semaphore, #tpu.memory_space<semaphore_mem>>, %arg25: memref<!tpu.dma_semaphore, #tpu.memory_space<semaphore_mem>>, %arg26: memref<!tpu.dma_semaphore, #tpu.memory_space<semaphore_mem>>) attributes {dimension_semantics = [#tpu.dimension_semantics<core_parallel>, #tpu.dimension_semantics<subcore_parallel>], iteration_bounds = array<i64: 2, 16>, scalar_prefetch = 0 : i64, scratch_operands = 20 : i64, tpu.core_type = #tpu.core_type<sc_vector_subcore>, window_params = [{transform_indices = #map}, {transform_indices = #map1}, {transform_indices = #map1}, {transform_indices = #map}, {transform_indices = #map}]} {
    %mul3A = arith.constant 640 : i32
    %mul3A_0 = arith.muli %arg1, %mul3A : i32
    tpu.enqueue_dma source(%arg5 : memref<128x128xf32, #tpu.memory_space<hbm>>) target(%arg17 : memref<128x128xf32, #tpu.memory_space<vmem>>) target_semaphore(%arg26 : memref<!tpu.dma_semaphore, #tpu.memory_space<semaphore_mem>>)
    tpu.wait_dma2 semaphore(%arg26 : memref<!tpu.dma_semaphore, #tpu.memory_space<semaphore_mem>>) src(%arg5 : memref<128x128xf32, #tpu.memory_space<hbm>>) dst(%arg17 : memref<128x128xf32, #tpu.memory_space<vmem>>)
    %scan3A = arith.constant 0 : i32
    %scan3A_1 = arith.constant 5 : i32
    %scan3A_2 = arith.addi %scan3A, %scan3A_1 : i32
    %scan3A_3 = arith.constant 1 : i32
    scf.for %scan3A_164 = %scan3A to %scan3A_2 step %scan3A_3  : i32 {
      %mul3A_165 = arith.constant 128 : i32
      %mul3A_166 = arith.muli %scan3A_164, %mul3A_165 : i32
      %add3A_167 = arith.constant 0 : i32
      %add3A_168 = arith.addi %add3A_167, %mul3A_166 : i32
      %add3A_169 = arith.addi %mul3A_0, %add3A_168 : i32
      "tpu.region"() ({
        %run_scoped3A = tpu.sem_alloc : memref<!tpu.dma_semaphore, #tpu.memory_space<semaphore_mem>>
        %dma_start3A_170 = arith.constant 0 : i32
        %dma_start3A_171 = tpu.memref_slice %arg18[%add3A_169, %dma_start3A_170] : memref<10240x128xf32, #tpu.memory_space<vmem_shared>> -> memref<128x128xf32, #tpu.memory_space<vmem_shared>>
        %dma_start3A_172 = arith.constant 0 : i32
        %dma_start3A_173 = tpu.memref_slice %arg18[%add3A_169, %dma_start3A_172] : memref<10240x128xf32, #tpu.memory_space<vmem_shared>> -> memref<128x128xf32, #tpu.memory_space<vmem_shared>>
        tpu.enqueue_dma source(%arg17 : memref<128x128xf32, #tpu.memory_space<vmem>>) target(%dma_start3A_173 : memref<128x128xf32, #tpu.memory_space<vmem_shared>>) target_semaphore(%run_scoped3A : memref<!tpu.dma_semaphore, #tpu.memory_space<semaphore_mem>>)
        %dma_wait3A_174 = arith.constant 0 : i32
        %dma_wait3A_175 = tpu.memref_slice %arg18[%add3A_169, %dma_wait3A_174] : memref<10240x128xf32, #tpu.memory_space<vmem_shared>> -> memref<128x128xf32, #tpu.memory_space<vmem_shared>>
        %dma_wait3A_176 = arith.constant 0 : i32
        %dma_wait3A_177 = tpu.memref_slice %arg18[%add3A_169, %dma_wait3A_176] : memref<10240x128xf32, #tpu.memory_space<vmem_shared>> -> memref<128x128xf32, #tpu.memory_space<vmem_shared>>
        tpu.wait_dma2 semaphore(%run_scoped3A : memref<!tpu.dma_semaphore, #tpu.memory_space<semaphore_mem>>) src(%arg17 : memref<128x128xf32, #tpu.memory_space<vmem>>) dst(%dma_wait3A_177 : memref<128x128xf32, #tpu.memory_space<vmem_shared>>)
        tpu.yield
      }) : () -> ()
    }
    %scan3A_4 = arith.constant 5 : i32
    %barrier3A = arith.constant 0 : index
    tpu.barrier barrier_id(%barrier3A)
    %mul3A_5 = arith.constant 160000 : i32
    %mul3A_6 = arith.muli %arg0, %mul3A_5 : i32
    %mul3A_7 = arith.constant 10000 : i32
    %mul3A_8 = arith.muli %arg1, %mul3A_7 : i32
    %add3A = arith.addi %mul3A_6, %mul3A_8 : i32
    %add3A_9 = arith.constant 0 : i32
    %add3A_10 = arith.addi %add3A, %add3A_9 : i32
    %dma_start3A = tpu.memref_slice %arg3[%add3A_10] : memref<320000xi32, #tpu.memory_space<hbm>> -> memref<80xi32, #tpu.memory_space<hbm>>
    %dma_start3A_11 = tpu.memref_slice %arg3[%add3A_10] : memref<320000xi32, #tpu.memory_space<hbm>> -> memref<80xi32, #tpu.memory_space<hbm>>
    tpu.enqueue_dma source(%dma_start3A_11 : memref<80xi32, #tpu.memory_space<hbm>>) target(%arg7 : memref<80xi32, #tpu.memory_space<vmem>>) target_semaphore(%arg22 : memref<!tpu.dma_semaphore, #tpu.memory_space<semaphore_mem>>)
    %add3A_12 = arith.constant 0 : i32
    %add3A_13 = arith.addi %add3A, %add3A_12 : i32
    %dma_start3A_14 = tpu.memref_slice %arg4[%add3A_13] : memref<320000xi32, #tpu.memory_space<hbm>> -> memref<80xi32, #tpu.memory_space<hbm>>
    %dma_start3A_15 = tpu.memref_slice %arg4[%add3A_13] : memref<320000xi32, #tpu.memory_space<hbm>> -> memref<80xi32, #tpu.memory_space<hbm>>
    tpu.enqueue_dma source(%dma_start3A_15 : memref<80xi32, #tpu.memory_space<hbm>>) target(%arg11 : memref<80xi32, #tpu.memory_space<vmem>>) target_semaphore(%arg22 : memref<!tpu.dma_semaphore, #tpu.memory_space<semaphore_mem>>)
    %add3A_16 = arith.constant 80 : i32
    %add3A_17 = arith.addi %add3A, %add3A_16 : i32
    %dma_start3A_18 = tpu.memref_slice %arg3[%add3A_17] : memref<320000xi32, #tpu.memory_space<hbm>> -> memref<80xi32, #tpu.memory_space<hbm>>
    %dma_start3A_19 = tpu.memref_slice %arg3[%add3A_17] : memref<320000xi32, #tpu.memory_space<hbm>> -> memref<80xi32, #tpu.memory_space<hbm>>
    tpu.enqueue_dma source(%dma_start3A_19 : memref<80xi32, #tpu.memory_space<hbm>>) target(%arg8 : memref<80xi32, #tpu.memory_space<vmem>>) target_semaphore(%arg23 : memref<!tpu.dma_semaphore, #tpu.memory_space<semaphore_mem>>)
    %add3A_20 = arith.constant 80 : i32
    %add3A_21 = arith.addi %add3A, %add3A_20 : i32
    %dma_start3A_22 = tpu.memref_slice %arg4[%add3A_21] : memref<320000xi32, #tpu.memory_space<hbm>> -> memref<80xi32, #tpu.memory_space<hbm>>
    %dma_start3A_23 = tpu.memref_slice %arg4[%add3A_21] : memref<320000xi32, #tpu.memory_space<hbm>> -> memref<80xi32, #tpu.memory_space<hbm>>
    tpu.enqueue_dma source(%dma_start3A_23 : memref<80xi32, #tpu.memory_space<hbm>>) target(%arg12 : memref<80xi32, #tpu.memory_space<vmem>>) target_semaphore(%arg23 : memref<!tpu.dma_semaphore, #tpu.memory_space<semaphore_mem>>)
    %add3A_24 = arith.constant 160 : i32
    %add3A_25 = arith.addi %add3A, %add3A_24 : i32
    %dma_start3A_26 = tpu.memref_slice %arg3[%add3A_25] : memref<320000xi32, #tpu.memory_space<hbm>> -> memref<80xi32, #tpu.memory_space<hbm>>
    %dma_start3A_27 = tpu.memref_slice %arg3[%add3A_25] : memref<320000xi32, #tpu.memory_space<hbm>> -> memref<80xi32, #tpu.memory_space<hbm>>
    tpu.enqueue_dma source(%dma_start3A_27 : memref<80xi32, #tpu.memory_space<hbm>>) target(%arg9 : memref<80xi32, #tpu.memory_space<vmem>>) target_semaphore(%arg24 : memref<!tpu.dma_semaphore, #tpu.memory_space<semaphore_mem>>)
    %add3A_28 = arith.constant 160 : i32
    %add3A_29 = arith.addi %add3A, %add3A_28 : i32
    %dma_start3A_30 = tpu.memref_slice %arg4[%add3A_29] : memref<320000xi32, #tpu.memory_space<hbm>> -> memref<80xi32, #tpu.memory_space<hbm>>
    %dma_start3A_31 = tpu.memref_slice %arg4[%add3A_29] : memref<320000xi32, #tpu.memory_space<hbm>> -> memref<80xi32, #tpu.memory_space<hbm>>
    tpu.enqueue_dma source(%dma_start3A_31 : memref<80xi32, #tpu.memory_space<hbm>>) target(%arg13 : memref<80xi32, #tpu.memory_space<vmem>>) target_semaphore(%arg24 : memref<!tpu.dma_semaphore, #tpu.memory_space<semaphore_mem>>)
    %dma_wait3A = tpu.memref_slice %arg3[%add3A] : memref<320000xi32, #tpu.memory_space<hbm>> -> memref<80xi32, #tpu.memory_space<hbm>>
    %dma_wait3A_32 = tpu.memref_slice %arg3[%add3A] : memref<320000xi32, #tpu.memory_space<hbm>> -> memref<80xi32, #tpu.memory_space<hbm>>
    tpu.wait_dma2 semaphore(%arg22 : memref<!tpu.dma_semaphore, #tpu.memory_space<semaphore_mem>>) src(%dma_wait3A_32 : memref<80xi32, #tpu.memory_space<hbm>>) dst(%arg7 : memref<80xi32, #tpu.memory_space<vmem>>)
    %dma_wait3A_33 = tpu.memref_slice %arg3[%add3A] : memref<320000xi32, #tpu.memory_space<hbm>> -> memref<80xi32, #tpu.memory_space<hbm>>
    %dma_wait3A_34 = tpu.memref_slice %arg3[%add3A] : memref<320000xi32, #tpu.memory_space<hbm>> -> memref<80xi32, #tpu.memory_space<hbm>>
    tpu.wait_dma2 semaphore(%arg22 : memref<!tpu.dma_semaphore, #tpu.memory_space<semaphore_mem>>) src(%dma_wait3A_34 : memref<80xi32, #tpu.memory_space<hbm>>) dst(%arg11 : memref<80xi32, #tpu.memory_space<vmem>>)
    %dma_start3A_35 = arith.constant 0 : i32
    %dma_start3A_36 = arith.constant 0 : i32
    %dma_start3A_37 = tpu.memref_slice %arg2[%dma_start3A_35, %dma_start3A_36] : memref<10000x128xf32, #tpu.memory_space<hbm>> -> memref<10000x128xf32, #tpu.memory_space<hbm>>
    tpu.enqueue_indirect_dma source(%dma_start3A_37 : memref<10000x128xf32, #tpu.memory_space<hbm>>) target(%arg15 : memref<80x128xf32, #tpu.memory_space<vmem>>) offsets(%arg7 : memref<80xi32, #tpu.memory_space<vmem>>) semaphore(%arg19 : memref<!tpu.dma_semaphore, #tpu.memory_space<semaphore_mem>>)
    %dma_wait3A_38 = arith.constant 0 : i32
    %dma_wait3A_39 = arith.constant 0 : i32
    %dma_wait3A_40 = tpu.memref_slice %arg2[%dma_wait3A_38, %dma_wait3A_39] : memref<10000x128xf32, #tpu.memory_space<hbm>> -> memref<10000x128xf32, #tpu.memory_space<hbm>>
    tpu.wait_indirect_dma semaphore(%arg19 : memref<!tpu.dma_semaphore, #tpu.memory_space<semaphore_mem>>) src(%dma_wait3A_40 : memref<10000x128xf32, #tpu.memory_space<hbm>>) dst(%arg15 : memref<80x128xf32, #tpu.memory_space<vmem>>)
    %dma_start3A_41 = arith.constant 0 : i32
    %dma_start3A_42 = arith.constant 0 : i32
    %dma_start3A_43 = tpu.memref_slice %arg18[%dma_start3A_41, %dma_start3A_42] : memref<10240x128xf32, #tpu.memory_space<vmem_shared>> -> memref<10240x128xf32, #tpu.memory_space<vmem_shared>>
    tpu.enqueue_indirect_dma source(%arg15 : memref<80x128xf32, #tpu.memory_space<vmem>>) target(%dma_start3A_43 : memref<10240x128xf32, #tpu.memory_space<vmem_shared>>) offsets(%arg11 : memref<80xi32, #tpu.memory_space<vmem>>) semaphore(%arg20 : memref<!tpu.dma_semaphore, #tpu.memory_space<semaphore_mem>>) {add = true}
    %add3A_44 = arith.constant 240 : i32
    %add3A_45 = arith.addi %add3A, %add3A_44 : i32
    %dma_start3A_46 = tpu.memref_slice %arg3[%add3A_45] : memref<320000xi32, #tpu.memory_space<hbm>> -> memref<80xi32, #tpu.memory_space<hbm>>
    %dma_start3A_47 = tpu.memref_slice %arg3[%add3A_45] : memref<320000xi32, #tpu.memory_space<hbm>> -> memref<80xi32, #tpu.memory_space<hbm>>
    tpu.enqueue_dma source(%dma_start3A_47 : memref<80xi32, #tpu.memory_space<hbm>>) target(%arg10 : memref<80xi32, #tpu.memory_space<vmem>>) target_semaphore(%arg25 : memref<!tpu.dma_semaphore, #tpu.memory_space<semaphore_mem>>)
    %add3A_48 = arith.constant 240 : i32
    %add3A_49 = arith.addi %add3A, %add3A_48 : i32
    %dma_start3A_50 = tpu.memref_slice %arg4[%add3A_49] : memref<320000xi32, #tpu.memory_space<hbm>> -> memref<80xi32, #tpu.memory_space<hbm>>
    %dma_start3A_51 = tpu.memref_slice %arg4[%add3A_49] : memref<320000xi32, #tpu.memory_space<hbm>> -> memref<80xi32, #tpu.memory_space<hbm>>
    tpu.enqueue_dma source(%dma_start3A_51 : memref<80xi32, #tpu.memory_space<hbm>>) target(%arg14 : memref<80xi32, #tpu.memory_space<vmem>>) target_semaphore(%arg25 : memref<!tpu.dma_semaphore, #tpu.memory_space<semaphore_mem>>)
    %dma_wait3A_52 = tpu.memref_slice %arg3[%add3A] : memref<320000xi32, #tpu.memory_space<hbm>> -> memref<80xi32, #tpu.memory_space<hbm>>
    %dma_wait3A_53 = tpu.memref_slice %arg3[%add3A] : memref<320000xi32, #tpu.memory_space<hbm>> -> memref<80xi32, #tpu.memory_space<hbm>>
    tpu.wait_dma2 semaphore(%arg23 : memref<!tpu.dma_semaphore, #tpu.memory_space<semaphore_mem>>) src(%dma_wait3A_53 : memref<80xi32, #tpu.memory_space<hbm>>) dst(%arg8 : memref<80xi32, #tpu.memory_space<vmem>>)
    %dma_wait3A_54 = tpu.memref_slice %arg3[%add3A] : memref<320000xi32, #tpu.memory_space<hbm>> -> memref<80xi32, #tpu.memory_space<hbm>>
    %dma_wait3A_55 = tpu.memref_slice %arg3[%add3A] : memref<320000xi32, #tpu.memory_space<hbm>> -> memref<80xi32, #tpu.memory_space<hbm>>
    tpu.wait_dma2 semaphore(%arg23 : memref<!tpu.dma_semaphore, #tpu.memory_space<semaphore_mem>>) src(%dma_wait3A_55 : memref<80xi32, #tpu.memory_space<hbm>>) dst(%arg12 : memref<80xi32, #tpu.memory_space<vmem>>)
    %dma_start3A_56 = arith.constant 0 : i32
    %dma_start3A_57 = arith.constant 0 : i32
    %dma_start3A_58 = tpu.memref_slice %arg2[%dma_start3A_56, %dma_start3A_57] : memref<10000x128xf32, #tpu.memory_space<hbm>> -> memref<10000x128xf32, #tpu.memory_space<hbm>>
    tpu.enqueue_indirect_dma source(%dma_start3A_58 : memref<10000x128xf32, #tpu.memory_space<hbm>>) target(%arg16 : memref<80x128xf32, #tpu.memory_space<vmem>>) offsets(%arg8 : memref<80xi32, #tpu.memory_space<vmem>>) semaphore(%arg19 : memref<!tpu.dma_semaphore, #tpu.memory_space<semaphore_mem>>)
    %dma_wait3A_59 = arith.constant 0 : i32
    %dma_wait3A_60 = arith.constant 0 : i32
    %dma_wait3A_61 = tpu.memref_slice %arg2[%dma_wait3A_59, %dma_wait3A_60] : memref<10000x128xf32, #tpu.memory_space<hbm>> -> memref<10000x128xf32, #tpu.memory_space<hbm>>
    tpu.wait_indirect_dma semaphore(%arg19 : memref<!tpu.dma_semaphore, #tpu.memory_space<semaphore_mem>>) src(%dma_wait3A_61 : memref<10000x128xf32, #tpu.memory_space<hbm>>) dst(%arg16 : memref<80x128xf32, #tpu.memory_space<vmem>>)
    %dma_start3A_62 = arith.constant 0 : i32
    %dma_start3A_63 = arith.constant 0 : i32
    %dma_start3A_64 = tpu.memref_slice %arg18[%dma_start3A_62, %dma_start3A_63] : memref<10240x128xf32, #tpu.memory_space<vmem_shared>> -> memref<10240x128xf32, #tpu.memory_space<vmem_shared>>
    tpu.enqueue_indirect_dma source(%arg16 : memref<80x128xf32, #tpu.memory_space<vmem>>) target(%dma_start3A_64 : memref<10240x128xf32, #tpu.memory_space<vmem_shared>>) offsets(%arg12 : memref<80xi32, #tpu.memory_space<vmem>>) semaphore(%arg21 : memref<!tpu.dma_semaphore, #tpu.memory_space<semaphore_mem>>) {add = true}
    %dma_wait3A_65 = arith.constant 0 : i32
    %dma_wait3A_66 = arith.constant 0 : i32
    %dma_wait3A_67 = tpu.memref_slice %arg5[%dma_wait3A_65, %dma_wait3A_66] : memref<128x128xf32, #tpu.memory_space<hbm>> -> memref<80x128xf32, #tpu.memory_space<hbm>>
    %dma_wait3A_68 = arith.constant 0 : i32
    %dma_wait3A_69 = arith.constant 0 : i32
    %dma_wait3A_70 = tpu.memref_slice %arg5[%dma_wait3A_68, %dma_wait3A_69] : memref<128x128xf32, #tpu.memory_space<hbm>> -> memref<80x128xf32, #tpu.memory_space<hbm>>
    tpu.wait_dma2 semaphore(%arg20 : memref<!tpu.dma_semaphore, #tpu.memory_space<semaphore_mem>>) src(%dma_wait3A_70 : memref<80x128xf32, #tpu.memory_space<hbm>>) dst(%arg15 : memref<80x128xf32, #tpu.memory_space<vmem>>)
    %add3A_71 = arith.constant 320 : i32
    %add3A_72 = arith.addi %add3A, %add3A_71 : i32
    %dma_start3A_73 = tpu.memref_slice %arg3[%add3A_72] : memref<320000xi32, #tpu.memory_space<hbm>> -> memref<80xi32, #tpu.memory_space<hbm>>
    %dma_start3A_74 = tpu.memref_slice %arg3[%add3A_72] : memref<320000xi32, #tpu.memory_space<hbm>> -> memref<80xi32, #tpu.memory_space<hbm>>
    tpu.enqueue_dma source(%dma_start3A_74 : memref<80xi32, #tpu.memory_space<hbm>>) target(%arg7 : memref<80xi32, #tpu.memory_space<vmem>>) target_semaphore(%arg22 : memref<!tpu.dma_semaphore, #tpu.memory_space<semaphore_mem>>)
    %add3A_75 = arith.constant 320 : i32
    %add3A_76 = arith.addi %add3A, %add3A_75 : i32
    %dma_start3A_77 = tpu.memref_slice %arg4[%add3A_76] : memref<320000xi32, #tpu.memory_space<hbm>> -> memref<80xi32, #tpu.memory_space<hbm>>
    %dma_start3A_78 = tpu.memref_slice %arg4[%add3A_76] : memref<320000xi32, #tpu.memory_space<hbm>> -> memref<80xi32, #tpu.memory_space<hbm>>
    tpu.enqueue_dma source(%dma_start3A_78 : memref<80xi32, #tpu.memory_space<hbm>>) target(%arg11 : memref<80xi32, #tpu.memory_space<vmem>>) target_semaphore(%arg22 : memref<!tpu.dma_semaphore, #tpu.memory_space<semaphore_mem>>)
    %dma_wait3A_79 = tpu.memref_slice %arg3[%add3A] : memref<320000xi32, #tpu.memory_space<hbm>> -> memref<80xi32, #tpu.memory_space<hbm>>
    %dma_wait3A_80 = tpu.memref_slice %arg3[%add3A] : memref<320000xi32, #tpu.memory_space<hbm>> -> memref<80xi32, #tpu.memory_space<hbm>>
    tpu.wait_dma2 semaphore(%arg24 : memref<!tpu.dma_semaphore, #tpu.memory_space<semaphore_mem>>) src(%dma_wait3A_80 : memref<80xi32, #tpu.memory_space<hbm>>) dst(%arg9 : memref<80xi32, #tpu.memory_space<vmem>>)
    %dma_wait3A_81 = tpu.memref_slice %arg3[%add3A] : memref<320000xi32, #tpu.memory_space<hbm>> -> memref<80xi32, #tpu.memory_space<hbm>>
    %dma_wait3A_82 = tpu.memref_slice %arg3[%add3A] : memref<320000xi32, #tpu.memory_space<hbm>> -> memref<80xi32, #tpu.memory_space<hbm>>
    tpu.wait_dma2 semaphore(%arg24 : memref<!tpu.dma_semaphore, #tpu.memory_space<semaphore_mem>>) src(%dma_wait3A_82 : memref<80xi32, #tpu.memory_space<hbm>>) dst(%arg13 : memref<80xi32, #tpu.memory_space<vmem>>)
    %dma_start3A_83 = arith.constant 0 : i32
    %dma_start3A_84 = arith.constant 0 : i32
    %dma_start3A_85 = tpu.memref_slice %arg2[%dma_start3A_83, %dma_start3A_84] : memref<10000x128xf32, #tpu.memory_space<hbm>> -> memref<10000x128xf32, #tpu.memory_space<hbm>>
    tpu.enqueue_indirect_dma source(%dma_start3A_85 : memref<10000x128xf32, #tpu.memory_space<hbm>>) target(%arg15 : memref<80x128xf32, #tpu.memory_space<vmem>>) offsets(%arg9 : memref<80xi32, #tpu.memory_space<vmem>>) semaphore(%arg19 : memref<!tpu.dma_semaphore, #tpu.memory_space<semaphore_mem>>)
    %dma_wait3A_86 = arith.constant 0 : i32
    %dma_wait3A_87 = arith.constant 0 : i32
    %dma_wait3A_88 = tpu.memref_slice %arg2[%dma_wait3A_86, %dma_wait3A_87] : memref<10000x128xf32, #tpu.memory_space<hbm>> -> memref<10000x128xf32, #tpu.memory_space<hbm>>
    tpu.wait_indirect_dma semaphore(%arg19 : memref<!tpu.dma_semaphore, #tpu.memory_space<semaphore_mem>>) src(%dma_wait3A_88 : memref<10000x128xf32, #tpu.memory_space<hbm>>) dst(%arg15 : memref<80x128xf32, #tpu.memory_space<vmem>>)
    %dma_start3A_89 = arith.constant 0 : i32
    %dma_start3A_90 = arith.constant 0 : i32
    %dma_start3A_91 = tpu.memref_slice %arg18[%dma_start3A_89, %dma_start3A_90] : memref<10240x128xf32, #tpu.memory_space<vmem_shared>> -> memref<10240x128xf32, #tpu.memory_space<vmem_shared>>
    tpu.enqueue_indirect_dma source(%arg15 : memref<80x128xf32, #tpu.memory_space<vmem>>) target(%dma_start3A_91 : memref<10240x128xf32, #tpu.memory_space<vmem_shared>>) offsets(%arg13 : memref<80xi32, #tpu.memory_space<vmem>>) semaphore(%arg20 : memref<!tpu.dma_semaphore, #tpu.memory_space<semaphore_mem>>) {add = true}
    %dma_wait3A_92 = arith.constant 0 : i32
    %dma_wait3A_93 = arith.constant 0 : i32
    %dma_wait3A_94 = tpu.memref_slice %arg5[%dma_wait3A_92, %dma_wait3A_93] : memref<128x128xf32, #tpu.memory_space<hbm>> -> memref<80x128xf32, #tpu.memory_space<hbm>>
    %dma_wait3A_95 = arith.constant 0 : i32
    %dma_wait3A_96 = arith.constant 0 : i32
    %dma_wait3A_97 = tpu.memref_slice %arg5[%dma_wait3A_95, %dma_wait3A_96] : memref<128x128xf32, #tpu.memory_space<hbm>> -> memref<80x128xf32, #tpu.memory_space<hbm>>
    tpu.wait_dma2 semaphore(%arg21 : memref<!tpu.dma_semaphore, #tpu.memory_space<semaphore_mem>>) src(%dma_wait3A_97 : memref<80x128xf32, #tpu.memory_space<hbm>>) dst(%arg16 : memref<80x128xf32, #tpu.memory_space<vmem>>)
    %add3A_98 = arith.constant 400 : i32
    %add3A_99 = arith.addi %add3A, %add3A_98 : i32
    %dma_start3A_100 = tpu.memref_slice %arg3[%add3A_99] : memref<320000xi32, #tpu.memory_space<hbm>> -> memref<80xi32, #tpu.memory_space<hbm>>
    %dma_start3A_101 = tpu.memref_slice %arg3[%add3A_99] : memref<320000xi32, #tpu.memory_space<hbm>> -> memref<80xi32, #tpu.memory_space<hbm>>
    tpu.enqueue_dma source(%dma_start3A_101 : memref<80xi32, #tpu.memory_space<hbm>>) target(%arg8 : memref<80xi32, #tpu.memory_space<vmem>>) target_semaphore(%arg23 : memref<!tpu.dma_semaphore, #tpu.memory_space<semaphore_mem>>)
    %add3A_102 = arith.constant 400 : i32
    %add3A_103 = arith.addi %add3A, %add3A_102 : i32
    %dma_start3A_104 = tpu.memref_slice %arg4[%add3A_103] : memref<320000xi32, #tpu.memory_space<hbm>> -> memref<80xi32, #tpu.memory_space<hbm>>
    %dma_start3A_105 = tpu.memref_slice %arg4[%add3A_103] : memref<320000xi32, #tpu.memory_space<hbm>> -> memref<80xi32, #tpu.memory_space<hbm>>
    tpu.enqueue_dma source(%dma_start3A_105 : memref<80xi32, #tpu.memory_space<hbm>>) target(%arg12 : memref<80xi32, #tpu.memory_space<vmem>>) target_semaphore(%arg23 : memref<!tpu.dma_semaphore, #tpu.memory_space<semaphore_mem>>)
    %dma_wait3A_106 = tpu.memref_slice %arg3[%add3A] : memref<320000xi32, #tpu.memory_space<hbm>> -> memref<80xi32, #tpu.memory_space<hbm>>
    %dma_wait3A_107 = tpu.memref_slice %arg3[%add3A] : memref<320000xi32, #tpu.memory_space<hbm>> -> memref<80xi32, #tpu.memory_space<hbm>>
    tpu.wait_dma2 semaphore(%arg25 : memref<!tpu.dma_semaphore, #tpu.memory_space<semaphore_mem>>) src(%dma_wait3A_107 : memref<80xi32, #tpu.memory_space<hbm>>) dst(%arg10 : memref<80xi32, #tpu.memory_space<vmem>>)
    %dma_wait3A_108 = tpu.memref_slice %arg3[%add3A] : memref<320000xi32, #tpu.memory_space<hbm>> -> memref<80xi32, #tpu.memory_space<hbm>>
    %dma_wait3A_109 = tpu.memref_slice %arg3[%add3A] : memref<320000xi32, #tpu.memory_space<hbm>> -> memref<80xi32, #tpu.memory_space<hbm>>
    tpu.wait_dma2 semaphore(%arg25 : memref<!tpu.dma_semaphore, #tpu.memory_space<semaphore_mem>>) src(%dma_wait3A_109 : memref<80xi32, #tpu.memory_space<hbm>>) dst(%arg14 : memref<80xi32, #tpu.memory_space<vmem>>)
    %dma_start3A_110 = arith.constant 0 : i32
    %dma_start3A_111 = arith.constant 0 : i32
    %dma_start3A_112 = tpu.memref_slice %arg2[%dma_start3A_110, %dma_start3A_111] : memref<10000x128xf32, #tpu.memory_space<hbm>> -> memref<10000x128xf32, #tpu.memory_space<hbm>>
    tpu.enqueue_indirect_dma source(%dma_start3A_112 : memref<10000x128xf32, #tpu.memory_space<hbm>>) target(%arg16 : memref<80x128xf32, #tpu.memory_space<vmem>>) offsets(%arg10 : memref<80xi32, #tpu.memory_space<vmem>>) semaphore(%arg19 : memref<!tpu.dma_semaphore, #tpu.memory_space<semaphore_mem>>)
    %dma_wait3A_113 = arith.constant 0 : i32
    %dma_wait3A_114 = arith.constant 0 : i32
    %dma_wait3A_115 = tpu.memref_slice %arg2[%dma_wait3A_113, %dma_wait3A_114] : memref<10000x128xf32, #tpu.memory_space<hbm>> -> memref<10000x128xf32, #tpu.memory_space<hbm>>
    tpu.wait_indirect_dma semaphore(%arg19 : memref<!tpu.dma_semaphore, #tpu.memory_space<semaphore_mem>>) src(%dma_wait3A_115 : memref<10000x128xf32, #tpu.memory_space<hbm>>) dst(%arg16 : memref<80x128xf32, #tpu.memory_space<vmem>>)
    %dma_start3A_116 = arith.constant 0 : i32
    %dma_start3A_117 = arith.constant 0 : i32
    %dma_start3A_118 = tpu.memref_slice %arg18[%dma_start3A_116, %dma_start3A_117] : memref<10240x128xf32, #tpu.memory_space<vmem_shared>> -> memref<10240x128xf32, #tpu.memory_space<vmem_shared>>
    tpu.enqueue_indirect_dma source(%arg16 : memref<80x128xf32, #tpu.memory_space<vmem>>) target(%dma_start3A_118 : memref<10240x128xf32, #tpu.memory_space<vmem_shared>>) offsets(%arg14 : memref<80xi32, #tpu.memory_space<vmem>>) semaphore(%arg21 : memref<!tpu.dma_semaphore, #tpu.memory_space<semaphore_mem>>) {add = true}
    %scan3A_119 = arith.constant 0 : i32
    %scan3A_120 = arith.constant 30 : i32
    %scan3A_121 = arith.addi %scan3A_119, %scan3A_120 : i32
    %scan3A_122 = arith.constant 1 : i32
    scf.for %scan3A_164 = %scan3A_119 to %scan3A_121 step %scan3A_122  : i32 {
      %mul3A_165 = arith.constant 4 : i32
      %mul3A_166 = arith.muli %scan3A_164, %mul3A_165 : i32
      %add3A_167 = arith.constant 4 : i32
      %add3A_168 = arith.addi %add3A_167, %mul3A_166 : i32
      %add3A_169 = arith.constant 0 : i32
      %add3A_170 = arith.addi %add3A_168, %add3A_169 : i32
      %dma_wait3A_171 = arith.constant 0 : i32
      %dma_wait3A_172 = arith.constant 0 : i32
      %dma_wait3A_173 = tpu.memref_slice %arg5[%dma_wait3A_171, %dma_wait3A_172] : memref<128x128xf32, #tpu.memory_space<hbm>> -> memref<80x128xf32, #tpu.memory_space<hbm>>
      %dma_wait3A_174 = arith.constant 0 : i32
      %dma_wait3A_175 = arith.constant 0 : i32
      %dma_wait3A_176 = tpu.memref_slice %arg5[%dma_wait3A_174, %dma_wait3A_175] : memref<128x128xf32, #tpu.memory_space<hbm>> -> memref<80x128xf32, #tpu.memory_space<hbm>>
      tpu.wait_dma2 semaphore(%arg20 : memref<!tpu.dma_semaphore, #tpu.memory_space<semaphore_mem>>) src(%dma_wait3A_176 : memref<80x128xf32, #tpu.memory_space<hbm>>) dst(%arg15 : memref<80x128xf32, #tpu.memory_space<vmem>>)
      %add3A_177 = arith.constant 2 : i32
      %add3A_178 = arith.addi %add3A_170, %add3A_177 : i32
      %lt3A = arith.constant 125 : i32
      %lt3A_179 = arith.cmpi slt, %add3A_178, %lt3A : i32
      %convert_element_type3A = arith.extui %lt3A_179 : i1 to i32
      %cond3A = arith.constant 0 : i32
      %cond3A_180 = arith.cmpi ne, %convert_element_type3A, %cond3A : i32
      scf.if %cond3A_180 {
        %add3A_278 = arith.constant 2 : i32
        %add3A_279 = arith.addi %add3A_170, %add3A_278 : i32
        %mul3A_280 = arith.constant 80 : i32
        %mul3A_281 = arith.muli %add3A_279, %mul3A_280 : i32
        %add3A_282 = arith.addi %add3A, %mul3A_281 : i32
        %dma_start3A_283 = tpu.memref_slice %arg3[%add3A_282] : memref<320000xi32, #tpu.memory_space<hbm>> -> memref<80xi32, #tpu.memory_space<hbm>>
        %dma_start3A_284 = tpu.memref_slice %arg3[%add3A_282] : memref<320000xi32, #tpu.memory_space<hbm>> -> memref<80xi32, #tpu.memory_space<hbm>>
        tpu.enqueue_dma source(%dma_start3A_284 : memref<80xi32, #tpu.memory_space<hbm>>) target(%arg9 : memref<80xi32, #tpu.memory_space<vmem>>) target_semaphore(%arg24 : memref<!tpu.dma_semaphore, #tpu.memory_space<semaphore_mem>>)
        %mul3A_285 = arith.constant 80 : i32
        %mul3A_286 = arith.muli %add3A_279, %mul3A_285 : i32
        %add3A_287 = arith.addi %add3A, %mul3A_286 : i32
        %dma_start3A_288 = tpu.memref_slice %arg4[%add3A_287] : memref<320000xi32, #tpu.memory_space<hbm>> -> memref<80xi32, #tpu.memory_space<hbm>>
        %dma_start3A_289 = tpu.memref_slice %arg4[%add3A_287] : memref<320000xi32, #tpu.memory_space<hbm>> -> memref<80xi32, #tpu.memory_space<hbm>>
        tpu.enqueue_dma source(%dma_start3A_289 : memref<80xi32, #tpu.memory_space<hbm>>) target(%arg13 : memref<80xi32, #tpu.memory_space<vmem>>) target_semaphore(%arg24 : memref<!tpu.dma_semaphore, #tpu.memory_space<semaphore_mem>>)
      } else {
      }
      %dma_wait3A_181 = tpu.memref_slice %arg3[%add3A] : memref<320000xi32, #tpu.memory_space<hbm>> -> memref<80xi32, #tpu.memory_space<hbm>>
      %dma_wait3A_182 = tpu.memref_slice %arg3[%add3A] : memref<320000xi32, #tpu.memory_space<hbm>> -> memref<80xi32, #tpu.memory_space<hbm>>
      tpu.wait_dma2 semaphore(%arg22 : memref<!tpu.dma_semaphore, #tpu.memory_space<semaphore_mem>>) src(%dma_wait3A_182 : memref<80xi32, #tpu.memory_space<hbm>>) dst(%arg7 : memref<80xi32, #tpu.memory_space<vmem>>)
      %dma_wait3A_183 = tpu.memref_slice %arg3[%add3A] : memref<320000xi32, #tpu.memory_space<hbm>> -> memref<80xi32, #tpu.memory_space<hbm>>
      %dma_wait3A_184 = tpu.memref_slice %arg3[%add3A] : memref<320000xi32, #tpu.memory_space<hbm>> -> memref<80xi32, #tpu.memory_space<hbm>>
      tpu.wait_dma2 semaphore(%arg22 : memref<!tpu.dma_semaphore, #tpu.memory_space<semaphore_mem>>) src(%dma_wait3A_184 : memref<80xi32, #tpu.memory_space<hbm>>) dst(%arg11 : memref<80xi32, #tpu.memory_space<vmem>>)
      %dma_start3A_185 = arith.constant 0 : i32
      %dma_start3A_186 = arith.constant 0 : i32
      %dma_start3A_187 = tpu.memref_slice %arg2[%dma_start3A_185, %dma_start3A_186] : memref<10000x128xf32, #tpu.memory_space<hbm>> -> memref<10000x128xf32, #tpu.memory_space<hbm>>
      tpu.enqueue_indirect_dma source(%dma_start3A_187 : memref<10000x128xf32, #tpu.memory_space<hbm>>) target(%arg15 : memref<80x128xf32, #tpu.memory_space<vmem>>) offsets(%arg7 : memref<80xi32, #tpu.memory_space<vmem>>) semaphore(%arg19 : memref<!tpu.dma_semaphore, #tpu.memory_space<semaphore_mem>>)
      %dma_wait3A_188 = arith.constant 0 : i32
      %dma_wait3A_189 = arith.constant 0 : i32
      %dma_wait3A_190 = tpu.memref_slice %arg2[%dma_wait3A_188, %dma_wait3A_189] : memref<10000x128xf32, #tpu.memory_space<hbm>> -> memref<10000x128xf32, #tpu.memory_space<hbm>>
      tpu.wait_indirect_dma semaphore(%arg19 : memref<!tpu.dma_semaphore, #tpu.memory_space<semaphore_mem>>) src(%dma_wait3A_190 : memref<10000x128xf32, #tpu.memory_space<hbm>>) dst(%arg15 : memref<80x128xf32, #tpu.memory_space<vmem>>)
      %dma_start3A_191 = arith.constant 0 : i32
      %dma_start3A_192 = arith.constant 0 : i32
      %dma_start3A_193 = tpu.memref_slice %arg18[%dma_start3A_191, %dma_start3A_192] : memref<10240x128xf32, #tpu.memory_space<vmem_shared>> -> memref<10240x128xf32, #tpu.memory_space<vmem_shared>>
      tpu.enqueue_indirect_dma source(%arg15 : memref<80x128xf32, #tpu.memory_space<vmem>>) target(%dma_start3A_193 : memref<10240x128xf32, #tpu.memory_space<vmem_shared>>) offsets(%arg11 : memref<80xi32, #tpu.memory_space<vmem>>) semaphore(%arg20 : memref<!tpu.dma_semaphore, #tpu.memory_space<semaphore_mem>>) {add = true}
      %add3A_194 = arith.constant 1 : i32
      %add3A_195 = arith.addi %add3A_168, %add3A_194 : i32
      %dma_wait3A_196 = arith.constant 0 : i32
      %dma_wait3A_197 = arith.constant 0 : i32
      %dma_wait3A_198 = tpu.memref_slice %arg5[%dma_wait3A_196, %dma_wait3A_197] : memref<128x128xf32, #tpu.memory_space<hbm>> -> memref<80x128xf32, #tpu.memory_space<hbm>>
      %dma_wait3A_199 = arith.constant 0 : i32
      %dma_wait3A_200 = arith.constant 0 : i32
      %dma_wait3A_201 = tpu.memref_slice %arg5[%dma_wait3A_199, %dma_wait3A_200] : memref<128x128xf32, #tpu.memory_space<hbm>> -> memref<80x128xf32, #tpu.memory_space<hbm>>
      tpu.wait_dma2 semaphore(%arg21 : memref<!tpu.dma_semaphore, #tpu.memory_space<semaphore_mem>>) src(%dma_wait3A_201 : memref<80x128xf32, #tpu.memory_space<hbm>>) dst(%arg16 : memref<80x128xf32, #tpu.memory_space<vmem>>)
      %add3A_202 = arith.constant 2 : i32
      %add3A_203 = arith.addi %add3A_195, %add3A_202 : i32
      %lt3A_204 = arith.constant 125 : i32
      %lt3A_205 = arith.cmpi slt, %add3A_203, %lt3A_204 : i32
      %convert_element_type3A_206 = arith.extui %lt3A_205 : i1 to i32
      %cond3A_207 = arith.constant 0 : i32
      %cond3A_208 = arith.cmpi ne, %convert_element_type3A_206, %cond3A_207 : i32
      scf.if %cond3A_208 {
        %add3A_278 = arith.constant 2 : i32
        %add3A_279 = arith.addi %add3A_195, %add3A_278 : i32
        %mul3A_280 = arith.constant 80 : i32
        %mul3A_281 = arith.muli %add3A_279, %mul3A_280 : i32
        %add3A_282 = arith.addi %add3A, %mul3A_281 : i32
        %dma_start3A_283 = tpu.memref_slice %arg3[%add3A_282] : memref<320000xi32, #tpu.memory_space<hbm>> -> memref<80xi32, #tpu.memory_space<hbm>>
        %dma_start3A_284 = tpu.memref_slice %arg3[%add3A_282] : memref<320000xi32, #tpu.memory_space<hbm>> -> memref<80xi32, #tpu.memory_space<hbm>>
        tpu.enqueue_dma source(%dma_start3A_284 : memref<80xi32, #tpu.memory_space<hbm>>) target(%arg10 : memref<80xi32, #tpu.memory_space<vmem>>) target_semaphore(%arg25 : memref<!tpu.dma_semaphore, #tpu.memory_space<semaphore_mem>>)
        %mul3A_285 = arith.constant 80 : i32
        %mul3A_286 = arith.muli %add3A_279, %mul3A_285 : i32
        %add3A_287 = arith.addi %add3A, %mul3A_286 : i32
        %dma_start3A_288 = tpu.memref_slice %arg4[%add3A_287] : memref<320000xi32, #tpu.memory_space<hbm>> -> memref<80xi32, #tpu.memory_space<hbm>>
        %dma_start3A_289 = tpu.memref_slice %arg4[%add3A_287] : memref<320000xi32, #tpu.memory_space<hbm>> -> memref<80xi32, #tpu.memory_space<hbm>>
        tpu.enqueue_dma source(%dma_start3A_289 : memref<80xi32, #tpu.memory_space<hbm>>) target(%arg14 : memref<80xi32, #tpu.memory_space<vmem>>) target_semaphore(%arg25 : memref<!tpu.dma_semaphore, #tpu.memory_space<semaphore_mem>>)
      } else {
      }
      %dma_wait3A_209 = tpu.memref_slice %arg3[%add3A] : memref<320000xi32, #tpu.memory_space<hbm>> -> memref<80xi32, #tpu.memory_space<hbm>>
      %dma_wait3A_210 = tpu.memref_slice %arg3[%add3A] : memref<320000xi32, #tpu.memory_space<hbm>> -> memref<80xi32, #tpu.memory_space<hbm>>
      tpu.wait_dma2 semaphore(%arg23 : memref<!tpu.dma_semaphore, #tpu.memory_space<semaphore_mem>>) src(%dma_wait3A_210 : memref<80xi32, #tpu.memory_space<hbm>>) dst(%arg8 : memref<80xi32, #tpu.memory_space<vmem>>)
      %dma_wait3A_211 = tpu.memref_slice %arg3[%add3A] : memref<320000xi32, #tpu.memory_space<hbm>> -> memref<80xi32, #tpu.memory_space<hbm>>
      %dma_wait3A_212 = tpu.memref_slice %arg3[%add3A] : memref<320000xi32, #tpu.memory_space<hbm>> -> memref<80xi32, #tpu.memory_space<hbm>>
      tpu.wait_dma2 semaphore(%arg23 : memref<!tpu.dma_semaphore, #tpu.memory_space<semaphore_mem>>) src(%dma_wait3A_212 : memref<80xi32, #tpu.memory_space<hbm>>) dst(%arg12 : memref<80xi32, #tpu.memory_space<vmem>>)
      %dma_start3A_213 = arith.constant 0 : i32
      %dma_start3A_214 = arith.constant 0 : i32
      %dma_start3A_215 = tpu.memref_slice %arg2[%dma_start3A_213, %dma_start3A_214] : memref<10000x128xf32, #tpu.memory_space<hbm>> -> memref<10000x128xf32, #tpu.memory_space<hbm>>
      tpu.enqueue_indirect_dma source(%dma_start3A_215 : memref<10000x128xf32, #tpu.memory_space<hbm>>) target(%arg16 : memref<80x128xf32, #tpu.memory_space<vmem>>) offsets(%arg8 : memref<80xi32, #tpu.memory_space<vmem>>) semaphore(%arg19 : memref<!tpu.dma_semaphore, #tpu.memory_space<semaphore_mem>>)
      %dma_wait3A_216 = arith.constant 0 : i32
      %dma_wait3A_217 = arith.constant 0 : i32
      %dma_wait3A_218 = tpu.memref_slice %arg2[%dma_wait3A_216, %dma_wait3A_217] : memref<10000x128xf32, #tpu.memory_space<hbm>> -> memref<10000x128xf32, #tpu.memory_space<hbm>>
      tpu.wait_indirect_dma semaphore(%arg19 : memref<!tpu.dma_semaphore, #tpu.memory_space<semaphore_mem>>) src(%dma_wait3A_218 : memref<10000x128xf32, #tpu.memory_space<hbm>>) dst(%arg16 : memref<80x128xf32, #tpu.memory_space<vmem>>)
      %dma_start3A_219 = arith.constant 0 : i32
      %dma_start3A_220 = arith.constant 0 : i32
      %dma_start3A_221 = tpu.memref_slice %arg18[%dma_start3A_219, %dma_start3A_220] : memref<10240x128xf32, #tpu.memory_space<vmem_shared>> -> memref<10240x128xf32, #tpu.memory_space<vmem_shared>>
      tpu.enqueue_indirect_dma source(%arg16 : memref<80x128xf32, #tpu.memory_space<vmem>>) target(%dma_start3A_221 : memref<10240x128xf32, #tpu.memory_space<vmem_shared>>) offsets(%arg12 : memref<80xi32, #tpu.memory_space<vmem>>) semaphore(%arg21 : memref<!tpu.dma_semaphore, #tpu.memory_space<semaphore_mem>>) {add = true}
      %add3A_222 = arith.constant 2 : i32
      %add3A_223 = arith.addi %add3A_168, %add3A_222 : i32
      %dma_wait3A_224 = arith.constant 0 : i32
      %dma_wait3A_225 = arith.constant 0 : i32
      %dma_wait3A_226 = tpu.memref_slice %arg5[%dma_wait3A_224, %dma_wait3A_225] : memref<128x128xf32, #tpu.memory_space<hbm>> -> memref<80x128xf32, #tpu.memory_space<hbm>>
      %dma_wait3A_227 = arith.constant 0 : i32
      %dma_wait3A_228 = arith.constant 0 : i32
      %dma_wait3A_229 = tpu.memref_slice %arg5[%dma_wait3A_227, %dma_wait3A_228] : memref<128x128xf32, #tpu.memory_space<hbm>> -> memref<80x128xf32, #tpu.memory_space<hbm>>
      tpu.wait_dma2 semaphore(%arg20 : memref<!tpu.dma_semaphore, #tpu.memory_space<semaphore_mem>>) src(%dma_wait3A_229 : memref<80x128xf32, #tpu.memory_space<hbm>>) dst(%arg15 : memref<80x128xf32, #tpu.memory_space<vmem>>)
      %add3A_230 = arith.constant 2 : i32
      %add3A_231 = arith.addi %add3A_223, %add3A_230 : i32
      %lt3A_232 = arith.constant 125 : i32
      %lt3A_233 = arith.cmpi slt, %add3A_231, %lt3A_232 : i32
      %convert_element_type3A_234 = arith.extui %lt3A_233 : i1 to i32
      %cond3A_235 = arith.constant 0 : i32
      %cond3A_236 = arith.cmpi ne, %convert_element_type3A_234, %cond3A_235 : i32
      scf.if %cond3A_236 {
        %add3A_278 = arith.constant 2 : i32
        %add3A_279 = arith.addi %add3A_223, %add3A_278 : i32
        %mul3A_280 = arith.constant 80 : i32
        %mul3A_281 = arith.muli %add3A_279, %mul3A_280 : i32
        %add3A_282 = arith.addi %add3A, %mul3A_281 : i32
        %dma_start3A_283 = tpu.memref_slice %arg3[%add3A_282] : memref<320000xi32, #tpu.memory_space<hbm>> -> memref<80xi32, #tpu.memory_space<hbm>>
        %dma_start3A_284 = tpu.memref_slice %arg3[%add3A_282] : memref<320000xi32, #tpu.memory_space<hbm>> -> memref<80xi32, #tpu.memory_space<hbm>>
        tpu.enqueue_dma source(%dma_start3A_284 : memref<80xi32, #tpu.memory_space<hbm>>) target(%arg7 : memref<80xi32, #tpu.memory_space<vmem>>) target_semaphore(%arg22 : memref<!tpu.dma_semaphore, #tpu.memory_space<semaphore_mem>>)
        %mul3A_285 = arith.constant 80 : i32
        %mul3A_286 = arith.muli %add3A_279, %mul3A_285 : i32
        %add3A_287 = arith.addi %add3A, %mul3A_286 : i32
        %dma_start3A_288 = tpu.memref_slice %arg4[%add3A_287] : memref<320000xi32, #tpu.memory_space<hbm>> -> memref<80xi32, #tpu.memory_space<hbm>>
        %dma_start3A_289 = tpu.memref_slice %arg4[%add3A_287] : memref<320000xi32, #tpu.memory_space<hbm>> -> memref<80xi32, #tpu.memory_space<hbm>>
        tpu.enqueue_dma source(%dma_start3A_289 : memref<80xi32, #tpu.memory_space<hbm>>) target(%arg11 : memref<80xi32, #tpu.memory_space<vmem>>) target_semaphore(%arg22 : memref<!tpu.dma_semaphore, #tpu.memory_space<semaphore_mem>>)
      } else {
      }
      %dma_wait3A_237 = tpu.memref_slice %arg3[%add3A] : memref<320000xi32, #tpu.memory_space<hbm>> -> memref<80xi32, #tpu.memory_space<hbm>>
      %dma_wait3A_238 = tpu.memref_slice %arg3[%add3A] : memref<320000xi32, #tpu.memory_space<hbm>> -> memref<80xi32, #tpu.memory_space<hbm>>
      tpu.wait_dma2 semaphore(%arg24 : memref<!tpu.dma_semaphore, #tpu.memory_space<semaphore_mem>>) src(%dma_wait3A_238 : memref<80xi32, #tpu.memory_space<hbm>>) dst(%arg9 : memref<80xi32, #tpu.memory_space<vmem>>)
      %dma_wait3A_239 = tpu.memref_slice %arg3[%add3A] : memref<320000xi32, #tpu.memory_space<hbm>> -> memref<80xi32, #tpu.memory_space<hbm>>
      %dma_wait3A_240 = tpu.memref_slice %arg3[%add3A] : memref<320000xi32, #tpu.memory_space<hbm>> -> memref<80xi32, #tpu.memory_space<hbm>>
      tpu.wait_dma2 semaphore(%arg24 : memref<!tpu.dma_semaphore, #tpu.memory_space<semaphore_mem>>) src(%dma_wait3A_240 : memref<80xi32, #tpu.memory_space<hbm>>) dst(%arg13 : memref<80xi32, #tpu.memory_space<vmem>>)
      %dma_start3A_241 = arith.constant 0 : i32
      %dma_start3A_242 = arith.constant 0 : i32
      %dma_start3A_243 = tpu.memref_slice %arg2[%dma_start3A_241, %dma_start3A_242] : memref<10000x128xf32, #tpu.memory_space<hbm>> -> memref<10000x128xf32, #tpu.memory_space<hbm>>
      tpu.enqueue_indirect_dma source(%dma_start3A_243 : memref<10000x128xf32, #tpu.memory_space<hbm>>) target(%arg15 : memref<80x128xf32, #tpu.memory_space<vmem>>) offsets(%arg9 : memref<80xi32, #tpu.memory_space<vmem>>) semaphore(%arg19 : memref<!tpu.dma_semaphore, #tpu.memory_space<semaphore_mem>>)
      %dma_wait3A_244 = arith.constant 0 : i32
      %dma_wait3A_245 = arith.constant 0 : i32
      %dma_wait3A_246 = tpu.memref_slice %arg2[%dma_wait3A_244, %dma_wait3A_245] : memref<10000x128xf32, #tpu.memory_space<hbm>> -> memref<10000x128xf32, #tpu.memory_space<hbm>>
      tpu.wait_indirect_dma semaphore(%arg19 : memref<!tpu.dma_semaphore, #tpu.memory_space<semaphore_mem>>) src(%dma_wait3A_246 : memref<10000x128xf32, #tpu.memory_space<hbm>>) dst(%arg15 : memref<80x128xf32, #tpu.memory_space<vmem>>)
      %dma_start3A_247 = arith.constant 0 : i32
      %dma_start3A_248 = arith.constant 0 : i32
      %dma_start3A_249 = tpu.memref_slice %arg18[%dma_start3A_247, %dma_start3A_248] : memref<10240x128xf32, #tpu.memory_space<vmem_shared>> -> memref<10240x128xf32, #tpu.memory_space<vmem_shared>>
      tpu.enqueue_indirect_dma source(%arg15 : memref<80x128xf32, #tpu.memory_space<vmem>>) target(%dma_start3A_249 : memref<10240x128xf32, #tpu.memory_space<vmem_shared>>) offsets(%arg13 : memref<80xi32, #tpu.memory_space<vmem>>) semaphore(%arg20 : memref<!tpu.dma_semaphore, #tpu.memory_space<semaphore_mem>>) {add = true}
      %add3A_250 = arith.constant 3 : i32
      %add3A_251 = arith.addi %add3A_168, %add3A_250 : i32
      %dma_wait3A_252 = arith.constant 0 : i32
      %dma_wait3A_253 = arith.constant 0 : i32
      %dma_wait3A_254 = tpu.memref_slice %arg5[%dma_wait3A_252, %dma_wait3A_253] : memref<128x128xf32, #tpu.memory_space<hbm>> -> memref<80x128xf32, #tpu.memory_space<hbm>>
      %dma_wait3A_255 = arith.constant 0 : i32
      %dma_wait3A_256 = arith.constant 0 : i32
      %dma_wait3A_257 = tpu.memref_slice %arg5[%dma_wait3A_255, %dma_wait3A_256] : memref<128x128xf32, #tpu.memory_space<hbm>> -> memref<80x128xf32, #tpu.memory_space<hbm>>
      tpu.wait_dma2 semaphore(%arg21 : memref<!tpu.dma_semaphore, #tpu.memory_space<semaphore_mem>>) src(%dma_wait3A_257 : memref<80x128xf32, #tpu.memory_space<hbm>>) dst(%arg16 : memref<80x128xf32, #tpu.memory_space<vmem>>)
      %add3A_258 = arith.constant 2 : i32
      %add3A_259 = arith.addi %add3A_251, %add3A_258 : i32
      %lt3A_260 = arith.constant 125 : i32
      %lt3A_261 = arith.cmpi slt, %add3A_259, %lt3A_260 : i32
      %convert_element_type3A_262 = arith.extui %lt3A_261 : i1 to i32
      %cond3A_263 = arith.constant 0 : i32
      %cond3A_264 = arith.cmpi ne, %convert_element_type3A_262, %cond3A_263 : i32
      scf.if %cond3A_264 {
        %add3A_278 = arith.constant 2 : i32
        %add3A_279 = arith.addi %add3A_251, %add3A_278 : i32
        %mul3A_280 = arith.constant 80 : i32
        %mul3A_281 = arith.muli %add3A_279, %mul3A_280 : i32
        %add3A_282 = arith.addi %add3A, %mul3A_281 : i32
        %dma_start3A_283 = tpu.memref_slice %arg3[%add3A_282] : memref<320000xi32, #tpu.memory_space<hbm>> -> memref<80xi32, #tpu.memory_space<hbm>>
        %dma_start3A_284 = tpu.memref_slice %arg3[%add3A_282] : memref<320000xi32, #tpu.memory_space<hbm>> -> memref<80xi32, #tpu.memory_space<hbm>>
        tpu.enqueue_dma source(%dma_start3A_284 : memref<80xi32, #tpu.memory_space<hbm>>) target(%arg8 : memref<80xi32, #tpu.memory_space<vmem>>) target_semaphore(%arg23 : memref<!tpu.dma_semaphore, #tpu.memory_space<semaphore_mem>>)
        %mul3A_285 = arith.constant 80 : i32
        %mul3A_286 = arith.muli %add3A_279, %mul3A_285 : i32
        %add3A_287 = arith.addi %add3A, %mul3A_286 : i32
        %dma_start3A_288 = tpu.memref_slice %arg4[%add3A_287] : memref<320000xi32, #tpu.memory_space<hbm>> -> memref<80xi32, #tpu.memory_space<hbm>>
        %dma_start3A_289 = tpu.memref_slice %arg4[%add3A_287] : memref<320000xi32, #tpu.memory_space<hbm>> -> memref<80xi32, #tpu.memory_space<hbm>>
        tpu.enqueue_dma source(%dma_start3A_289 : memref<80xi32, #tpu.memory_space<hbm>>) target(%arg12 : memref<80xi32, #tpu.memory_space<vmem>>) target_semaphore(%arg23 : memref<!tpu.dma_semaphore, #tpu.memory_space<semaphore_mem>>)
      } else {
      }
      %dma_wait3A_265 = tpu.memref_slice %arg3[%add3A] : memref<320000xi32, #tpu.memory_space<hbm>> -> memref<80xi32, #tpu.memory_space<hbm>>
      %dma_wait3A_266 = tpu.memref_slice %arg3[%add3A] : memref<320000xi32, #tpu.memory_space<hbm>> -> memref<80xi32, #tpu.memory_space<hbm>>
      tpu.wait_dma2 semaphore(%arg25 : memref<!tpu.dma_semaphore, #tpu.memory_space<semaphore_mem>>) src(%dma_wait3A_266 : memref<80xi32, #tpu.memory_space<hbm>>) dst(%arg10 : memref<80xi32, #tpu.memory_space<vmem>>)
      %dma_wait3A_267 = tpu.memref_slice %arg3[%add3A] : memref<320000xi32, #tpu.memory_space<hbm>> -> memref<80xi32, #tpu.memory_space<hbm>>
      %dma_wait3A_268 = tpu.memref_slice %arg3[%add3A] : memref<320000xi32, #tpu.memory_space<hbm>> -> memref<80xi32, #tpu.memory_space<hbm>>
      tpu.wait_dma2 semaphore(%arg25 : memref<!tpu.dma_semaphore, #tpu.memory_space<semaphore_mem>>) src(%dma_wait3A_268 : memref<80xi32, #tpu.memory_space<hbm>>) dst(%arg14 : memref<80xi32, #tpu.memory_space<vmem>>)
      %dma_start3A_269 = arith.constant 0 : i32
      %dma_start3A_270 = arith.constant 0 : i32
      %dma_start3A_271 = tpu.memref_slice %arg2[%dma_start3A_269, %dma_start3A_270] : memref<10000x128xf32, #tpu.memory_space<hbm>> -> memref<10000x128xf32, #tpu.memory_space<hbm>>
      tpu.enqueue_indirect_dma source(%dma_start3A_271 : memref<10000x128xf32, #tpu.memory_space<hbm>>) target(%arg16 : memref<80x128xf32, #tpu.memory_space<vmem>>) offsets(%arg10 : memref<80xi32, #tpu.memory_space<vmem>>) semaphore(%arg19 : memref<!tpu.dma_semaphore, #tpu.memory_space<semaphore_mem>>)
      %dma_wait3A_272 = arith.constant 0 : i32
      %dma_wait3A_273 = arith.constant 0 : i32
      %dma_wait3A_274 = tpu.memref_slice %arg2[%dma_wait3A_272, %dma_wait3A_273] : memref<10000x128xf32, #tpu.memory_space<hbm>> -> memref<10000x128xf32, #tpu.memory_space<hbm>>
      tpu.wait_indirect_dma semaphore(%arg19 : memref<!tpu.dma_semaphore, #tpu.memory_space<semaphore_mem>>) src(%dma_wait3A_274 : memref<10000x128xf32, #tpu.memory_space<hbm>>) dst(%arg16 : memref<80x128xf32, #tpu.memory_space<vmem>>)
      %dma_start3A_275 = arith.constant 0 : i32
      %dma_start3A_276 = arith.constant 0 : i32
      %dma_start3A_277 = tpu.memref_slice %arg18[%dma_start3A_275, %dma_start3A_276] : memref<10240x128xf32, #tpu.memory_space<vmem_shared>> -> memref<10240x128xf32, #tpu.memory_space<vmem_shared>>
      tpu.enqueue_indirect_dma source(%arg16 : memref<80x128xf32, #tpu.memory_space<vmem>>) target(%dma_start3A_277 : memref<10240x128xf32, #tpu.memory_space<vmem_shared>>) offsets(%arg14 : memref<80xi32, #tpu.memory_space<vmem>>) semaphore(%arg21 : memref<!tpu.dma_semaphore, #tpu.memory_space<semaphore_mem>>) {add = true}
    }
    %scan3A_123 = arith.constant 30 : i32
    %dma_wait3A_124 = arith.constant 0 : i32
    %dma_wait3A_125 = arith.constant 0 : i32
    %dma_wait3A_126 = tpu.memref_slice %arg5[%dma_wait3A_124, %dma_wait3A_125] : memref<128x128xf32, #tpu.memory_space<hbm>> -> memref<80x128xf32, #tpu.memory_space<hbm>>
    %dma_wait3A_127 = arith.constant 0 : i32
    %dma_wait3A_128 = arith.constant 0 : i32
    %dma_wait3A_129 = tpu.memref_slice %arg5[%dma_wait3A_127, %dma_wait3A_128] : memref<128x128xf32, #tpu.memory_space<hbm>> -> memref<80x128xf32, #tpu.memory_space<hbm>>
    tpu.wait_dma2 semaphore(%arg20 : memref<!tpu.dma_semaphore, #tpu.memory_space<semaphore_mem>>) src(%dma_wait3A_129 : memref<80x128xf32, #tpu.memory_space<hbm>>) dst(%arg15 : memref<80x128xf32, #tpu.memory_space<vmem>>)
    %dma_wait3A_130 = tpu.memref_slice %arg3[%add3A] : memref<320000xi32, #tpu.memory_space<hbm>> -> memref<80xi32, #tpu.memory_space<hbm>>
    %dma_wait3A_131 = tpu.memref_slice %arg3[%add3A] : memref<320000xi32, #tpu.memory_space<hbm>> -> memref<80xi32, #tpu.memory_space<hbm>>
    tpu.wait_dma2 semaphore(%arg22 : memref<!tpu.dma_semaphore, #tpu.memory_space<semaphore_mem>>) src(%dma_wait3A_131 : memref<80xi32, #tpu.memory_space<hbm>>) dst(%arg7 : memref<80xi32, #tpu.memory_space<vmem>>)
    %dma_wait3A_132 = tpu.memref_slice %arg3[%add3A] : memref<320000xi32, #tpu.memory_space<hbm>> -> memref<80xi32, #tpu.memory_space<hbm>>
    %dma_wait3A_133 = tpu.memref_slice %arg3[%add3A] : memref<320000xi32, #tpu.memory_space<hbm>> -> memref<80xi32, #tpu.memory_space<hbm>>
    tpu.wait_dma2 semaphore(%arg22 : memref<!tpu.dma_semaphore, #tpu.memory_space<semaphore_mem>>) src(%dma_wait3A_133 : memref<80xi32, #tpu.memory_space<hbm>>) dst(%arg11 : memref<80xi32, #tpu.memory_space<vmem>>)
    %dma_start3A_134 = arith.constant 0 : i32
    %dma_start3A_135 = arith.constant 0 : i32
    %dma_start3A_136 = tpu.memref_slice %arg2[%dma_start3A_134, %dma_start3A_135] : memref<10000x128xf32, #tpu.memory_space<hbm>> -> memref<10000x128xf32, #tpu.memory_space<hbm>>
    tpu.enqueue_indirect_dma source(%dma_start3A_136 : memref<10000x128xf32, #tpu.memory_space<hbm>>) target(%arg15 : memref<80x128xf32, #tpu.memory_space<vmem>>) offsets(%arg7 : memref<80xi32, #tpu.memory_space<vmem>>) semaphore(%arg19 : memref<!tpu.dma_semaphore, #tpu.memory_space<semaphore_mem>>)
    %dma_wait3A_137 = arith.constant 0 : i32
    %dma_wait3A_138 = arith.constant 0 : i32
    %dma_wait3A_139 = tpu.memref_slice %arg2[%dma_wait3A_137, %dma_wait3A_138] : memref<10000x128xf32, #tpu.memory_space<hbm>> -> memref<10000x128xf32, #tpu.memory_space<hbm>>
    tpu.wait_indirect_dma semaphore(%arg19 : memref<!tpu.dma_semaphore, #tpu.memory_space<semaphore_mem>>) src(%dma_wait3A_139 : memref<10000x128xf32, #tpu.memory_space<hbm>>) dst(%arg15 : memref<80x128xf32, #tpu.memory_space<vmem>>)
    %dma_start3A_140 = arith.constant 0 : i32
    %dma_start3A_141 = arith.constant 0 : i32
    %dma_start3A_142 = tpu.memref_slice %arg18[%dma_start3A_140, %dma_start3A_141] : memref<10240x128xf32, #tpu.memory_space<vmem_shared>> -> memref<10240x128xf32, #tpu.memory_space<vmem_shared>>
    tpu.enqueue_indirect_dma source(%arg15 : memref<80x128xf32, #tpu.memory_space<vmem>>) target(%dma_start3A_142 : memref<10240x128xf32, #tpu.memory_space<vmem_shared>>) offsets(%arg11 : memref<80xi32, #tpu.memory_space<vmem>>) semaphore(%arg20 : memref<!tpu.dma_semaphore, #tpu.memory_space<semaphore_mem>>) {add = true}
    %dma_wait3A_143 = arith.constant 0 : i32
    %dma_wait3A_144 = arith.constant 0 : i32
    %dma_wait3A_145 = tpu.memref_slice %arg5[%dma_wait3A_143, %dma_wait3A_144] : memref<128x128xf32, #tpu.memory_space<hbm>> -> memref<80x128xf32, #tpu.memory_space<hbm>>
    %dma_wait3A_146 = arith.constant 0 : i32
    %dma_wait3A_147 = arith.constant 0 : i32
    %dma_wait3A_148 = tpu.memref_slice %arg5[%dma_wait3A_146, %dma_wait3A_147] : memref<128x128xf32, #tpu.memory_space<hbm>> -> memref<80x128xf32, #tpu.memory_space<hbm>>
    tpu.wait_dma2 semaphore(%arg21 : memref<!tpu.dma_semaphore, #tpu.memory_space<semaphore_mem>>) src(%dma_wait3A_148 : memref<80x128xf32, #tpu.memory_space<hbm>>) dst(%arg16 : memref<80x128xf32, #tpu.memory_space<vmem>>)
    %dma_wait3A_149 = arith.constant 0 : i32
    %dma_wait3A_150 = arith.constant 0 : i32
    %dma_wait3A_151 = tpu.memref_slice %arg5[%dma_wait3A_149, %dma_wait3A_150] : memref<128x128xf32, #tpu.memory_space<hbm>> -> memref<80x128xf32, #tpu.memory_space<hbm>>
    %dma_wait3A_152 = arith.constant 0 : i32
    %dma_wait3A_153 = arith.constant 0 : i32
    %dma_wait3A_154 = tpu.memref_slice %arg5[%dma_wait3A_152, %dma_wait3A_153] : memref<128x128xf32, #tpu.memory_space<hbm>> -> memref<80x128xf32, #tpu.memory_space<hbm>>
    tpu.wait_dma2 semaphore(%arg20 : memref<!tpu.dma_semaphore, #tpu.memory_space<semaphore_mem>>) src(%dma_wait3A_154 : memref<80x128xf32, #tpu.memory_space<hbm>>) dst(%arg15 : memref<80x128xf32, #tpu.memory_space<vmem>>)
    %barrier3A_155 = arith.constant 0 : index
    tpu.barrier barrier_id(%barrier3A_155)
    %mul3A_156 = arith.constant 10240 : i32
    %mul3A_157 = arith.muli %arg0, %mul3A_156 : i32
    %add3A_158 = arith.addi %mul3A_157, %mul3A_0 : i32
    %scan3A_159 = arith.constant 0 : i32
    %scan3A_160 = arith.constant 5 : i32
    %scan3A_161 = arith.addi %scan3A_159, %scan3A_160 : i32
    %scan3A_162 = arith.constant 1 : i32
    scf.for %scan3A_164 = %scan3A_159 to %scan3A_161 step %scan3A_162  : i32 {
      %mul3A_165 = arith.constant 128 : i32
      %mul3A_166 = arith.muli %scan3A_164, %mul3A_165 : i32
      %add3A_167 = arith.constant 0 : i32
      %add3A_168 = arith.addi %add3A_167, %mul3A_166 : i32
      %add3A_169 = arith.addi %mul3A_0, %add3A_168 : i32
      "tpu.region"() ({
        %run_scoped3A = tpu.sem_alloc : memref<!tpu.dma_semaphore, #tpu.memory_space<semaphore_mem>>
        %dma_start3A_171 = arith.constant 0 : i32
        %dma_start3A_172 = tpu.memref_slice %arg18[%add3A_169, %dma_start3A_171] : memref<10240x128xf32, #tpu.memory_space<vmem_shared>> -> memref<128x128xf32, #tpu.memory_space<vmem_shared>>
        %dma_start3A_173 = arith.constant 0 : i32
        %dma_start3A_174 = tpu.memref_slice %arg18[%add3A_169, %dma_start3A_173] : memref<10240x128xf32, #tpu.memory_space<vmem_shared>> -> memref<128x128xf32, #tpu.memory_space<vmem_shared>>
        tpu.enqueue_dma source(%dma_start3A_174 : memref<128x128xf32, #tpu.memory_space<vmem_shared>>) target(%arg17 : memref<128x128xf32, #tpu.memory_space<vmem>>) target_semaphore(%run_scoped3A : memref<!tpu.dma_semaphore, #tpu.memory_space<semaphore_mem>>)
        %dma_wait3A_175 = arith.constant 0 : i32
        %dma_wait3A_176 = tpu.memref_slice %arg18[%add3A_169, %dma_wait3A_175] : memref<10240x128xf32, #tpu.memory_space<vmem_shared>> -> memref<128x128xf32, #tpu.memory_space<vmem_shared>>
        %dma_wait3A_177 = arith.constant 0 : i32
        %dma_wait3A_178 = tpu.memref_slice %arg18[%add3A_169, %dma_wait3A_177] : memref<10240x128xf32, #tpu.memory_space<vmem_shared>> -> memref<128x128xf32, #tpu.memory_space<vmem_shared>>
        tpu.wait_dma2 semaphore(%run_scoped3A : memref<!tpu.dma_semaphore, #tpu.memory_space<semaphore_mem>>) src(%dma_wait3A_178 : memref<128x128xf32, #tpu.memory_space<vmem_shared>>) dst(%arg17 : memref<128x128xf32, #tpu.memory_space<vmem>>)
        tpu.yield
      }) : () -> ()
      %add3A_170 = arith.addi %add3A_158, %add3A_168 : i32
      "tpu.region"() ({
        %run_scoped3A = tpu.sem_alloc : memref<!tpu.dma_semaphore, #tpu.memory_space<semaphore_mem>>
        %dma_start3A_171 = arith.constant 0 : i32
        %dma_start3A_172 = tpu.memref_slice %arg6[%add3A_170, %dma_start3A_171] : memref<20480x128xf32, #tpu.memory_space<hbm>> -> memref<128x128xf32, #tpu.memory_space<hbm>>
        %dma_start3A_173 = arith.constant 0 : i32
        %dma_start3A_174 = tpu.memref_slice %arg6[%add3A_170, %dma_start3A_173] : memref<20480x128xf32, #tpu.memory_space<hbm>> -> memref<128x128xf32, #tpu.memory_space<hbm>>
        tpu.enqueue_dma source(%arg17 : memref<128x128xf32, #tpu.memory_space<vmem>>) target(%dma_start3A_174 : memref<128x128xf32, #tpu.memory_space<hbm>>) target_semaphore(%run_scoped3A : memref<!tpu.dma_semaphore, #tpu.memory_space<semaphore_mem>>)
        %dma_wait3A_175 = arith.constant 0 : i32
        %dma_wait3A_176 = tpu.memref_slice %arg6[%add3A_170, %dma_wait3A_175] : memref<20480x128xf32, #tpu.memory_space<hbm>> -> memref<128x128xf32, #tpu.memory_space<hbm>>
        %dma_wait3A_177 = arith.constant 0 : i32
        %dma_wait3A_178 = tpu.memref_slice %arg6[%add3A_170, %dma_wait3A_177] : memref<20480x128xf32, #tpu.memory_space<hbm>> -> memref<128x128xf32, #tpu.memory_space<hbm>>
        tpu.wait_dma2 semaphore(%run_scoped3A : memref<!tpu.dma_semaphore, #tpu.memory_space<semaphore_mem>>) src(%arg17 : memref<128x128xf32, #tpu.memory_space<vmem>>) dst(%dma_wait3A_178 : memref<128x128xf32, #tpu.memory_space<hbm>>)
        tpu.yield
      }) : () -> ()
    }
    %scan3A_163 = arith.constant 5 : i32
    return
  }
}

#map = affine_map<(d0, d1) -> (0, 0, 0)>
#map1 = affine_map<(d0, d1) -> (0, 0)>
module attributes {stable_mosaic.version = 14 : i64} {
  func.func @body(%arg0: i32, %arg1: i32, %arg2: memref<32x80x128xi32, #tpu.memory_space<hbm>>, %arg3: memref<128x128xf32, #tpu.memory_space<hbm>>, %arg4: memref<128x128xf32, #tpu.memory_space<hbm>>, %arg5: memref<20480x128xf32, #tpu.memory_space<hbm>>, %arg6: memref<80x128xi32, #tpu.memory_space<vmem>>, %arg7: memref<128x128xf32, #tpu.memory_space<vmem>>, %arg8: memref<10240x128xf32, #tpu.memory_space<vmem_shared>>, %arg9: memref<!tpu.dma_semaphore, #tpu.memory_space<semaphore_mem>>, %arg10: memref<!tpu.dma_semaphore, #tpu.memory_space<semaphore_mem>>) attributes {dimension_semantics = [#tpu.dimension_semantics<core_parallel>, #tpu.dimension_semantics<subcore_parallel>], iteration_bounds = array<i64: 2, 16>, scalar_prefetch = 0 : i64, scratch_operands = 5 : i64, tpu.core_type = #tpu.core_type<sc_vector_subcore>, window_params = [{transform_indices = #map}, {transform_indices = #map1}, {transform_indices = #map1}, {transform_indices = #map1}]} {
    %mul3A = arith.constant 16 : i32
    %mul3A_0 = arith.muli %arg0, %mul3A : i32
    %add3A = arith.addi %mul3A_0, %arg1 : i32
    %mul3A_1 = arith.constant 640 : i32
    %mul3A_2 = arith.muli %arg1, %mul3A_1 : i32
    %dma_start3A = arith.constant 0 : i32
    %dma_start3A_3 = arith.constant 0 : i32
    %dma_start3A_4 = tpu.memref_slice %arg2[%add3A, %dma_start3A, %dma_start3A_3] : memref<32x80x128xi32, #tpu.memory_space<hbm>> -> memref<1x80x128xi32, #tpu.memory_space<hbm>>
    %dma_start3A_5 = tpu.memref_squeeze %dma_start3A_4 : memref<1x80x128xi32, #tpu.memory_space<hbm>> -> memref<80x128xi32, #tpu.memory_space<hbm>>
    %dma_start3A_6 = arith.constant 0 : i32
    %dma_start3A_7 = arith.constant 0 : i32
    %dma_start3A_8 = tpu.memref_slice %arg2[%add3A, %dma_start3A_6, %dma_start3A_7] : memref<32x80x128xi32, #tpu.memory_space<hbm>> -> memref<1x80x128xi32, #tpu.memory_space<hbm>>
    %dma_start3A_9 = tpu.memref_squeeze %dma_start3A_8 : memref<1x80x128xi32, #tpu.memory_space<hbm>> -> memref<80x128xi32, #tpu.memory_space<hbm>>
    tpu.enqueue_dma source(%dma_start3A_9 : memref<80x128xi32, #tpu.memory_space<hbm>>) target(%arg6 : memref<80x128xi32, #tpu.memory_space<vmem>>) target_semaphore(%arg10 : memref<!tpu.dma_semaphore, #tpu.memory_space<semaphore_mem>>)
    %dma_wait3A = arith.constant 0 : i32
    %dma_wait3A_10 = arith.constant 0 : i32
    %dma_wait3A_11 = tpu.memref_slice %arg2[%add3A, %dma_wait3A, %dma_wait3A_10] : memref<32x80x128xi32, #tpu.memory_space<hbm>> -> memref<1x80x128xi32, #tpu.memory_space<hbm>>
    %dma_wait3A_12 = tpu.memref_squeeze %dma_wait3A_11 : memref<1x80x128xi32, #tpu.memory_space<hbm>> -> memref<80x128xi32, #tpu.memory_space<hbm>>
    %dma_wait3A_13 = arith.constant 0 : i32
    %dma_wait3A_14 = arith.constant 0 : i32
    %dma_wait3A_15 = tpu.memref_slice %arg2[%add3A, %dma_wait3A_13, %dma_wait3A_14] : memref<32x80x128xi32, #tpu.memory_space<hbm>> -> memref<1x80x128xi32, #tpu.memory_space<hbm>>
    %dma_wait3A_16 = tpu.memref_squeeze %dma_wait3A_15 : memref<1x80x128xi32, #tpu.memory_space<hbm>> -> memref<80x128xi32, #tpu.memory_space<hbm>>
    tpu.wait_dma2 semaphore(%arg10 : memref<!tpu.dma_semaphore, #tpu.memory_space<semaphore_mem>>) src(%dma_wait3A_16 : memref<80x128xi32, #tpu.memory_space<hbm>>) dst(%arg6 : memref<80x128xi32, #tpu.memory_space<vmem>>)
    tpu.enqueue_dma source(%arg3 : memref<128x128xf32, #tpu.memory_space<hbm>>) target(%arg7 : memref<128x128xf32, #tpu.memory_space<vmem>>) target_semaphore(%arg10 : memref<!tpu.dma_semaphore, #tpu.memory_space<semaphore_mem>>)
    tpu.wait_dma2 semaphore(%arg10 : memref<!tpu.dma_semaphore, #tpu.memory_space<semaphore_mem>>) src(%arg3 : memref<128x128xf32, #tpu.memory_space<hbm>>) dst(%arg7 : memref<128x128xf32, #tpu.memory_space<vmem>>)
    %scan3A = arith.constant 0 : i32
    %scan3A_17 = arith.constant 5 : i32
    %scan3A_18 = arith.addi %scan3A, %scan3A_17 : i32
    %scan3A_19 = arith.constant 1 : i32
    scf.for %scan3A_45 = %scan3A to %scan3A_18 step %scan3A_19  : i32 {
      %mul3A_46 = arith.constant 128 : i32
      %mul3A_47 = arith.muli %scan3A_45, %mul3A_46 : i32
      %add3A_48 = arith.constant 0 : i32
      %add3A_49 = arith.addi %add3A_48, %mul3A_47 : i32
      %add3A_50 = arith.addi %mul3A_2, %add3A_49 : i32
      "tpu.region"() ({
        %run_scoped3A = tpu.sem_alloc : memref<!tpu.dma_semaphore, #tpu.memory_space<semaphore_mem>>
        %dma_start3A_51 = arith.constant 0 : i32
        %dma_start3A_52 = tpu.memref_slice %arg8[%add3A_50, %dma_start3A_51] : memref<10240x128xf32, #tpu.memory_space<vmem_shared>> -> memref<128x128xf32, #tpu.memory_space<vmem_shared>>
        %dma_start3A_53 = arith.constant 0 : i32
        %dma_start3A_54 = tpu.memref_slice %arg8[%add3A_50, %dma_start3A_53] : memref<10240x128xf32, #tpu.memory_space<vmem_shared>> -> memref<128x128xf32, #tpu.memory_space<vmem_shared>>
        tpu.enqueue_dma source(%arg7 : memref<128x128xf32, #tpu.memory_space<vmem>>) target(%dma_start3A_54 : memref<128x128xf32, #tpu.memory_space<vmem_shared>>) target_semaphore(%run_scoped3A : memref<!tpu.dma_semaphore, #tpu.memory_space<semaphore_mem>>)
        %dma_wait3A_55 = arith.constant 0 : i32
        %dma_wait3A_56 = tpu.memref_slice %arg8[%add3A_50, %dma_wait3A_55] : memref<10240x128xf32, #tpu.memory_space<vmem_shared>> -> memref<128x128xf32, #tpu.memory_space<vmem_shared>>
        %dma_wait3A_57 = arith.constant 0 : i32
        %dma_wait3A_58 = tpu.memref_slice %arg8[%add3A_50, %dma_wait3A_57] : memref<10240x128xf32, #tpu.memory_space<vmem_shared>> -> memref<128x128xf32, #tpu.memory_space<vmem_shared>>
        tpu.wait_dma2 semaphore(%run_scoped3A : memref<!tpu.dma_semaphore, #tpu.memory_space<semaphore_mem>>) src(%arg7 : memref<128x128xf32, #tpu.memory_space<vmem>>) dst(%dma_wait3A_58 : memref<128x128xf32, #tpu.memory_space<vmem_shared>>)
        tpu.yield
      }) : () -> ()
    }
    %scan3A_20 = arith.constant 5 : i32
    %barrier3A = arith.constant 0 : index
    tpu.barrier barrier_id(%barrier3A)
    tpu.enqueue_dma source(%arg4 : memref<128x128xf32, #tpu.memory_space<hbm>>) target(%arg7 : memref<128x128xf32, #tpu.memory_space<vmem>>) target_semaphore(%arg10 : memref<!tpu.dma_semaphore, #tpu.memory_space<semaphore_mem>>)
    tpu.wait_dma2 semaphore(%arg10 : memref<!tpu.dma_semaphore, #tpu.memory_space<semaphore_mem>>) src(%arg4 : memref<128x128xf32, #tpu.memory_space<hbm>>) dst(%arg7 : memref<128x128xf32, #tpu.memory_space<vmem>>)
    %scan3A_21 = arith.constant 0 : i32
    %scan3A_22 = arith.constant 8 : i32
    %scan3A_23 = arith.addi %scan3A_21, %scan3A_22 : i32
    %scan3A_24 = arith.constant 1 : i32
    scf.for %scan3A_45 = %scan3A_21 to %scan3A_23 step %scan3A_24  : i32 {
      %mul3A_46 = arith.constant 1 : i32
      %mul3A_47 = arith.muli %scan3A_45, %mul3A_46 : i32
      %add3A_48 = arith.constant 0 : i32
      %add3A_49 = arith.addi %add3A_48, %mul3A_47 : i32
      %dma_start3A_50 = arith.constant 0 : i32
      %dma_start3A_51 = tpu.memref_slice %arg6[%add3A_49, %dma_start3A_50] : memref<80x128xi32, #tpu.memory_space<vmem>> -> memref<1x128xi32, #tpu.memory_space<vmem>>
      %dma_start3A_52 = tpu.memref_squeeze %dma_start3A_51 : memref<1x128xi32, #tpu.memory_space<vmem>> -> memref<128xi32, #tpu.memory_space<vmem>>
      %dma_start3A_53 = arith.constant 0 : i32
      %dma_start3A_54 = arith.constant 0 : i32
      %dma_start3A_55 = tpu.memref_slice %arg8[%dma_start3A_53, %dma_start3A_54] : memref<10240x128xf32, #tpu.memory_space<vmem_shared>> -> memref<10240x128xf32, #tpu.memory_space<vmem_shared>>
      tpu.enqueue_indirect_dma source(%arg7 : memref<128x128xf32, #tpu.memory_space<vmem>>) target(%dma_start3A_55 : memref<10240x128xf32, #tpu.memory_space<vmem_shared>>) offsets(%dma_start3A_52 : memref<128xi32, #tpu.memory_space<vmem>>) semaphore(%arg9 : memref<!tpu.dma_semaphore, #tpu.memory_space<semaphore_mem>>) {add = true}
    }
    %scan3A_25 = arith.constant 8 : i32
    %scan3A_26 = arith.constant 0 : i32
    %scan3A_27 = arith.constant 72 : i32
    %scan3A_28 = arith.addi %scan3A_26, %scan3A_27 : i32
    %scan3A_29 = arith.constant 1 : i32
    scf.for %scan3A_45 = %scan3A_26 to %scan3A_28 step %scan3A_29  : i32 {
      %mul3A_46 = arith.constant 1 : i32
      %mul3A_47 = arith.muli %scan3A_45, %mul3A_46 : i32
      %add3A_48 = arith.constant 8 : i32
      %add3A_49 = arith.addi %add3A_48, %mul3A_47 : i32
      tpu.wait_dma2 semaphore(%arg9 : memref<!tpu.dma_semaphore, #tpu.memory_space<semaphore_mem>>) src(%arg4 : memref<128x128xf32, #tpu.memory_space<hbm>>) dst(%arg7 : memref<128x128xf32, #tpu.memory_space<vmem>>)
      %dma_start3A_50 = arith.constant 0 : i32
      %dma_start3A_51 = tpu.memref_slice %arg6[%add3A_49, %dma_start3A_50] : memref<80x128xi32, #tpu.memory_space<vmem>> -> memref<1x128xi32, #tpu.memory_space<vmem>>
      %dma_start3A_52 = tpu.memref_squeeze %dma_start3A_51 : memref<1x128xi32, #tpu.memory_space<vmem>> -> memref<128xi32, #tpu.memory_space<vmem>>
      %dma_start3A_53 = arith.constant 0 : i32
      %dma_start3A_54 = arith.constant 0 : i32
      %dma_start3A_55 = tpu.memref_slice %arg8[%dma_start3A_53, %dma_start3A_54] : memref<10240x128xf32, #tpu.memory_space<vmem_shared>> -> memref<10240x128xf32, #tpu.memory_space<vmem_shared>>
      tpu.enqueue_indirect_dma source(%arg7 : memref<128x128xf32, #tpu.memory_space<vmem>>) target(%dma_start3A_55 : memref<10240x128xf32, #tpu.memory_space<vmem_shared>>) offsets(%dma_start3A_52 : memref<128xi32, #tpu.memory_space<vmem>>) semaphore(%arg9 : memref<!tpu.dma_semaphore, #tpu.memory_space<semaphore_mem>>) {add = true}
    }
    %scan3A_30 = arith.constant 72 : i32
    %scan3A_31 = arith.constant 0 : i32
    %scan3A_32 = arith.constant 8 : i32
    %scan3A_33 = arith.addi %scan3A_31, %scan3A_32 : i32
    %scan3A_34 = arith.constant 1 : i32
    scf.for %scan3A_45 = %scan3A_31 to %scan3A_33 step %scan3A_34  : i32 {
      %mul3A_46 = arith.constant 1 : i32
      %mul3A_47 = arith.muli %scan3A_45, %mul3A_46 : i32
      %add3A_48 = arith.constant 0 : i32
      %add3A_49 = arith.addi %add3A_48, %mul3A_47 : i32
      tpu.wait_dma2 semaphore(%arg9 : memref<!tpu.dma_semaphore, #tpu.memory_space<semaphore_mem>>) src(%arg4 : memref<128x128xf32, #tpu.memory_space<hbm>>) dst(%arg7 : memref<128x128xf32, #tpu.memory_space<vmem>>)
    }
    %scan3A_35 = arith.constant 8 : i32
    %barrier3A_36 = arith.constant 0 : index
    tpu.barrier barrier_id(%barrier3A_36)
    %mul3A_37 = arith.constant 10240 : i32
    %mul3A_38 = arith.muli %arg0, %mul3A_37 : i32
    %add3A_39 = arith.addi %mul3A_38, %mul3A_2 : i32
    %scan3A_40 = arith.constant 0 : i32
    %scan3A_41 = arith.constant 5 : i32
    %scan3A_42 = arith.addi %scan3A_40, %scan3A_41 : i32
    %scan3A_43 = arith.constant 1 : i32
    scf.for %scan3A_45 = %scan3A_40 to %scan3A_42 step %scan3A_43  : i32 {
      %mul3A_46 = arith.constant 128 : i32
      %mul3A_47 = arith.muli %scan3A_45, %mul3A_46 : i32
      %add3A_48 = arith.constant 0 : i32
      %add3A_49 = arith.addi %add3A_48, %mul3A_47 : i32
      %add3A_50 = arith.addi %mul3A_2, %add3A_49 : i32
      "tpu.region"() ({
        %run_scoped3A = tpu.sem_alloc : memref<!tpu.dma_semaphore, #tpu.memory_space<semaphore_mem>>
        %dma_start3A_52 = arith.constant 0 : i32
        %dma_start3A_53 = tpu.memref_slice %arg8[%add3A_50, %dma_start3A_52] : memref<10240x128xf32, #tpu.memory_space<vmem_shared>> -> memref<128x128xf32, #tpu.memory_space<vmem_shared>>
        %dma_start3A_54 = arith.constant 0 : i32
        %dma_start3A_55 = tpu.memref_slice %arg8[%add3A_50, %dma_start3A_54] : memref<10240x128xf32, #tpu.memory_space<vmem_shared>> -> memref<128x128xf32, #tpu.memory_space<vmem_shared>>
        tpu.enqueue_dma source(%dma_start3A_55 : memref<128x128xf32, #tpu.memory_space<vmem_shared>>) target(%arg7 : memref<128x128xf32, #tpu.memory_space<vmem>>) target_semaphore(%run_scoped3A : memref<!tpu.dma_semaphore, #tpu.memory_space<semaphore_mem>>)
        %dma_wait3A_56 = arith.constant 0 : i32
        %dma_wait3A_57 = tpu.memref_slice %arg8[%add3A_50, %dma_wait3A_56] : memref<10240x128xf32, #tpu.memory_space<vmem_shared>> -> memref<128x128xf32, #tpu.memory_space<vmem_shared>>
        %dma_wait3A_58 = arith.constant 0 : i32
        %dma_wait3A_59 = tpu.memref_slice %arg8[%add3A_50, %dma_wait3A_58] : memref<10240x128xf32, #tpu.memory_space<vmem_shared>> -> memref<128x128xf32, #tpu.memory_space<vmem_shared>>
        tpu.wait_dma2 semaphore(%run_scoped3A : memref<!tpu.dma_semaphore, #tpu.memory_space<semaphore_mem>>) src(%dma_wait3A_59 : memref<128x128xf32, #tpu.memory_space<vmem_shared>>) dst(%arg7 : memref<128x128xf32, #tpu.memory_space<vmem>>)
        tpu.yield
      }) : () -> ()
      %add3A_51 = arith.addi %add3A_39, %add3A_49 : i32
      "tpu.region"() ({
        %run_scoped3A = tpu.sem_alloc : memref<!tpu.dma_semaphore, #tpu.memory_space<semaphore_mem>>
        %dma_start3A_52 = arith.constant 0 : i32
        %dma_start3A_53 = tpu.memref_slice %arg5[%add3A_51, %dma_start3A_52] : memref<20480x128xf32, #tpu.memory_space<hbm>> -> memref<128x128xf32, #tpu.memory_space<hbm>>
        %dma_start3A_54 = arith.constant 0 : i32
        %dma_start3A_55 = tpu.memref_slice %arg5[%add3A_51, %dma_start3A_54] : memref<20480x128xf32, #tpu.memory_space<hbm>> -> memref<128x128xf32, #tpu.memory_space<hbm>>
        tpu.enqueue_dma source(%arg7 : memref<128x128xf32, #tpu.memory_space<vmem>>) target(%dma_start3A_55 : memref<128x128xf32, #tpu.memory_space<hbm>>) target_semaphore(%run_scoped3A : memref<!tpu.dma_semaphore, #tpu.memory_space<semaphore_mem>>)
        %dma_wait3A_56 = arith.constant 0 : i32
        %dma_wait3A_57 = tpu.memref_slice %arg5[%add3A_51, %dma_wait3A_56] : memref<20480x128xf32, #tpu.memory_space<hbm>> -> memref<128x128xf32, #tpu.memory_space<hbm>>
        %dma_wait3A_58 = arith.constant 0 : i32
        %dma_wait3A_59 = tpu.memref_slice %arg5[%add3A_51, %dma_wait3A_58] : memref<20480x128xf32, #tpu.memory_space<hbm>> -> memref<128x128xf32, #tpu.memory_space<hbm>>
        tpu.wait_dma2 semaphore(%run_scoped3A : memref<!tpu.dma_semaphore, #tpu.memory_space<semaphore_mem>>) src(%arg7 : memref<128x128xf32, #tpu.memory_space<vmem>>) dst(%dma_wait3A_59 : memref<128x128xf32, #tpu.memory_space<hbm>>)
        tpu.yield
      }) : () -> ()
    }
    %scan3A_44 = arith.constant 5 : i32
    return
  }
}

#map = affine_map<(d0, d1) -> (0, 0)>
#map1 = affine_map<(d0, d1) -> (0)>
module attributes {stable_mosaic.version = 14 : i64} {
  func.func @body(%arg0: i32, %arg1: i32, %arg2: memref<10000x128xf32, #tpu.memory_space<hbm>>, %arg3: memref<320000xi32, #tpu.memory_space<hbm>>, %arg4: memref<320000xi32, #tpu.memory_space<hbm>>, %arg5: memref<128x128xf32, #tpu.memory_space<hbm>>, %arg6: memref<20480x128xf32, #tpu.memory_space<hbm>>, %arg7: memref<80xi32, #tpu.memory_space<vmem>>, %arg8: memref<80xi32, #tpu.memory_space<vmem>>, %arg9: memref<80xi32, #tpu.memory_space<vmem>>, %arg10: memref<80xi32, #tpu.memory_space<vmem>>, %arg11: memref<80xi32, #tpu.memory_space<vmem>>, %arg12: memref<80xi32, #tpu.memory_space<vmem>>, %arg13: memref<80xi32, #tpu.memory_space<vmem>>, %arg14: memref<80xi32, #tpu.memory_space<vmem>>, %arg15: memref<80x128xf32, #tpu.memory_space<vmem>>, %arg16: memref<80x128xf32, #tpu.memory_space<vmem>>, %arg17: memref<128x128xf32, #tpu.memory_space<vmem>>, %arg18: memref<10240x128xf32, #tpu.memory_space<vmem_shared>>, %arg19: memref<!tpu.dma_semaphore, #tpu.memory_space<semaphore_mem>>, %arg20: memref<!tpu.dma_semaphore, #tpu.memory_space<semaphore_mem>>, %arg21: memref<!tpu.dma_semaphore, #tpu.memory_space<semaphore_mem>>, %arg22: memref<!tpu.dma_semaphore, #tpu.memory_space<semaphore_mem>>, %arg23: memref<!tpu.dma_semaphore, #tpu.memory_space<semaphore_mem>>, %arg24: memref<!tpu.dma_semaphore, #tpu.memory_space<semaphore_mem>>, %arg25: memref<!tpu.dma_semaphore, #tpu.memory_space<semaphore_mem>>, %arg26: memref<!tpu.dma_semaphore, #tpu.memory_space<semaphore_mem>>) attributes {dimension_semantics = [#tpu.dimension_semantics<core_parallel>, #tpu.dimension_semantics<subcore_parallel>], iteration_bounds = array<i64: 2, 16>, scalar_prefetch = 0 : i64, scratch_operands = 20 : i64, tpu.core_type = #tpu.core_type<sc_vector_subcore>, window_params = [{transform_indices = #map}, {transform_indices = #map1}, {transform_indices = #map1}, {transform_indices = #map}, {transform_indices = #map}]} {
    %mul3A = arith.constant 640 : i32
    %mul3A_0 = arith.muli %arg1, %mul3A : i32
    tpu.enqueue_dma source(%arg5 : memref<128x128xf32, #tpu.memory_space<hbm>>) target(%arg17 : memref<128x128xf32, #tpu.memory_space<vmem>>) target_semaphore(%arg26 : memref<!tpu.dma_semaphore, #tpu.memory_space<semaphore_mem>>)
    tpu.wait_dma2 semaphore(%arg26 : memref<!tpu.dma_semaphore, #tpu.memory_space<semaphore_mem>>) src(%arg5 : memref<128x128xf32, #tpu.memory_space<hbm>>) dst(%arg17 : memref<128x128xf32, #tpu.memory_space<vmem>>)
    %scan3A = arith.constant 0 : i32
    %scan3A_1 = arith.constant 5 : i32
    %scan3A_2 = arith.addi %scan3A, %scan3A_1 : i32
    %scan3A_3 = arith.constant 1 : i32
    scf.for %scan3A_164 = %scan3A to %scan3A_2 step %scan3A_3  : i32 {
      %mul3A_165 = arith.constant 128 : i32
      %mul3A_166 = arith.muli %scan3A_164, %mul3A_165 : i32
      %add3A_167 = arith.constant 0 : i32
      %add3A_168 = arith.addi %add3A_167, %mul3A_166 : i32
      %add3A_169 = arith.addi %mul3A_0, %add3A_168 : i32
      "tpu.region"() ({
        %run_scoped3A = tpu.sem_alloc : memref<!tpu.dma_semaphore, #tpu.memory_space<semaphore_mem>>
        %dma_start3A_170 = arith.constant 0 : i32
        %dma_start3A_171 = tpu.memref_slice %arg18[%add3A_169, %dma_start3A_170] : memref<10240x128xf32, #tpu.memory_space<vmem_shared>> -> memref<128x128xf32, #tpu.memory_space<vmem_shared>>
        %dma_start3A_172 = arith.constant 0 : i32
        %dma_start3A_173 = tpu.memref_slice %arg18[%add3A_169, %dma_start3A_172] : memref<10240x128xf32, #tpu.memory_space<vmem_shared>> -> memref<128x128xf32, #tpu.memory_space<vmem_shared>>
        tpu.enqueue_dma source(%arg17 : memref<128x128xf32, #tpu.memory_space<vmem>>) target(%dma_start3A_173 : memref<128x128xf32, #tpu.memory_space<vmem_shared>>) target_semaphore(%run_scoped3A : memref<!tpu.dma_semaphore, #tpu.memory_space<semaphore_mem>>)
        %dma_wait3A_174 = arith.constant 0 : i32
        %dma_wait3A_175 = tpu.memref_slice %arg18[%add3A_169, %dma_wait3A_174] : memref<10240x128xf32, #tpu.memory_space<vmem_shared>> -> memref<128x128xf32, #tpu.memory_space<vmem_shared>>
        %dma_wait3A_176 = arith.constant 0 : i32
        %dma_wait3A_177 = tpu.memref_slice %arg18[%add3A_169, %dma_wait3A_176] : memref<10240x128xf32, #tpu.memory_space<vmem_shared>> -> memref<128x128xf32, #tpu.memory_space<vmem_shared>>
        tpu.wait_dma2 semaphore(%run_scoped3A : memref<!tpu.dma_semaphore, #tpu.memory_space<semaphore_mem>>) src(%arg17 : memref<128x128xf32, #tpu.memory_space<vmem>>) dst(%dma_wait3A_177 : memref<128x128xf32, #tpu.memory_space<vmem_shared>>)
        tpu.yield
      }) : () -> ()
    }
    %scan3A_4 = arith.constant 5 : i32
    %barrier3A = arith.constant 0 : index
    tpu.barrier barrier_id(%barrier3A)
    %mul3A_5 = arith.constant 160000 : i32
    %mul3A_6 = arith.muli %arg0, %mul3A_5 : i32
    %mul3A_7 = arith.constant 10000 : i32
    %mul3A_8 = arith.muli %arg1, %mul3A_7 : i32
    %add3A = arith.addi %mul3A_6, %mul3A_8 : i32
    %add3A_9 = arith.constant 0 : i32
    %add3A_10 = arith.addi %add3A, %add3A_9 : i32
    %dma_start3A = tpu.memref_slice %arg3[%add3A_10] : memref<320000xi32, #tpu.memory_space<hbm>> -> memref<80xi32, #tpu.memory_space<hbm>>
    %dma_start3A_11 = tpu.memref_slice %arg3[%add3A_10] : memref<320000xi32, #tpu.memory_space<hbm>> -> memref<80xi32, #tpu.memory_space<hbm>>
    tpu.enqueue_dma source(%dma_start3A_11 : memref<80xi32, #tpu.memory_space<hbm>>) target(%arg7 : memref<80xi32, #tpu.memory_space<vmem>>) target_semaphore(%arg22 : memref<!tpu.dma_semaphore, #tpu.memory_space<semaphore_mem>>)
    %add3A_12 = arith.constant 0 : i32
    %add3A_13 = arith.addi %add3A, %add3A_12 : i32
    %dma_start3A_14 = tpu.memref_slice %arg4[%add3A_13] : memref<320000xi32, #tpu.memory_space<hbm>> -> memref<80xi32, #tpu.memory_space<hbm>>
    %dma_start3A_15 = tpu.memref_slice %arg4[%add3A_13] : memref<320000xi32, #tpu.memory_space<hbm>> -> memref<80xi32, #tpu.memory_space<hbm>>
    tpu.enqueue_dma source(%dma_start3A_15 : memref<80xi32, #tpu.memory_space<hbm>>) target(%arg11 : memref<80xi32, #tpu.memory_space<vmem>>) target_semaphore(%arg22 : memref<!tpu.dma_semaphore, #tpu.memory_space<semaphore_mem>>)
    %add3A_16 = arith.constant 80 : i32
    %add3A_17 = arith.addi %add3A, %add3A_16 : i32
    %dma_start3A_18 = tpu.memref_slice %arg3[%add3A_17] : memref<320000xi32, #tpu.memory_space<hbm>> -> memref<80xi32, #tpu.memory_space<hbm>>
    %dma_start3A_19 = tpu.memref_slice %arg3[%add3A_17] : memref<320000xi32, #tpu.memory_space<hbm>> -> memref<80xi32, #tpu.memory_space<hbm>>
    tpu.enqueue_dma source(%dma_start3A_19 : memref<80xi32, #tpu.memory_space<hbm>>) target(%arg8 : memref<80xi32, #tpu.memory_space<vmem>>) target_semaphore(%arg23 : memref<!tpu.dma_semaphore, #tpu.memory_space<semaphore_mem>>)
    %add3A_20 = arith.constant 80 : i32
    %add3A_21 = arith.addi %add3A, %add3A_20 : i32
    %dma_start3A_22 = tpu.memref_slice %arg4[%add3A_21] : memref<320000xi32, #tpu.memory_space<hbm>> -> memref<80xi32, #tpu.memory_space<hbm>>
    %dma_start3A_23 = tpu.memref_slice %arg4[%add3A_21] : memref<320000xi32, #tpu.memory_space<hbm>> -> memref<80xi32, #tpu.memory_space<hbm>>
    tpu.enqueue_dma source(%dma_start3A_23 : memref<80xi32, #tpu.memory_space<hbm>>) target(%arg12 : memref<80xi32, #tpu.memory_space<vmem>>) target_semaphore(%arg23 : memref<!tpu.dma_semaphore, #tpu.memory_space<semaphore_mem>>)
    %add3A_24 = arith.constant 160 : i32
    %add3A_25 = arith.addi %add3A, %add3A_24 : i32
    %dma_start3A_26 = tpu.memref_slice %arg3[%add3A_25] : memref<320000xi32, #tpu.memory_space<hbm>> -> memref<80xi32, #tpu.memory_space<hbm>>
    %dma_start3A_27 = tpu.memref_slice %arg3[%add3A_25] : memref<320000xi32, #tpu.memory_space<hbm>> -> memref<80xi32, #tpu.memory_space<hbm>>
    tpu.enqueue_dma source(%dma_start3A_27 : memref<80xi32, #tpu.memory_space<hbm>>) target(%arg9 : memref<80xi32, #tpu.memory_space<vmem>>) target_semaphore(%arg24 : memref<!tpu.dma_semaphore, #tpu.memory_space<semaphore_mem>>)
    %add3A_28 = arith.constant 160 : i32
    %add3A_29 = arith.addi %add3A, %add3A_28 : i32
    %dma_start3A_30 = tpu.memref_slice %arg4[%add3A_29] : memref<320000xi32, #tpu.memory_space<hbm>> -> memref<80xi32, #tpu.memory_space<hbm>>
    %dma_start3A_31 = tpu.memref_slice %arg4[%add3A_29] : memref<320000xi32, #tpu.memory_space<hbm>> -> memref<80xi32, #tpu.memory_space<hbm>>
    tpu.enqueue_dma source(%dma_start3A_31 : memref<80xi32, #tpu.memory_space<hbm>>) target(%arg13 : memref<80xi32, #tpu.memory_space<vmem>>) target_semaphore(%arg24 : memref<!tpu.dma_semaphore, #tpu.memory_space<semaphore_mem>>)
    %dma_wait3A = tpu.memref_slice %arg3[%add3A] : memref<320000xi32, #tpu.memory_space<hbm>> -> memref<80xi32, #tpu.memory_space<hbm>>
    %dma_wait3A_32 = tpu.memref_slice %arg3[%add3A] : memref<320000xi32, #tpu.memory_space<hbm>> -> memref<80xi32, #tpu.memory_space<hbm>>
    tpu.wait_dma2 semaphore(%arg22 : memref<!tpu.dma_semaphore, #tpu.memory_space<semaphore_mem>>) src(%dma_wait3A_32 : memref<80xi32, #tpu.memory_space<hbm>>) dst(%arg7 : memref<80xi32, #tpu.memory_space<vmem>>)
    %dma_wait3A_33 = tpu.memref_slice %arg3[%add3A] : memref<320000xi32, #tpu.memory_space<hbm>> -> memref<80xi32, #tpu.memory_space<hbm>>
    %dma_wait3A_34 = tpu.memref_slice %arg3[%add3A] : memref<320000xi32, #tpu.memory_space<hbm>> -> memref<80xi32, #tpu.memory_space<hbm>>
    tpu.wait_dma2 semaphore(%arg22 : memref<!tpu.dma_semaphore, #tpu.memory_space<semaphore_mem>>) src(%dma_wait3A_34 : memref<80xi32, #tpu.memory_space<hbm>>) dst(%arg11 : memref<80xi32, #tpu.memory_space<vmem>>)
    %dma_start3A_35 = arith.constant 0 : i32
    %dma_start3A_36 = arith.constant 0 : i32
    %dma_start3A_37 = tpu.memref_slice %arg2[%dma_start3A_35, %dma_start3A_36] : memref<10000x128xf32, #tpu.memory_space<hbm>> -> memref<10000x128xf32, #tpu.memory_space<hbm>>
    tpu.enqueue_indirect_dma source(%dma_start3A_37 : memref<10000x128xf32, #tpu.memory_space<hbm>>) target(%arg15 : memref<80x128xf32, #tpu.memory_space<vmem>>) offsets(%arg7 : memref<80xi32, #tpu.memory_space<vmem>>) semaphore(%arg19 : memref<!tpu.dma_semaphore, #tpu.memory_space<semaphore_mem>>)
    %dma_wait3A_38 = arith.constant 0 : i32
    %dma_wait3A_39 = arith.constant 0 : i32
    %dma_wait3A_40 = tpu.memref_slice %arg2[%dma_wait3A_38, %dma_wait3A_39] : memref<10000x128xf32, #tpu.memory_space<hbm>> -> memref<10000x128xf32, #tpu.memory_space<hbm>>
    tpu.wait_indirect_dma semaphore(%arg19 : memref<!tpu.dma_semaphore, #tpu.memory_space<semaphore_mem>>) src(%dma_wait3A_40 : memref<10000x128xf32, #tpu.memory_space<hbm>>) dst(%arg15 : memref<80x128xf32, #tpu.memory_space<vmem>>)
    %dma_start3A_41 = arith.constant 0 : i32
    %dma_start3A_42 = arith.constant 0 : i32
    %dma_start3A_43 = tpu.memref_slice %arg18[%dma_start3A_41, %dma_start3A_42] : memref<10240x128xf32, #tpu.memory_space<vmem_shared>> -> memref<10240x128xf32, #tpu.memory_space<vmem_shared>>
    tpu.enqueue_indirect_dma source(%arg15 : memref<80x128xf32, #tpu.memory_space<vmem>>) target(%dma_start3A_43 : memref<10240x128xf32, #tpu.memory_space<vmem_shared>>) offsets(%arg11 : memref<80xi32, #tpu.memory_space<vmem>>) semaphore(%arg20 : memref<!tpu.dma_semaphore, #tpu.memory_space<semaphore_mem>>) {add = true}
    %add3A_44 = arith.constant 240 : i32
    %add3A_45 = arith.addi %add3A, %add3A_44 : i32
    %dma_start3A_46 = tpu.memref_slice %arg3[%add3A_45] : memref<320000xi32, #tpu.memory_space<hbm>> -> memref<80xi32, #tpu.memory_space<hbm>>
    %dma_start3A_47 = tpu.memref_slice %arg3[%add3A_45] : memref<320000xi32, #tpu.memory_space<hbm>> -> memref<80xi32, #tpu.memory_space<hbm>>
    tpu.enqueue_dma source(%dma_start3A_47 : memref<80xi32, #tpu.memory_space<hbm>>) target(%arg10 : memref<80xi32, #tpu.memory_space<vmem>>) target_semaphore(%arg25 : memref<!tpu.dma_semaphore, #tpu.memory_space<semaphore_mem>>)
    %add3A_48 = arith.constant 240 : i32
    %add3A_49 = arith.addi %add3A, %add3A_48 : i32
    %dma_start3A_50 = tpu.memref_slice %arg4[%add3A_49] : memref<320000xi32, #tpu.memory_space<hbm>> -> memref<80xi32, #tpu.memory_space<hbm>>
    %dma_start3A_51 = tpu.memref_slice %arg4[%add3A_49] : memref<320000xi32, #tpu.memory_space<hbm>> -> memref<80xi32, #tpu.memory_space<hbm>>
    tpu.enqueue_dma source(%dma_start3A_51 : memref<80xi32, #tpu.memory_space<hbm>>) target(%arg14 : memref<80xi32, #tpu.memory_space<vmem>>) target_semaphore(%arg25 : memref<!tpu.dma_semaphore, #tpu.memory_space<semaphore_mem>>)
    %dma_wait3A_52 = tpu.memref_slice %arg3[%add3A] : memref<320000xi32, #tpu.memory_space<hbm>> -> memref<80xi32, #tpu.memory_space<hbm>>
    %dma_wait3A_53 = tpu.memref_slice %arg3[%add3A] : memref<320000xi32, #tpu.memory_space<hbm>> -> memref<80xi32, #tpu.memory_space<hbm>>
    tpu.wait_dma2 semaphore(%arg23 : memref<!tpu.dma_semaphore, #tpu.memory_space<semaphore_mem>>) src(%dma_wait3A_53 : memref<80xi32, #tpu.memory_space<hbm>>) dst(%arg8 : memref<80xi32, #tpu.memory_space<vmem>>)
    %dma_wait3A_54 = tpu.memref_slice %arg3[%add3A] : memref<320000xi32, #tpu.memory_space<hbm>> -> memref<80xi32, #tpu.memory_space<hbm>>
    %dma_wait3A_55 = tpu.memref_slice %arg3[%add3A] : memref<320000xi32, #tpu.memory_space<hbm>> -> memref<80xi32, #tpu.memory_space<hbm>>
    tpu.wait_dma2 semaphore(%arg23 : memref<!tpu.dma_semaphore, #tpu.memory_space<semaphore_mem>>) src(%dma_wait3A_55 : memref<80xi32, #tpu.memory_space<hbm>>) dst(%arg12 : memref<80xi32, #tpu.memory_space<vmem>>)
    %dma_start3A_56 = arith.constant 0 : i32
    %dma_start3A_57 = arith.constant 0 : i32
    %dma_start3A_58 = tpu.memref_slice %arg2[%dma_start3A_56, %dma_start3A_57] : memref<10000x128xf32, #tpu.memory_space<hbm>> -> memref<10000x128xf32, #tpu.memory_space<hbm>>
    tpu.enqueue_indirect_dma source(%dma_start3A_58 : memref<10000x128xf32, #tpu.memory_space<hbm>>) target(%arg16 : memref<80x128xf32, #tpu.memory_space<vmem>>) offsets(%arg8 : memref<80xi32, #tpu.memory_space<vmem>>) semaphore(%arg19 : memref<!tpu.dma_semaphore, #tpu.memory_space<semaphore_mem>>)
    %dma_wait3A_59 = arith.constant 0 : i32
    %dma_wait3A_60 = arith.constant 0 : i32
    %dma_wait3A_61 = tpu.memref_slice %arg2[%dma_wait3A_59, %dma_wait3A_60] : memref<10000x128xf32, #tpu.memory_space<hbm>> -> memref<10000x128xf32, #tpu.memory_space<hbm>>
    tpu.wait_indirect_dma semaphore(%arg19 : memref<!tpu.dma_semaphore, #tpu.memory_space<semaphore_mem>>) src(%dma_wait3A_61 : memref<10000x128xf32, #tpu.memory_space<hbm>>) dst(%arg16 : memref<80x128xf32, #tpu.memory_space<vmem>>)
    %dma_start3A_62 = arith.constant 0 : i32
    %dma_start3A_63 = arith.constant 0 : i32
    %dma_start3A_64 = tpu.memref_slice %arg18[%dma_start3A_62, %dma_start3A_63] : memref<10240x128xf32, #tpu.memory_space<vmem_shared>> -> memref<10240x128xf32, #tpu.memory_space<vmem_shared>>
    tpu.enqueue_indirect_dma source(%arg16 : memref<80x128xf32, #tpu.memory_space<vmem>>) target(%dma_start3A_64 : memref<10240x128xf32, #tpu.memory_space<vmem_shared>>) offsets(%arg12 : memref<80xi32, #tpu.memory_space<vmem>>) semaphore(%arg21 : memref<!tpu.dma_semaphore, #tpu.memory_space<semaphore_mem>>) {add = true}
    %dma_wait3A_65 = arith.constant 0 : i32
    %dma_wait3A_66 = arith.constant 0 : i32
    %dma_wait3A_67 = tpu.memref_slice %arg5[%dma_wait3A_65, %dma_wait3A_66] : memref<128x128xf32, #tpu.memory_space<hbm>> -> memref<80x128xf32, #tpu.memory_space<hbm>>
    %dma_wait3A_68 = arith.constant 0 : i32
    %dma_wait3A_69 = arith.constant 0 : i32
    %dma_wait3A_70 = tpu.memref_slice %arg5[%dma_wait3A_68, %dma_wait3A_69] : memref<128x128xf32, #tpu.memory_space<hbm>> -> memref<80x128xf32, #tpu.memory_space<hbm>>
    tpu.wait_dma2 semaphore(%arg20 : memref<!tpu.dma_semaphore, #tpu.memory_space<semaphore_mem>>) src(%dma_wait3A_70 : memref<80x128xf32, #tpu.memory_space<hbm>>) dst(%arg15 : memref<80x128xf32, #tpu.memory_space<vmem>>)
    %add3A_71 = arith.constant 320 : i32
    %add3A_72 = arith.addi %add3A, %add3A_71 : i32
    %dma_start3A_73 = tpu.memref_slice %arg3[%add3A_72] : memref<320000xi32, #tpu.memory_space<hbm>> -> memref<80xi32, #tpu.memory_space<hbm>>
    %dma_start3A_74 = tpu.memref_slice %arg3[%add3A_72] : memref<320000xi32, #tpu.memory_space<hbm>> -> memref<80xi32, #tpu.memory_space<hbm>>
    tpu.enqueue_dma source(%dma_start3A_74 : memref<80xi32, #tpu.memory_space<hbm>>) target(%arg7 : memref<80xi32, #tpu.memory_space<vmem>>) target_semaphore(%arg22 : memref<!tpu.dma_semaphore, #tpu.memory_space<semaphore_mem>>)
    %add3A_75 = arith.constant 320 : i32
    %add3A_76 = arith.addi %add3A, %add3A_75 : i32
    %dma_start3A_77 = tpu.memref_slice %arg4[%add3A_76] : memref<320000xi32, #tpu.memory_space<hbm>> -> memref<80xi32, #tpu.memory_space<hbm>>
    %dma_start3A_78 = tpu.memref_slice %arg4[%add3A_76] : memref<320000xi32, #tpu.memory_space<hbm>> -> memref<80xi32, #tpu.memory_space<hbm>>
    tpu.enqueue_dma source(%dma_start3A_78 : memref<80xi32, #tpu.memory_space<hbm>>) target(%arg11 : memref<80xi32, #tpu.memory_space<vmem>>) target_semaphore(%arg22 : memref<!tpu.dma_semaphore, #tpu.memory_space<semaphore_mem>>)
    %dma_wait3A_79 = tpu.memref_slice %arg3[%add3A] : memref<320000xi32, #tpu.memory_space<hbm>> -> memref<80xi32, #tpu.memory_space<hbm>>
    %dma_wait3A_80 = tpu.memref_slice %arg3[%add3A] : memref<320000xi32, #tpu.memory_space<hbm>> -> memref<80xi32, #tpu.memory_space<hbm>>
    tpu.wait_dma2 semaphore(%arg24 : memref<!tpu.dma_semaphore, #tpu.memory_space<semaphore_mem>>) src(%dma_wait3A_80 : memref<80xi32, #tpu.memory_space<hbm>>) dst(%arg9 : memref<80xi32, #tpu.memory_space<vmem>>)
    %dma_wait3A_81 = tpu.memref_slice %arg3[%add3A] : memref<320000xi32, #tpu.memory_space<hbm>> -> memref<80xi32, #tpu.memory_space<hbm>>
    %dma_wait3A_82 = tpu.memref_slice %arg3[%add3A] : memref<320000xi32, #tpu.memory_space<hbm>> -> memref<80xi32, #tpu.memory_space<hbm>>
    tpu.wait_dma2 semaphore(%arg24 : memref<!tpu.dma_semaphore, #tpu.memory_space<semaphore_mem>>) src(%dma_wait3A_82 : memref<80xi32, #tpu.memory_space<hbm>>) dst(%arg13 : memref<80xi32, #tpu.memory_space<vmem>>)
    %dma_start3A_83 = arith.constant 0 : i32
    %dma_start3A_84 = arith.constant 0 : i32
    %dma_start3A_85 = tpu.memref_slice %arg2[%dma_start3A_83, %dma_start3A_84] : memref<10000x128xf32, #tpu.memory_space<hbm>> -> memref<10000x128xf32, #tpu.memory_space<hbm>>
    tpu.enqueue_indirect_dma source(%dma_start3A_85 : memref<10000x128xf32, #tpu.memory_space<hbm>>) target(%arg15 : memref<80x128xf32, #tpu.memory_space<vmem>>) offsets(%arg9 : memref<80xi32, #tpu.memory_space<vmem>>) semaphore(%arg19 : memref<!tpu.dma_semaphore, #tpu.memory_space<semaphore_mem>>)
    %dma_wait3A_86 = arith.constant 0 : i32
    %dma_wait3A_87 = arith.constant 0 : i32
    %dma_wait3A_88 = tpu.memref_slice %arg2[%dma_wait3A_86, %dma_wait3A_87] : memref<10000x128xf32, #tpu.memory_space<hbm>> -> memref<10000x128xf32, #tpu.memory_space<hbm>>
    tpu.wait_indirect_dma semaphore(%arg19 : memref<!tpu.dma_semaphore, #tpu.memory_space<semaphore_mem>>) src(%dma_wait3A_88 : memref<10000x128xf32, #tpu.memory_space<hbm>>) dst(%arg15 : memref<80x128xf32, #tpu.memory_space<vmem>>)
    %dma_start3A_89 = arith.constant 0 : i32
    %dma_start3A_90 = arith.constant 0 : i32
    %dma_start3A_91 = tpu.memref_slice %arg18[%dma_start3A_89, %dma_start3A_90] : memref<10240x128xf32, #tpu.memory_space<vmem_shared>> -> memref<10240x128xf32, #tpu.memory_space<vmem_shared>>
    tpu.enqueue_indirect_dma source(%arg15 : memref<80x128xf32, #tpu.memory_space<vmem>>) target(%dma_start3A_91 : memref<10240x128xf32, #tpu.memory_space<vmem_shared>>) offsets(%arg13 : memref<80xi32, #tpu.memory_space<vmem>>) semaphore(%arg20 : memref<!tpu.dma_semaphore, #tpu.memory_space<semaphore_mem>>) {add = true}
    %dma_wait3A_92 = arith.constant 0 : i32
    %dma_wait3A_93 = arith.constant 0 : i32
    %dma_wait3A_94 = tpu.memref_slice %arg5[%dma_wait3A_92, %dma_wait3A_93] : memref<128x128xf32, #tpu.memory_space<hbm>> -> memref<80x128xf32, #tpu.memory_space<hbm>>
    %dma_wait3A_95 = arith.constant 0 : i32
    %dma_wait3A_96 = arith.constant 0 : i32
    %dma_wait3A_97 = tpu.memref_slice %arg5[%dma_wait3A_95, %dma_wait3A_96] : memref<128x128xf32, #tpu.memory_space<hbm>> -> memref<80x128xf32, #tpu.memory_space<hbm>>
    tpu.wait_dma2 semaphore(%arg21 : memref<!tpu.dma_semaphore, #tpu.memory_space<semaphore_mem>>) src(%dma_wait3A_97 : memref<80x128xf32, #tpu.memory_space<hbm>>) dst(%arg16 : memref<80x128xf32, #tpu.memory_space<vmem>>)
    %add3A_98 = arith.constant 400 : i32
    %add3A_99 = arith.addi %add3A, %add3A_98 : i32
    %dma_start3A_100 = tpu.memref_slice %arg3[%add3A_99] : memref<320000xi32, #tpu.memory_space<hbm>> -> memref<80xi32, #tpu.memory_space<hbm>>
    %dma_start3A_101 = tpu.memref_slice %arg3[%add3A_99] : memref<320000xi32, #tpu.memory_space<hbm>> -> memref<80xi32, #tpu.memory_space<hbm>>
    tpu.enqueue_dma source(%dma_start3A_101 : memref<80xi32, #tpu.memory_space<hbm>>) target(%arg8 : memref<80xi32, #tpu.memory_space<vmem>>) target_semaphore(%arg23 : memref<!tpu.dma_semaphore, #tpu.memory_space<semaphore_mem>>)
    %add3A_102 = arith.constant 400 : i32
    %add3A_103 = arith.addi %add3A, %add3A_102 : i32
    %dma_start3A_104 = tpu.memref_slice %arg4[%add3A_103] : memref<320000xi32, #tpu.memory_space<hbm>> -> memref<80xi32, #tpu.memory_space<hbm>>
    %dma_start3A_105 = tpu.memref_slice %arg4[%add3A_103] : memref<320000xi32, #tpu.memory_space<hbm>> -> memref<80xi32, #tpu.memory_space<hbm>>
    tpu.enqueue_dma source(%dma_start3A_105 : memref<80xi32, #tpu.memory_space<hbm>>) target(%arg12 : memref<80xi32, #tpu.memory_space<vmem>>) target_semaphore(%arg23 : memref<!tpu.dma_semaphore, #tpu.memory_space<semaphore_mem>>)
    %dma_wait3A_106 = tpu.memref_slice %arg3[%add3A] : memref<320000xi32, #tpu.memory_space<hbm>> -> memref<80xi32, #tpu.memory_space<hbm>>
    %dma_wait3A_107 = tpu.memref_slice %arg3[%add3A] : memref<320000xi32, #tpu.memory_space<hbm>> -> memref<80xi32, #tpu.memory_space<hbm>>
    tpu.wait_dma2 semaphore(%arg25 : memref<!tpu.dma_semaphore, #tpu.memory_space<semaphore_mem>>) src(%dma_wait3A_107 : memref<80xi32, #tpu.memory_space<hbm>>) dst(%arg10 : memref<80xi32, #tpu.memory_space<vmem>>)
    %dma_wait3A_108 = tpu.memref_slice %arg3[%add3A] : memref<320000xi32, #tpu.memory_space<hbm>> -> memref<80xi32, #tpu.memory_space<hbm>>
    %dma_wait3A_109 = tpu.memref_slice %arg3[%add3A] : memref<320000xi32, #tpu.memory_space<hbm>> -> memref<80xi32, #tpu.memory_space<hbm>>
    tpu.wait_dma2 semaphore(%arg25 : memref<!tpu.dma_semaphore, #tpu.memory_space<semaphore_mem>>) src(%dma_wait3A_109 : memref<80xi32, #tpu.memory_space<hbm>>) dst(%arg14 : memref<80xi32, #tpu.memory_space<vmem>>)
    %dma_start3A_110 = arith.constant 0 : i32
    %dma_start3A_111 = arith.constant 0 : i32
    %dma_start3A_112 = tpu.memref_slice %arg2[%dma_start3A_110, %dma_start3A_111] : memref<10000x128xf32, #tpu.memory_space<hbm>> -> memref<10000x128xf32, #tpu.memory_space<hbm>>
    tpu.enqueue_indirect_dma source(%dma_start3A_112 : memref<10000x128xf32, #tpu.memory_space<hbm>>) target(%arg16 : memref<80x128xf32, #tpu.memory_space<vmem>>) offsets(%arg10 : memref<80xi32, #tpu.memory_space<vmem>>) semaphore(%arg19 : memref<!tpu.dma_semaphore, #tpu.memory_space<semaphore_mem>>)
    %dma_wait3A_113 = arith.constant 0 : i32
    %dma_wait3A_114 = arith.constant 0 : i32
    %dma_wait3A_115 = tpu.memref_slice %arg2[%dma_wait3A_113, %dma_wait3A_114] : memref<10000x128xf32, #tpu.memory_space<hbm>> -> memref<10000x128xf32, #tpu.memory_space<hbm>>
    tpu.wait_indirect_dma semaphore(%arg19 : memref<!tpu.dma_semaphore, #tpu.memory_space<semaphore_mem>>) src(%dma_wait3A_115 : memref<10000x128xf32, #tpu.memory_space<hbm>>) dst(%arg16 : memref<80x128xf32, #tpu.memory_space<vmem>>)
    %dma_start3A_116 = arith.constant 0 : i32
    %dma_start3A_117 = arith.constant 0 : i32
    %dma_start3A_118 = tpu.memref_slice %arg18[%dma_start3A_116, %dma_start3A_117] : memref<10240x128xf32, #tpu.memory_space<vmem_shared>> -> memref<10240x128xf32, #tpu.memory_space<vmem_shared>>
    tpu.enqueue_indirect_dma source(%arg16 : memref<80x128xf32, #tpu.memory_space<vmem>>) target(%dma_start3A_118 : memref<10240x128xf32, #tpu.memory_space<vmem_shared>>) offsets(%arg14 : memref<80xi32, #tpu.memory_space<vmem>>) semaphore(%arg21 : memref<!tpu.dma_semaphore, #tpu.memory_space<semaphore_mem>>) {add = true}
    %scan3A_119 = arith.constant 0 : i32
    %scan3A_120 = arith.constant 30 : i32
    %scan3A_121 = arith.addi %scan3A_119, %scan3A_120 : i32
    %scan3A_122 = arith.constant 1 : i32
    scf.for %scan3A_164 = %scan3A_119 to %scan3A_121 step %scan3A_122  : i32 {
      %mul3A_165 = arith.constant 4 : i32
      %mul3A_166 = arith.muli %scan3A_164, %mul3A_165 : i32
      %add3A_167 = arith.constant 4 : i32
      %add3A_168 = arith.addi %add3A_167, %mul3A_166 : i32
      %add3A_169 = arith.constant 0 : i32
      %add3A_170 = arith.addi %add3A_168, %add3A_169 : i32
      %dma_wait3A_171 = arith.constant 0 : i32
      %dma_wait3A_172 = arith.constant 0 : i32
      %dma_wait3A_173 = tpu.memref_slice %arg5[%dma_wait3A_171, %dma_wait3A_172] : memref<128x128xf32, #tpu.memory_space<hbm>> -> memref<80x128xf32, #tpu.memory_space<hbm>>
      %dma_wait3A_174 = arith.constant 0 : i32
      %dma_wait3A_175 = arith.constant 0 : i32
      %dma_wait3A_176 = tpu.memref_slice %arg5[%dma_wait3A_174, %dma_wait3A_175] : memref<128x128xf32, #tpu.memory_space<hbm>> -> memref<80x128xf32, #tpu.memory_space<hbm>>
      tpu.wait_dma2 semaphore(%arg20 : memref<!tpu.dma_semaphore, #tpu.memory_space<semaphore_mem>>) src(%dma_wait3A_176 : memref<80x128xf32, #tpu.memory_space<hbm>>) dst(%arg15 : memref<80x128xf32, #tpu.memory_space<vmem>>)
      %add3A_177 = arith.constant 2 : i32
      %add3A_178 = arith.addi %add3A_170, %add3A_177 : i32
      %lt3A = arith.constant 125 : i32
      %lt3A_179 = arith.cmpi slt, %add3A_178, %lt3A : i32
      %convert_element_type3A = arith.extui %lt3A_179 : i1 to i32
      %cond3A = arith.constant 0 : i32
      %cond3A_180 = arith.cmpi ne, %convert_element_type3A, %cond3A : i32
      scf.if %cond3A_180 {
        %add3A_278 = arith.constant 2 : i32
        %add3A_279 = arith.addi %add3A_170, %add3A_278 : i32
        %mul3A_280 = arith.constant 80 : i32
        %mul3A_281 = arith.muli %add3A_279, %mul3A_280 : i32
        %add3A_282 = arith.addi %add3A, %mul3A_281 : i32
        %dma_start3A_283 = tpu.memref_slice %arg3[%add3A_282] : memref<320000xi32, #tpu.memory_space<hbm>> -> memref<80xi32, #tpu.memory_space<hbm>>
        %dma_start3A_284 = tpu.memref_slice %arg3[%add3A_282] : memref<320000xi32, #tpu.memory_space<hbm>> -> memref<80xi32, #tpu.memory_space<hbm>>
        tpu.enqueue_dma source(%dma_start3A_284 : memref<80xi32, #tpu.memory_space<hbm>>) target(%arg9 : memref<80xi32, #tpu.memory_space<vmem>>) target_semaphore(%arg24 : memref<!tpu.dma_semaphore, #tpu.memory_space<semaphore_mem>>)
        %mul3A_285 = arith.constant 80 : i32
        %mul3A_286 = arith.muli %add3A_279, %mul3A_285 : i32
        %add3A_287 = arith.addi %add3A, %mul3A_286 : i32
        %dma_start3A_288 = tpu.memref_slice %arg4[%add3A_287] : memref<320000xi32, #tpu.memory_space<hbm>> -> memref<80xi32, #tpu.memory_space<hbm>>
        %dma_start3A_289 = tpu.memref_slice %arg4[%add3A_287] : memref<320000xi32, #tpu.memory_space<hbm>> -> memref<80xi32, #tpu.memory_space<hbm>>
        tpu.enqueue_dma source(%dma_start3A_289 : memref<80xi32, #tpu.memory_space<hbm>>) target(%arg13 : memref<80xi32, #tpu.memory_space<vmem>>) target_semaphore(%arg24 : memref<!tpu.dma_semaphore, #tpu.memory_space<semaphore_mem>>)
      } else {
      }
      %dma_wait3A_181 = tpu.memref_slice %arg3[%add3A] : memref<320000xi32, #tpu.memory_space<hbm>> -> memref<80xi32, #tpu.memory_space<hbm>>
      %dma_wait3A_182 = tpu.memref_slice %arg3[%add3A] : memref<320000xi32, #tpu.memory_space<hbm>> -> memref<80xi32, #tpu.memory_space<hbm>>
      tpu.wait_dma2 semaphore(%arg22 : memref<!tpu.dma_semaphore, #tpu.memory_space<semaphore_mem>>) src(%dma_wait3A_182 : memref<80xi32, #tpu.memory_space<hbm>>) dst(%arg7 : memref<80xi32, #tpu.memory_space<vmem>>)
      %dma_wait3A_183 = tpu.memref_slice %arg3[%add3A] : memref<320000xi32, #tpu.memory_space<hbm>> -> memref<80xi32, #tpu.memory_space<hbm>>
      %dma_wait3A_184 = tpu.memref_slice %arg3[%add3A] : memref<320000xi32, #tpu.memory_space<hbm>> -> memref<80xi32, #tpu.memory_space<hbm>>
      tpu.wait_dma2 semaphore(%arg22 : memref<!tpu.dma_semaphore, #tpu.memory_space<semaphore_mem>>) src(%dma_wait3A_184 : memref<80xi32, #tpu.memory_space<hbm>>) dst(%arg11 : memref<80xi32, #tpu.memory_space<vmem>>)
      %dma_start3A_185 = arith.constant 0 : i32
      %dma_start3A_186 = arith.constant 0 : i32
      %dma_start3A_187 = tpu.memref_slice %arg2[%dma_start3A_185, %dma_start3A_186] : memref<10000x128xf32, #tpu.memory_space<hbm>> -> memref<10000x128xf32, #tpu.memory_space<hbm>>
      tpu.enqueue_indirect_dma source(%dma_start3A_187 : memref<10000x128xf32, #tpu.memory_space<hbm>>) target(%arg15 : memref<80x128xf32, #tpu.memory_space<vmem>>) offsets(%arg7 : memref<80xi32, #tpu.memory_space<vmem>>) semaphore(%arg19 : memref<!tpu.dma_semaphore, #tpu.memory_space<semaphore_mem>>)
      %dma_wait3A_188 = arith.constant 0 : i32
      %dma_wait3A_189 = arith.constant 0 : i32
      %dma_wait3A_190 = tpu.memref_slice %arg2[%dma_wait3A_188, %dma_wait3A_189] : memref<10000x128xf32, #tpu.memory_space<hbm>> -> memref<10000x128xf32, #tpu.memory_space<hbm>>
      tpu.wait_indirect_dma semaphore(%arg19 : memref<!tpu.dma_semaphore, #tpu.memory_space<semaphore_mem>>) src(%dma_wait3A_190 : memref<10000x128xf32, #tpu.memory_space<hbm>>) dst(%arg15 : memref<80x128xf32, #tpu.memory_space<vmem>>)
      %dma_start3A_191 = arith.constant 0 : i32
      %dma_start3A_192 = arith.constant 0 : i32
      %dma_start3A_193 = tpu.memref_slice %arg18[%dma_start3A_191, %dma_start3A_192] : memref<10240x128xf32, #tpu.memory_space<vmem_shared>> -> memref<10240x128xf32, #tpu.memory_space<vmem_shared>>
      tpu.enqueue_indirect_dma source(%arg15 : memref<80x128xf32, #tpu.memory_space<vmem>>) target(%dma_start3A_193 : memref<10240x128xf32, #tpu.memory_space<vmem_shared>>) offsets(%arg11 : memref<80xi32, #tpu.memory_space<vmem>>) semaphore(%arg20 : memref<!tpu.dma_semaphore, #tpu.memory_space<semaphore_mem>>) {add = true}
      %add3A_194 = arith.constant 1 : i32
      %add3A_195 = arith.addi %add3A_168, %add3A_194 : i32
      %dma_wait3A_196 = arith.constant 0 : i32
      %dma_wait3A_197 = arith.constant 0 : i32
      %dma_wait3A_198 = tpu.memref_slice %arg5[%dma_wait3A_196, %dma_wait3A_197] : memref<128x128xf32, #tpu.memory_space<hbm>> -> memref<80x128xf32, #tpu.memory_space<hbm>>
      %dma_wait3A_199 = arith.constant 0 : i32
      %dma_wait3A_200 = arith.constant 0 : i32
      %dma_wait3A_201 = tpu.memref_slice %arg5[%dma_wait3A_199, %dma_wait3A_200] : memref<128x128xf32, #tpu.memory_space<hbm>> -> memref<80x128xf32, #tpu.memory_space<hbm>>
      tpu.wait_dma2 semaphore(%arg21 : memref<!tpu.dma_semaphore, #tpu.memory_space<semaphore_mem>>) src(%dma_wait3A_201 : memref<80x128xf32, #tpu.memory_space<hbm>>) dst(%arg16 : memref<80x128xf32, #tpu.memory_space<vmem>>)
      %add3A_202 = arith.constant 2 : i32
      %add3A_203 = arith.addi %add3A_195, %add3A_202 : i32
      %lt3A_204 = arith.constant 125 : i32
      %lt3A_205 = arith.cmpi slt, %add3A_203, %lt3A_204 : i32
      %convert_element_type3A_206 = arith.extui %lt3A_205 : i1 to i32
      %cond3A_207 = arith.constant 0 : i32
      %cond3A_208 = arith.cmpi ne, %convert_element_type3A_206, %cond3A_207 : i32
      scf.if %cond3A_208 {
        %add3A_278 = arith.constant 2 : i32
        %add3A_279 = arith.addi %add3A_195, %add3A_278 : i32
        %mul3A_280 = arith.constant 80 : i32
        %mul3A_281 = arith.muli %add3A_279, %mul3A_280 : i32
        %add3A_282 = arith.addi %add3A, %mul3A_281 : i32
        %dma_start3A_283 = tpu.memref_slice %arg3[%add3A_282] : memref<320000xi32, #tpu.memory_space<hbm>> -> memref<80xi32, #tpu.memory_space<hbm>>
        %dma_start3A_284 = tpu.memref_slice %arg3[%add3A_282] : memref<320000xi32, #tpu.memory_space<hbm>> -> memref<80xi32, #tpu.memory_space<hbm>>
        tpu.enqueue_dma source(%dma_start3A_284 : memref<80xi32, #tpu.memory_space<hbm>>) target(%arg10 : memref<80xi32, #tpu.memory_space<vmem>>) target_semaphore(%arg25 : memref<!tpu.dma_semaphore, #tpu.memory_space<semaphore_mem>>)
        %mul3A_285 = arith.constant 80 : i32
        %mul3A_286 = arith.muli %add3A_279, %mul3A_285 : i32
        %add3A_287 = arith.addi %add3A, %mul3A_286 : i32
        %dma_start3A_288 = tpu.memref_slice %arg4[%add3A_287] : memref<320000xi32, #tpu.memory_space<hbm>> -> memref<80xi32, #tpu.memory_space<hbm>>
        %dma_start3A_289 = tpu.memref_slice %arg4[%add3A_287] : memref<320000xi32, #tpu.memory_space<hbm>> -> memref<80xi32, #tpu.memory_space<hbm>>
        tpu.enqueue_dma source(%dma_start3A_289 : memref<80xi32, #tpu.memory_space<hbm>>) target(%arg14 : memref<80xi32, #tpu.memory_space<vmem>>) target_semaphore(%arg25 : memref<!tpu.dma_semaphore, #tpu.memory_space<semaphore_mem>>)
      } else {
      }
      %dma_wait3A_209 = tpu.memref_slice %arg3[%add3A] : memref<320000xi32, #tpu.memory_space<hbm>> -> memref<80xi32, #tpu.memory_space<hbm>>
      %dma_wait3A_210 = tpu.memref_slice %arg3[%add3A] : memref<320000xi32, #tpu.memory_space<hbm>> -> memref<80xi32, #tpu.memory_space<hbm>>
      tpu.wait_dma2 semaphore(%arg23 : memref<!tpu.dma_semaphore, #tpu.memory_space<semaphore_mem>>) src(%dma_wait3A_210 : memref<80xi32, #tpu.memory_space<hbm>>) dst(%arg8 : memref<80xi32, #tpu.memory_space<vmem>>)
      %dma_wait3A_211 = tpu.memref_slice %arg3[%add3A] : memref<320000xi32, #tpu.memory_space<hbm>> -> memref<80xi32, #tpu.memory_space<hbm>>
      %dma_wait3A_212 = tpu.memref_slice %arg3[%add3A] : memref<320000xi32, #tpu.memory_space<hbm>> -> memref<80xi32, #tpu.memory_space<hbm>>
      tpu.wait_dma2 semaphore(%arg23 : memref<!tpu.dma_semaphore, #tpu.memory_space<semaphore_mem>>) src(%dma_wait3A_212 : memref<80xi32, #tpu.memory_space<hbm>>) dst(%arg12 : memref<80xi32, #tpu.memory_space<vmem>>)
      %dma_start3A_213 = arith.constant 0 : i32
      %dma_start3A_214 = arith.constant 0 : i32
      %dma_start3A_215 = tpu.memref_slice %arg2[%dma_start3A_213, %dma_start3A_214] : memref<10000x128xf32, #tpu.memory_space<hbm>> -> memref<10000x128xf32, #tpu.memory_space<hbm>>
      tpu.enqueue_indirect_dma source(%dma_start3A_215 : memref<10000x128xf32, #tpu.memory_space<hbm>>) target(%arg16 : memref<80x128xf32, #tpu.memory_space<vmem>>) offsets(%arg8 : memref<80xi32, #tpu.memory_space<vmem>>) semaphore(%arg19 : memref<!tpu.dma_semaphore, #tpu.memory_space<semaphore_mem>>)
      %dma_wait3A_216 = arith.constant 0 : i32
      %dma_wait3A_217 = arith.constant 0 : i32
      %dma_wait3A_218 = tpu.memref_slice %arg2[%dma_wait3A_216, %dma_wait3A_217] : memref<10000x128xf32, #tpu.memory_space<hbm>> -> memref<10000x128xf32, #tpu.memory_space<hbm>>
      tpu.wait_indirect_dma semaphore(%arg19 : memref<!tpu.dma_semaphore, #tpu.memory_space<semaphore_mem>>) src(%dma_wait3A_218 : memref<10000x128xf32, #tpu.memory_space<hbm>>) dst(%arg16 : memref<80x128xf32, #tpu.memory_space<vmem>>)
      %dma_start3A_219 = arith.constant 0 : i32
      %dma_start3A_220 = arith.constant 0 : i32
      %dma_start3A_221 = tpu.memref_slice %arg18[%dma_start3A_219, %dma_start3A_220] : memref<10240x128xf32, #tpu.memory_space<vmem_shared>> -> memref<10240x128xf32, #tpu.memory_space<vmem_shared>>
      tpu.enqueue_indirect_dma source(%arg16 : memref<80x128xf32, #tpu.memory_space<vmem>>) target(%dma_start3A_221 : memref<10240x128xf32, #tpu.memory_space<vmem_shared>>) offsets(%arg12 : memref<80xi32, #tpu.memory_space<vmem>>) semaphore(%arg21 : memref<!tpu.dma_semaphore, #tpu.memory_space<semaphore_mem>>) {add = true}
      %add3A_222 = arith.constant 2 : i32
      %add3A_223 = arith.addi %add3A_168, %add3A_222 : i32
      %dma_wait3A_224 = arith.constant 0 : i32
      %dma_wait3A_225 = arith.constant 0 : i32
      %dma_wait3A_226 = tpu.memref_slice %arg5[%dma_wait3A_224, %dma_wait3A_225] : memref<128x128xf32, #tpu.memory_space<hbm>> -> memref<80x128xf32, #tpu.memory_space<hbm>>
      %dma_wait3A_227 = arith.constant 0 : i32
      %dma_wait3A_228 = arith.constant 0 : i32
      %dma_wait3A_229 = tpu.memref_slice %arg5[%dma_wait3A_227, %dma_wait3A_228] : memref<128x128xf32, #tpu.memory_space<hbm>> -> memref<80x128xf32, #tpu.memory_space<hbm>>
      tpu.wait_dma2 semaphore(%arg20 : memref<!tpu.dma_semaphore, #tpu.memory_space<semaphore_mem>>) src(%dma_wait3A_229 : memref<80x128xf32, #tpu.memory_space<hbm>>) dst(%arg15 : memref<80x128xf32, #tpu.memory_space<vmem>>)
      %add3A_230 = arith.constant 2 : i32
      %add3A_231 = arith.addi %add3A_223, %add3A_230 : i32
      %lt3A_232 = arith.constant 125 : i32
      %lt3A_233 = arith.cmpi slt, %add3A_231, %lt3A_232 : i32
      %convert_element_type3A_234 = arith.extui %lt3A_233 : i1 to i32
      %cond3A_235 = arith.constant 0 : i32
      %cond3A_236 = arith.cmpi ne, %convert_element_type3A_234, %cond3A_235 : i32
      scf.if %cond3A_236 {
        %add3A_278 = arith.constant 2 : i32
        %add3A_279 = arith.addi %add3A_223, %add3A_278 : i32
        %mul3A_280 = arith.constant 80 : i32
        %mul3A_281 = arith.muli %add3A_279, %mul3A_280 : i32
        %add3A_282 = arith.addi %add3A, %mul3A_281 : i32
        %dma_start3A_283 = tpu.memref_slice %arg3[%add3A_282] : memref<320000xi32, #tpu.memory_space<hbm>> -> memref<80xi32, #tpu.memory_space<hbm>>
        %dma_start3A_284 = tpu.memref_slice %arg3[%add3A_282] : memref<320000xi32, #tpu.memory_space<hbm>> -> memref<80xi32, #tpu.memory_space<hbm>>
        tpu.enqueue_dma source(%dma_start3A_284 : memref<80xi32, #tpu.memory_space<hbm>>) target(%arg7 : memref<80xi32, #tpu.memory_space<vmem>>) target_semaphore(%arg22 : memref<!tpu.dma_semaphore, #tpu.memory_space<semaphore_mem>>)
        %mul3A_285 = arith.constant 80 : i32
        %mul3A_286 = arith.muli %add3A_279, %mul3A_285 : i32
        %add3A_287 = arith.addi %add3A, %mul3A_286 : i32
        %dma_start3A_288 = tpu.memref_slice %arg4[%add3A_287] : memref<320000xi32, #tpu.memory_space<hbm>> -> memref<80xi32, #tpu.memory_space<hbm>>
        %dma_start3A_289 = tpu.memref_slice %arg4[%add3A_287] : memref<320000xi32, #tpu.memory_space<hbm>> -> memref<80xi32, #tpu.memory_space<hbm>>
        tpu.enqueue_dma source(%dma_start3A_289 : memref<80xi32, #tpu.memory_space<hbm>>) target(%arg11 : memref<80xi32, #tpu.memory_space<vmem>>) target_semaphore(%arg22 : memref<!tpu.dma_semaphore, #tpu.memory_space<semaphore_mem>>)
      } else {
      }
      %dma_wait3A_237 = tpu.memref_slice %arg3[%add3A] : memref<320000xi32, #tpu.memory_space<hbm>> -> memref<80xi32, #tpu.memory_space<hbm>>
      %dma_wait3A_238 = tpu.memref_slice %arg3[%add3A] : memref<320000xi32, #tpu.memory_space<hbm>> -> memref<80xi32, #tpu.memory_space<hbm>>
      tpu.wait_dma2 semaphore(%arg24 : memref<!tpu.dma_semaphore, #tpu.memory_space<semaphore_mem>>) src(%dma_wait3A_238 : memref<80xi32, #tpu.memory_space<hbm>>) dst(%arg9 : memref<80xi32, #tpu.memory_space<vmem>>)
      %dma_wait3A_239 = tpu.memref_slice %arg3[%add3A] : memref<320000xi32, #tpu.memory_space<hbm>> -> memref<80xi32, #tpu.memory_space<hbm>>
      %dma_wait3A_240 = tpu.memref_slice %arg3[%add3A] : memref<320000xi32, #tpu.memory_space<hbm>> -> memref<80xi32, #tpu.memory_space<hbm>>
      tpu.wait_dma2 semaphore(%arg24 : memref<!tpu.dma_semaphore, #tpu.memory_space<semaphore_mem>>) src(%dma_wait3A_240 : memref<80xi32, #tpu.memory_space<hbm>>) dst(%arg13 : memref<80xi32, #tpu.memory_space<vmem>>)
      %dma_start3A_241 = arith.constant 0 : i32
      %dma_start3A_242 = arith.constant 0 : i32
      %dma_start3A_243 = tpu.memref_slice %arg2[%dma_start3A_241, %dma_start3A_242] : memref<10000x128xf32, #tpu.memory_space<hbm>> -> memref<10000x128xf32, #tpu.memory_space<hbm>>
      tpu.enqueue_indirect_dma source(%dma_start3A_243 : memref<10000x128xf32, #tpu.memory_space<hbm>>) target(%arg15 : memref<80x128xf32, #tpu.memory_space<vmem>>) offsets(%arg9 : memref<80xi32, #tpu.memory_space<vmem>>) semaphore(%arg19 : memref<!tpu.dma_semaphore, #tpu.memory_space<semaphore_mem>>)
      %dma_wait3A_244 = arith.constant 0 : i32
      %dma_wait3A_245 = arith.constant 0 : i32
      %dma_wait3A_246 = tpu.memref_slice %arg2[%dma_wait3A_244, %dma_wait3A_245] : memref<10000x128xf32, #tpu.memory_space<hbm>> -> memref<10000x128xf32, #tpu.memory_space<hbm>>
      tpu.wait_indirect_dma semaphore(%arg19 : memref<!tpu.dma_semaphore, #tpu.memory_space<semaphore_mem>>) src(%dma_wait3A_246 : memref<10000x128xf32, #tpu.memory_space<hbm>>) dst(%arg15 : memref<80x128xf32, #tpu.memory_space<vmem>>)
      %dma_start3A_247 = arith.constant 0 : i32
      %dma_start3A_248 = arith.constant 0 : i32
      %dma_start3A_249 = tpu.memref_slice %arg18[%dma_start3A_247, %dma_start3A_248] : memref<10240x128xf32, #tpu.memory_space<vmem_shared>> -> memref<10240x128xf32, #tpu.memory_space<vmem_shared>>
      tpu.enqueue_indirect_dma source(%arg15 : memref<80x128xf32, #tpu.memory_space<vmem>>) target(%dma_start3A_249 : memref<10240x128xf32, #tpu.memory_space<vmem_shared>>) offsets(%arg13 : memref<80xi32, #tpu.memory_space<vmem>>) semaphore(%arg20 : memref<!tpu.dma_semaphore, #tpu.memory_space<semaphore_mem>>) {add = true}
      %add3A_250 = arith.constant 3 : i32
      %add3A_251 = arith.addi %add3A_168, %add3A_250 : i32
      %dma_wait3A_252 = arith.constant 0 : i32
      %dma_wait3A_253 = arith.constant 0 : i32
      %dma_wait3A_254 = tpu.memref_slice %arg5[%dma_wait3A_252, %dma_wait3A_253] : memref<128x128xf32, #tpu.memory_space<hbm>> -> memref<80x128xf32, #tpu.memory_space<hbm>>
      %dma_wait3A_255 = arith.constant 0 : i32
      %dma_wait3A_256 = arith.constant 0 : i32
      %dma_wait3A_257 = tpu.memref_slice %arg5[%dma_wait3A_255, %dma_wait3A_256] : memref<128x128xf32, #tpu.memory_space<hbm>> -> memref<80x128xf32, #tpu.memory_space<hbm>>
      tpu.wait_dma2 semaphore(%arg21 : memref<!tpu.dma_semaphore, #tpu.memory_space<semaphore_mem>>) src(%dma_wait3A_257 : memref<80x128xf32, #tpu.memory_space<hbm>>) dst(%arg16 : memref<80x128xf32, #tpu.memory_space<vmem>>)
      %add3A_258 = arith.constant 2 : i32
      %add3A_259 = arith.addi %add3A_251, %add3A_258 : i32
      %lt3A_260 = arith.constant 125 : i32
      %lt3A_261 = arith.cmpi slt, %add3A_259, %lt3A_260 : i32
      %convert_element_type3A_262 = arith.extui %lt3A_261 : i1 to i32
      %cond3A_263 = arith.constant 0 : i32
      %cond3A_264 = arith.cmpi ne, %convert_element_type3A_262, %cond3A_263 : i32
      scf.if %cond3A_264 {
        %add3A_278 = arith.constant 2 : i32
        %add3A_279 = arith.addi %add3A_251, %add3A_278 : i32
        %mul3A_280 = arith.constant 80 : i32
        %mul3A_281 = arith.muli %add3A_279, %mul3A_280 : i32
        %add3A_282 = arith.addi %add3A, %mul3A_281 : i32
        %dma_start3A_283 = tpu.memref_slice %arg3[%add3A_282] : memref<320000xi32, #tpu.memory_space<hbm>> -> memref<80xi32, #tpu.memory_space<hbm>>
        %dma_start3A_284 = tpu.memref_slice %arg3[%add3A_282] : memref<320000xi32, #tpu.memory_space<hbm>> -> memref<80xi32, #tpu.memory_space<hbm>>
        tpu.enqueue_dma source(%dma_start3A_284 : memref<80xi32, #tpu.memory_space<hbm>>) target(%arg8 : memref<80xi32, #tpu.memory_space<vmem>>) target_semaphore(%arg23 : memref<!tpu.dma_semaphore, #tpu.memory_space<semaphore_mem>>)
        %mul3A_285 = arith.constant 80 : i32
        %mul3A_286 = arith.muli %add3A_279, %mul3A_285 : i32
        %add3A_287 = arith.addi %add3A, %mul3A_286 : i32
        %dma_start3A_288 = tpu.memref_slice %arg4[%add3A_287] : memref<320000xi32, #tpu.memory_space<hbm>> -> memref<80xi32, #tpu.memory_space<hbm>>
        %dma_start3A_289 = tpu.memref_slice %arg4[%add3A_287] : memref<320000xi32, #tpu.memory_space<hbm>> -> memref<80xi32, #tpu.memory_space<hbm>>
        tpu.enqueue_dma source(%dma_start3A_289 : memref<80xi32, #tpu.memory_space<hbm>>) target(%arg12 : memref<80xi32, #tpu.memory_space<vmem>>) target_semaphore(%arg23 : memref<!tpu.dma_semaphore, #tpu.memory_space<semaphore_mem>>)
      } else {
      }
      %dma_wait3A_265 = tpu.memref_slice %arg3[%add3A] : memref<320000xi32, #tpu.memory_space<hbm>> -> memref<80xi32, #tpu.memory_space<hbm>>
      %dma_wait3A_266 = tpu.memref_slice %arg3[%add3A] : memref<320000xi32, #tpu.memory_space<hbm>> -> memref<80xi32, #tpu.memory_space<hbm>>
      tpu.wait_dma2 semaphore(%arg25 : memref<!tpu.dma_semaphore, #tpu.memory_space<semaphore_mem>>) src(%dma_wait3A_266 : memref<80xi32, #tpu.memory_space<hbm>>) dst(%arg10 : memref<80xi32, #tpu.memory_space<vmem>>)
      %dma_wait3A_267 = tpu.memref_slice %arg3[%add3A] : memref<320000xi32, #tpu.memory_space<hbm>> -> memref<80xi32, #tpu.memory_space<hbm>>
      %dma_wait3A_268 = tpu.memref_slice %arg3[%add3A] : memref<320000xi32, #tpu.memory_space<hbm>> -> memref<80xi32, #tpu.memory_space<hbm>>
      tpu.wait_dma2 semaphore(%arg25 : memref<!tpu.dma_semaphore, #tpu.memory_space<semaphore_mem>>) src(%dma_wait3A_268 : memref<80xi32, #tpu.memory_space<hbm>>) dst(%arg14 : memref<80xi32, #tpu.memory_space<vmem>>)
      %dma_start3A_269 = arith.constant 0 : i32
      %dma_start3A_270 = arith.constant 0 : i32
      %dma_start3A_271 = tpu.memref_slice %arg2[%dma_start3A_269, %dma_start3A_270] : memref<10000x128xf32, #tpu.memory_space<hbm>> -> memref<10000x128xf32, #tpu.memory_space<hbm>>
      tpu.enqueue_indirect_dma source(%dma_start3A_271 : memref<10000x128xf32, #tpu.memory_space<hbm>>) target(%arg16 : memref<80x128xf32, #tpu.memory_space<vmem>>) offsets(%arg10 : memref<80xi32, #tpu.memory_space<vmem>>) semaphore(%arg19 : memref<!tpu.dma_semaphore, #tpu.memory_space<semaphore_mem>>)
      %dma_wait3A_272 = arith.constant 0 : i32
      %dma_wait3A_273 = arith.constant 0 : i32
      %dma_wait3A_274 = tpu.memref_slice %arg2[%dma_wait3A_272, %dma_wait3A_273] : memref<10000x128xf32, #tpu.memory_space<hbm>> -> memref<10000x128xf32, #tpu.memory_space<hbm>>
      tpu.wait_indirect_dma semaphore(%arg19 : memref<!tpu.dma_semaphore, #tpu.memory_space<semaphore_mem>>) src(%dma_wait3A_274 : memref<10000x128xf32, #tpu.memory_space<hbm>>) dst(%arg16 : memref<80x128xf32, #tpu.memory_space<vmem>>)
      %dma_start3A_275 = arith.constant 0 : i32
      %dma_start3A_276 = arith.constant 0 : i32
      %dma_start3A_277 = tpu.memref_slice %arg18[%dma_start3A_275, %dma_start3A_276] : memref<10240x128xf32, #tpu.memory_space<vmem_shared>> -> memref<10240x128xf32, #tpu.memory_space<vmem_shared>>
      tpu.enqueue_indirect_dma source(%arg16 : memref<80x128xf32, #tpu.memory_space<vmem>>) target(%dma_start3A_277 : memref<10240x128xf32, #tpu.memory_space<vmem_shared>>) offsets(%arg14 : memref<80xi32, #tpu.memory_space<vmem>>) semaphore(%arg21 : memref<!tpu.dma_semaphore, #tpu.memory_space<semaphore_mem>>) {add = true}
    }
    %scan3A_123 = arith.constant 30 : i32
    %dma_wait3A_124 = arith.constant 0 : i32
    %dma_wait3A_125 = arith.constant 0 : i32
    %dma_wait3A_126 = tpu.memref_slice %arg5[%dma_wait3A_124, %dma_wait3A_125] : memref<128x128xf32, #tpu.memory_space<hbm>> -> memref<80x128xf32, #tpu.memory_space<hbm>>
    %dma_wait3A_127 = arith.constant 0 : i32
    %dma_wait3A_128 = arith.constant 0 : i32
    %dma_wait3A_129 = tpu.memref_slice %arg5[%dma_wait3A_127, %dma_wait3A_128] : memref<128x128xf32, #tpu.memory_space<hbm>> -> memref<80x128xf32, #tpu.memory_space<hbm>>
    tpu.wait_dma2 semaphore(%arg20 : memref<!tpu.dma_semaphore, #tpu.memory_space<semaphore_mem>>) src(%dma_wait3A_129 : memref<80x128xf32, #tpu.memory_space<hbm>>) dst(%arg15 : memref<80x128xf32, #tpu.memory_space<vmem>>)
    %dma_wait3A_130 = tpu.memref_slice %arg3[%add3A] : memref<320000xi32, #tpu.memory_space<hbm>> -> memref<80xi32, #tpu.memory_space<hbm>>
    %dma_wait3A_131 = tpu.memref_slice %arg3[%add3A] : memref<320000xi32, #tpu.memory_space<hbm>> -> memref<80xi32, #tpu.memory_space<hbm>>
    tpu.wait_dma2 semaphore(%arg22 : memref<!tpu.dma_semaphore, #tpu.memory_space<semaphore_mem>>) src(%dma_wait3A_131 : memref<80xi32, #tpu.memory_space<hbm>>) dst(%arg7 : memref<80xi32, #tpu.memory_space<vmem>>)
    %dma_wait3A_132 = tpu.memref_slice %arg3[%add3A] : memref<320000xi32, #tpu.memory_space<hbm>> -> memref<80xi32, #tpu.memory_space<hbm>>
    %dma_wait3A_133 = tpu.memref_slice %arg3[%add3A] : memref<320000xi32, #tpu.memory_space<hbm>> -> memref<80xi32, #tpu.memory_space<hbm>>
    tpu.wait_dma2 semaphore(%arg22 : memref<!tpu.dma_semaphore, #tpu.memory_space<semaphore_mem>>) src(%dma_wait3A_133 : memref<80xi32, #tpu.memory_space<hbm>>) dst(%arg11 : memref<80xi32, #tpu.memory_space<vmem>>)
    %dma_start3A_134 = arith.constant 0 : i32
    %dma_start3A_135 = arith.constant 0 : i32
    %dma_start3A_136 = tpu.memref_slice %arg2[%dma_start3A_134, %dma_start3A_135] : memref<10000x128xf32, #tpu.memory_space<hbm>> -> memref<10000x128xf32, #tpu.memory_space<hbm>>
    tpu.enqueue_indirect_dma source(%dma_start3A_136 : memref<10000x128xf32, #tpu.memory_space<hbm>>) target(%arg15 : memref<80x128xf32, #tpu.memory_space<vmem>>) offsets(%arg7 : memref<80xi32, #tpu.memory_space<vmem>>) semaphore(%arg19 : memref<!tpu.dma_semaphore, #tpu.memory_space<semaphore_mem>>)
    %dma_wait3A_137 = arith.constant 0 : i32
    %dma_wait3A_138 = arith.constant 0 : i32
    %dma_wait3A_139 = tpu.memref_slice %arg2[%dma_wait3A_137, %dma_wait3A_138] : memref<10000x128xf32, #tpu.memory_space<hbm>> -> memref<10000x128xf32, #tpu.memory_space<hbm>>
    tpu.wait_indirect_dma semaphore(%arg19 : memref<!tpu.dma_semaphore, #tpu.memory_space<semaphore_mem>>) src(%dma_wait3A_139 : memref<10000x128xf32, #tpu.memory_space<hbm>>) dst(%arg15 : memref<80x128xf32, #tpu.memory_space<vmem>>)
    %dma_start3A_140 = arith.constant 0 : i32
    %dma_start3A_141 = arith.constant 0 : i32
    %dma_start3A_142 = tpu.memref_slice %arg18[%dma_start3A_140, %dma_start3A_141] : memref<10240x128xf32, #tpu.memory_space<vmem_shared>> -> memref<10240x128xf32, #tpu.memory_space<vmem_shared>>
    tpu.enqueue_indirect_dma source(%arg15 : memref<80x128xf32, #tpu.memory_space<vmem>>) target(%dma_start3A_142 : memref<10240x128xf32, #tpu.memory_space<vmem_shared>>) offsets(%arg11 : memref<80xi32, #tpu.memory_space<vmem>>) semaphore(%arg20 : memref<!tpu.dma_semaphore, #tpu.memory_space<semaphore_mem>>) {add = true}
    %dma_wait3A_143 = arith.constant 0 : i32
    %dma_wait3A_144 = arith.constant 0 : i32
    %dma_wait3A_145 = tpu.memref_slice %arg5[%dma_wait3A_143, %dma_wait3A_144] : memref<128x128xf32, #tpu.memory_space<hbm>> -> memref<80x128xf32, #tpu.memory_space<hbm>>
    %dma_wait3A_146 = arith.constant 0 : i32
    %dma_wait3A_147 = arith.constant 0 : i32
    %dma_wait3A_148 = tpu.memref_slice %arg5[%dma_wait3A_146, %dma_wait3A_147] : memref<128x128xf32, #tpu.memory_space<hbm>> -> memref<80x128xf32, #tpu.memory_space<hbm>>
    tpu.wait_dma2 semaphore(%arg21 : memref<!tpu.dma_semaphore, #tpu.memory_space<semaphore_mem>>) src(%dma_wait3A_148 : memref<80x128xf32, #tpu.memory_space<hbm>>) dst(%arg16 : memref<80x128xf32, #tpu.memory_space<vmem>>)
    %dma_wait3A_149 = arith.constant 0 : i32
    %dma_wait3A_150 = arith.constant 0 : i32
    %dma_wait3A_151 = tpu.memref_slice %arg5[%dma_wait3A_149, %dma_wait3A_150] : memref<128x128xf32, #tpu.memory_space<hbm>> -> memref<80x128xf32, #tpu.memory_space<hbm>>
    %dma_wait3A_152 = arith.constant 0 : i32
    %dma_wait3A_153 = arith.constant 0 : i32
    %dma_wait3A_154 = tpu.memref_slice %arg5[%dma_wait3A_152, %dma_wait3A_153] : memref<128x128xf32, #tpu.memory_space<hbm>> -> memref<80x128xf32, #tpu.memory_space<hbm>>
    tpu.wait_dma2 semaphore(%arg20 : memref<!tpu.dma_semaphore, #tpu.memory_space<semaphore_mem>>) src(%dma_wait3A_154 : memref<80x128xf32, #tpu.memory_space<hbm>>) dst(%arg15 : memref<80x128xf32, #tpu.memory_space<vmem>>)
    %barrier3A_155 = arith.constant 0 : index
    tpu.barrier barrier_id(%barrier3A_155)
    %mul3A_156 = arith.constant 10240 : i32
    %mul3A_157 = arith.muli %arg0, %mul3A_156 : i32
    %add3A_158 = arith.addi %mul3A_157, %mul3A_0 : i32
    %scan3A_159 = arith.constant 0 : i32
    %scan3A_160 = arith.constant 5 : i32
    %scan3A_161 = arith.addi %scan3A_159, %scan3A_160 : i32
    %scan3A_162 = arith.constant 1 : i32
    scf.for %scan3A_164 = %scan3A_159 to %scan3A_161 step %scan3A_162  : i32 {
      %mul3A_165 = arith.constant 128 : i32
      %mul3A_166 = arith.muli %scan3A_164, %mul3A_165 : i32
      %add3A_167 = arith.constant 0 : i32
      %add3A_168 = arith.addi %add3A_167, %mul3A_166 : i32
      %add3A_169 = arith.addi %mul3A_0, %add3A_168 : i32
      "tpu.region"() ({
        %run_scoped3A = tpu.sem_alloc : memref<!tpu.dma_semaphore, #tpu.memory_space<semaphore_mem>>
        %dma_start3A_171 = arith.constant 0 : i32
        %dma_start3A_172 = tpu.memref_slice %arg18[%add3A_169, %dma_start3A_171] : memref<10240x128xf32, #tpu.memory_space<vmem_shared>> -> memref<128x128xf32, #tpu.memory_space<vmem_shared>>
        %dma_start3A_173 = arith.constant 0 : i32
        %dma_start3A_174 = tpu.memref_slice %arg18[%add3A_169, %dma_start3A_173] : memref<10240x128xf32, #tpu.memory_space<vmem_shared>> -> memref<128x128xf32, #tpu.memory_space<vmem_shared>>
        tpu.enqueue_dma source(%dma_start3A_174 : memref<128x128xf32, #tpu.memory_space<vmem_shared>>) target(%arg17 : memref<128x128xf32, #tpu.memory_space<vmem>>) target_semaphore(%run_scoped3A : memref<!tpu.dma_semaphore, #tpu.memory_space<semaphore_mem>>)
        %dma_wait3A_175 = arith.constant 0 : i32
        %dma_wait3A_176 = tpu.memref_slice %arg18[%add3A_169, %dma_wait3A_175] : memref<10240x128xf32, #tpu.memory_space<vmem_shared>> -> memref<128x128xf32, #tpu.memory_space<vmem_shared>>
        %dma_wait3A_177 = arith.constant 0 : i32
        %dma_wait3A_178 = tpu.memref_slice %arg18[%add3A_169, %dma_wait3A_177] : memref<10240x128xf32, #tpu.memory_space<vmem_shared>> -> memref<128x128xf32, #tpu.memory_space<vmem_shared>>
        tpu.wait_dma2 semaphore(%run_scoped3A : memref<!tpu.dma_semaphore, #tpu.memory_space<semaphore_mem>>) src(%dma_wait3A_178 : memref<128x128xf32, #tpu.memory_space<vmem_shared>>) dst(%arg17 : memref<128x128xf32, #tpu.memory_space<vmem>>)
        tpu.yield
      }) : () -> ()
      %add3A_170 = arith.addi %add3A_158, %add3A_168 : i32
      "tpu.region"() ({
        %run_scoped3A = tpu.sem_alloc : memref<!tpu.dma_semaphore, #tpu.memory_space<semaphore_mem>>
        %dma_start3A_171 = arith.constant 0 : i32
        %dma_start3A_172 = tpu.memref_slice %arg6[%add3A_170, %dma_start3A_171] : memref<20480x128xf32, #tpu.memory_space<hbm>> -> memref<128x128xf32, #tpu.memory_space<hbm>>
        %dma_start3A_173 = arith.constant 0 : i32
        %dma_start3A_174 = tpu.memref_slice %arg6[%add3A_170, %dma_start3A_173] : memref<20480x128xf32, #tpu.memory_space<hbm>> -> memref<128x128xf32, #tpu.memory_space<hbm>>
        tpu.enqueue_dma source(%arg17 : memref<128x128xf32, #tpu.memory_space<vmem>>) target(%dma_start3A_174 : memref<128x128xf32, #tpu.memory_space<hbm>>) target_semaphore(%run_scoped3A : memref<!tpu.dma_semaphore, #tpu.memory_space<semaphore_mem>>)
        %dma_wait3A_175 = arith.constant 0 : i32
        %dma_wait3A_176 = tpu.memref_slice %arg6[%add3A_170, %dma_wait3A_175] : memref<20480x128xf32, #tpu.memory_space<hbm>> -> memref<128x128xf32, #tpu.memory_space<hbm>>
        %dma_wait3A_177 = arith.constant 0 : i32
        %dma_wait3A_178 = tpu.memref_slice %arg6[%add3A_170, %dma_wait3A_177] : memref<20480x128xf32, #tpu.memory_space<hbm>> -> memref<128x128xf32, #tpu.memory_space<hbm>>
        tpu.wait_dma2 semaphore(%run_scoped3A : memref<!tpu.dma_semaphore, #tpu.memory_space<semaphore_mem>>) src(%arg17 : memref<128x128xf32, #tpu.memory_space<vmem>>) dst(%dma_wait3A_178 : memref<128x128xf32, #tpu.memory_space<hbm>>)
        tpu.yield
      }) : () -> ()
    }
    %scan3A_163 = arith.constant 5 : i32
    return
  }
}

module attributes {stable_mosaic.version = 14 : i64} {
  func.func @_tc_layer1_body(%arg0: i32, %arg1: memref<1000x128xf32, #tpu.memory_space<vmem>>, %arg2: memref<2x1000x128xf32, #tpu.memory_space<vmem>>, %arg3: memref<2x1000x1xf32, #tpu.memory_space<vmem>>, %arg4: memref<128x128xf32, #tpu.memory_space<vmem>>, %arg5: memref<128x128xf32, #tpu.memory_space<vmem>>, %arg6: memref<1x128xf32, #tpu.memory_space<vmem>>, %arg7: memref<1000x128xf32, #tpu.memory_space<vmem>>) attributes {dimension_semantics = [#tpu.dimension_semantics<arbitrary>], iteration_bounds = array<i64: 10>, scalar_prefetch = 0 : i64, scratch_operands = 0 : i64, tpu.core_type = #tpu.core_type<tc>, window_params = [{transform_indices = @transform_0, window_bounds = array<i64: 1000, 128>}, {transform_indices = @transform_1, window_bounds = array<i64: 2, 1000, 128>}, {transform_indices = @transform_2, window_bounds = array<i64: 2, 1000, 1>}, {pipeline_mode = #tpu.pipeline_mode<synchronous>, transform_indices = @transform_3, window_bounds = array<i64: 128, 128>}, {pipeline_mode = #tpu.pipeline_mode<synchronous>, transform_indices = @transform_4, window_bounds = array<i64: 128, 128>}, {pipeline_mode = #tpu.pipeline_mode<synchronous>, transform_indices = @transform_5, window_bounds = array<i64: 1, 128>}, {transform_indices = @transform_6, window_bounds = array<i64: 1000, 128>}]} {
    %get3A = arith.constant 0 : index
    %get3A_0 = arith.constant 0 : index
    %get3A_1 = arith.constant 0 : index
    %get3A_2 = vector.load %arg2[%get3A, %get3A_0, %get3A_1] : memref<2x1000x128xf32, #tpu.memory_space<vmem>>, vector<1x1000x128xf32>
    %get3A_3 = vector.shape_cast %get3A_2 : vector<1x1000x128xf32> to vector<1000x128xf32>
    %get3A_4 = arith.constant 1 : index
    %get3A_5 = arith.constant 0 : index
    %get3A_6 = arith.constant 0 : index
    %get3A_7 = vector.load %arg2[%get3A_4, %get3A_5, %get3A_6] : memref<2x1000x128xf32, #tpu.memory_space<vmem>>, vector<1x1000x128xf32>
    %get3A_8 = vector.shape_cast %get3A_7 : vector<1x1000x128xf32> to vector<1000x128xf32>
    %add3A = arith.addf %get3A_3, %get3A_8 : vector<1000x128xf32>
    %get3A_9 = arith.constant 0 : index
    %get3A_10 = arith.constant 0 : index
    %get3A_11 = arith.constant 0 : index
    %get3A_12 = vector.load %arg3[%get3A_9, %get3A_10, %get3A_11] : memref<2x1000x1xf32, #tpu.memory_space<vmem>>, vector<1x1000x1xf32>
    %get3A_13 = vector.shape_cast %get3A_12 : vector<1x1000x1xf32> to vector<1000x1xf32>
    %get3A_14 = arith.constant 1 : index
    %get3A_15 = arith.constant 0 : index
    %get3A_16 = arith.constant 0 : index
    %get3A_17 = vector.load %arg3[%get3A_14, %get3A_15, %get3A_16] : memref<2x1000x1xf32, #tpu.memory_space<vmem>>, vector<1x1000x1xf32>
    %get3A_18 = vector.shape_cast %get3A_17 : vector<1x1000x1xf32> to vector<1000x1xf32>
    %add3A_19 = arith.addf %get3A_13, %get3A_18 : vector<1000x1xf32>
    %max3A = arith.constant 1.000000e+00 : f32
    %max3A_20 = vector.broadcast %max3A : f32 to vector<1000x1xf32>
    %max3A_21 = arith.maximumf %add3A_19, %max3A_20 : vector<1000x1xf32>
    %div3A = arith.constant 1.000000e+00 : f32
    %div3A_22 = vector.broadcast %div3A : f32 to vector<1000x1xf32>
    %div3A_23 = arith.divf %div3A_22, %max3A_21 : vector<1000x1xf32>
    %get3A_24 = arith.constant 0 : index
    %get3A_25 = arith.constant 0 : index
    %get3A_26 = vector.load %arg1[%get3A_24, %get3A_25] : memref<1000x128xf32, #tpu.memory_space<vmem>>, vector<1000x128xf32>
    %get3A_27 = arith.constant 0 : index
    %get3A_28 = arith.constant 0 : index
    %get3A_29 = vector.load %arg4[%get3A_27, %get3A_28] : memref<128x128xf32, #tpu.memory_space<vmem>>, vector<128x128xf32>
    %dot_general3A = arith.constant dense<0.000000e+00> : vector<1000x128xf32>
    %dot_general3A_30 = tpu.matmul %get3A_26, %get3A_29, %dot_general3A {dimension_numbers = #tpu.dot_dimension_numbers<[1], [0], [0], [1], [0, 0, 1, 1], [], []>, transpose_lhs_hint = false} : vector<1000x128xf32>, vector<128x128xf32>, vector<1000x128xf32> -> vector<1000x128xf32>
    %get3A_31 = arith.constant 0 : index
    %get3A_32 = arith.constant 0 : index
    %get3A_33 = vector.load %arg5[%get3A_31, %get3A_32] : memref<128x128xf32, #tpu.memory_space<vmem>>, vector<128x128xf32>
    %dot_general3A_34 = arith.constant dense<0.000000e+00> : vector<1000x128xf32>
    %dot_general3A_35 = tpu.matmul %add3A, %get3A_33, %dot_general3A_34 {dimension_numbers = #tpu.dot_dimension_numbers<[1], [0], [0], [1], [0, 0, 1, 1], [], []>, transpose_lhs_hint = false} : vector<1000x128xf32>, vector<128x128xf32>, vector<1000x128xf32> -> vector<1000x128xf32>
    %mul3A = vector.broadcast %div3A_23 : vector<1000x1xf32> to vector<1000x128xf32>
    %mul3A_36 = arith.mulf %dot_general3A_35, %mul3A : vector<1000x128xf32>
    %add3A_37 = arith.addf %dot_general3A_30, %mul3A_36 : vector<1000x128xf32>
    %get3A_38 = arith.constant 0 : index
    %get3A_39 = arith.constant 0 : index
    %get3A_40 = vector.load %arg6[%get3A_38, %get3A_39] : memref<1x128xf32, #tpu.memory_space<vmem>>, vector<1x128xf32>
    %add3A_41 = vector.broadcast %get3A_40 : vector<1x128xf32> to vector<1000x128xf32>
    %add3A_42 = arith.addf %add3A_37, %add3A_41 : vector<1000x128xf32>
    %max3A_43 = arith.constant 0.000000e+00 : f32
    %max3A_44 = vector.broadcast %max3A_43 : f32 to vector<1000x128xf32>
    %max3A_45 = arith.maximumf %add3A_42, %max3A_44 : vector<1000x128xf32>
    %swap3A = arith.constant 0 : index
    %swap3A_46 = arith.constant 0 : index
    %swap3A_47 = vector.load %arg7[%swap3A, %swap3A_46] : memref<1000x128xf32, #tpu.memory_space<vmem>>, vector<1000x128xf32>
    tpu.vector_store %arg7[%swap3A, %swap3A_46], %max3A_45 {strides = array<i32>} : memref<1000x128xf32, #tpu.memory_space<vmem>>, vector<1000x128xf32>,
    return
  }
  func.func @transform_0(%arg0: i32) -> (i32, i32) {
    %c0_i32 = arith.constant 0 : i32
    %c0_i32_0 = arith.constant 0 : i32
    return %arg0, %c0_i32 : i32, i32
  }
  func.func @transform_1(%arg0: i32) -> (i32, i32, i32) {
    %c0_i32 = arith.constant 0 : i32
    %c0_i32_0 = arith.constant 0 : i32
    %c0_i32_1 = arith.constant 0 : i32
    return %c0_i32, %arg0, %c0_i32_0 : i32, i32, i32
  }
  func.func @transform_2(%arg0: i32) -> (i32, i32, i32) {
    %c0_i32 = arith.constant 0 : i32
    %c0_i32_0 = arith.constant 0 : i32
    %c0_i32_1 = arith.constant 0 : i32
    return %c0_i32, %arg0, %c0_i32_0 : i32, i32, i32
  }
  func.func @transform_3(%arg0: i32) -> (i32, i32) {
    %c0_i32 = arith.constant 0 : i32
    %c0_i32_0 = arith.constant 0 : i32
    %c0_i32_1 = arith.constant 0 : i32
    return %c0_i32, %c0_i32_0 : i32, i32
  }
  func.func @transform_4(%arg0: i32) -> (i32, i32) {
    %c0_i32 = arith.constant 0 : i32
    %c0_i32_0 = arith.constant 0 : i32
    %c0_i32_1 = arith.constant 0 : i32
    return %c0_i32, %c0_i32_0 : i32, i32
  }
  func.func @transform_5(%arg0: i32) -> (i32, i32) {
    %c0_i32 = arith.constant 0 : i32
    %c0_i32_0 = arith.constant 0 : i32
    %c0_i32_1 = arith.constant 0 : i32
    return %c0_i32, %c0_i32_0 : i32, i32
  }
  func.func @transform_6(%arg0: i32) -> (i32, i32) {
    %c0_i32 = arith.constant 0 : i32
    %c0_i32_0 = arith.constant 0 : i32
    return %arg0, %c0_i32 : i32, i32
  }
}

module attributes {stable_mosaic.version = 14 : i64} {
  func.func @_tc_layer2_body(%arg0: i32, %arg1: memref<1000x128xf32, #tpu.memory_space<vmem>>, %arg2: memref<2x1000x128xf32, #tpu.memory_space<vmem>>, %arg3: memref<2x1000x1xf32, #tpu.memory_space<vmem>>, %arg4: memref<128x128xf32, #tpu.memory_space<vmem>>, %arg5: memref<128x128xf32, #tpu.memory_space<vmem>>, %arg6: memref<1x128xf32, #tpu.memory_space<vmem>>, %arg7: memref<128x64xf32, #tpu.memory_space<vmem>>, %arg8: memref<1x64xf32, #tpu.memory_space<vmem>>, %arg9: memref<64x1xf32, #tpu.memory_space<vmem>>, %arg10: memref<1x1xf32, #tpu.memory_space<vmem>>, %arg11: memref<1000x1xf32, #tpu.memory_space<vmem>>) attributes {dimension_semantics = [#tpu.dimension_semantics<arbitrary>], iteration_bounds = array<i64: 10>, scalar_prefetch = 0 : i64, scratch_operands = 0 : i64, tpu.core_type = #tpu.core_type<tc>, window_params = [{transform_indices = @transform_0, window_bounds = array<i64: 1000, 128>}, {transform_indices = @transform_1, window_bounds = array<i64: 2, 1000, 128>}, {transform_indices = @transform_2, window_bounds = array<i64: 2, 1000, 1>}, {pipeline_mode = #tpu.pipeline_mode<synchronous>, transform_indices = @transform_3, window_bounds = array<i64: 128, 128>}, {pipeline_mode = #tpu.pipeline_mode<synchronous>, transform_indices = @transform_4, window_bounds = array<i64: 128, 128>}, {pipeline_mode = #tpu.pipeline_mode<synchronous>, transform_indices = @transform_5, window_bounds = array<i64: 1, 128>}, {pipeline_mode = #tpu.pipeline_mode<synchronous>, transform_indices = @transform_6, window_bounds = array<i64: 128, 64>}, {pipeline_mode = #tpu.pipeline_mode<synchronous>, transform_indices = @transform_7, window_bounds = array<i64: 1, 64>}, {pipeline_mode = #tpu.pipeline_mode<synchronous>, transform_indices = @transform_8, window_bounds = array<i64: 64, 1>}, {pipeline_mode = #tpu.pipeline_mode<synchronous>, transform_indices = @transform_9, window_bounds = array<i64: 1, 1>}, {transform_indices = @transform_10, window_bounds = array<i64: 1000, 1>}]} {
    %get3A = arith.constant 0 : index
    %get3A_0 = arith.constant 0 : index
    %get3A_1 = arith.constant 0 : index
    %get3A_2 = vector.load %arg2[%get3A, %get3A_0, %get3A_1] : memref<2x1000x128xf32, #tpu.memory_space<vmem>>, vector<1x1000x128xf32>
    %get3A_3 = vector.shape_cast %get3A_2 : vector<1x1000x128xf32> to vector<1000x128xf32>
    %get3A_4 = arith.constant 1 : index
    %get3A_5 = arith.constant 0 : index
    %get3A_6 = arith.constant 0 : index
    %get3A_7 = vector.load %arg2[%get3A_4, %get3A_5, %get3A_6] : memref<2x1000x128xf32, #tpu.memory_space<vmem>>, vector<1x1000x128xf32>
    %get3A_8 = vector.shape_cast %get3A_7 : vector<1x1000x128xf32> to vector<1000x128xf32>
    %add3A = arith.addf %get3A_3, %get3A_8 : vector<1000x128xf32>
    %get3A_9 = arith.constant 0 : index
    %get3A_10 = arith.constant 0 : index
    %get3A_11 = arith.constant 0 : index
    %get3A_12 = vector.load %arg3[%get3A_9, %get3A_10, %get3A_11] : memref<2x1000x1xf32, #tpu.memory_space<vmem>>, vector<1x1000x1xf32>
    %get3A_13 = vector.shape_cast %get3A_12 : vector<1x1000x1xf32> to vector<1000x1xf32>
    %get3A_14 = arith.constant 1 : index
    %get3A_15 = arith.constant 0 : index
    %get3A_16 = arith.constant 0 : index
    %get3A_17 = vector.load %arg3[%get3A_14, %get3A_15, %get3A_16] : memref<2x1000x1xf32, #tpu.memory_space<vmem>>, vector<1x1000x1xf32>
    %get3A_18 = vector.shape_cast %get3A_17 : vector<1x1000x1xf32> to vector<1000x1xf32>
    %add3A_19 = arith.addf %get3A_13, %get3A_18 : vector<1000x1xf32>
    %max3A = arith.constant 1.000000e+00 : f32
    %max3A_20 = vector.broadcast %max3A : f32 to vector<1000x1xf32>
    %max3A_21 = arith.maximumf %add3A_19, %max3A_20 : vector<1000x1xf32>
    %div3A = arith.constant 1.000000e+00 : f32
    %div3A_22 = vector.broadcast %div3A : f32 to vector<1000x1xf32>
    %div3A_23 = arith.divf %div3A_22, %max3A_21 : vector<1000x1xf32>
    %get3A_24 = arith.constant 0 : index
    %get3A_25 = arith.constant 0 : index
    %get3A_26 = vector.load %arg1[%get3A_24, %get3A_25] : memref<1000x128xf32, #tpu.memory_space<vmem>>, vector<1000x128xf32>
    %get3A_27 = arith.constant 0 : index
    %get3A_28 = arith.constant 0 : index
    %get3A_29 = vector.load %arg4[%get3A_27, %get3A_28] : memref<128x128xf32, #tpu.memory_space<vmem>>, vector<128x128xf32>
    %dot_general3A = arith.constant dense<0.000000e+00> : vector<1000x128xf32>
    %dot_general3A_30 = tpu.matmul %get3A_26, %get3A_29, %dot_general3A {dimension_numbers = #tpu.dot_dimension_numbers<[1], [0], [0], [1], [0, 0, 1, 1], [], []>, transpose_lhs_hint = false} : vector<1000x128xf32>, vector<128x128xf32>, vector<1000x128xf32> -> vector<1000x128xf32>
    %get3A_31 = arith.constant 0 : index
    %get3A_32 = arith.constant 0 : index
    %get3A_33 = vector.load %arg5[%get3A_31, %get3A_32] : memref<128x128xf32, #tpu.memory_space<vmem>>, vector<128x128xf32>
    %dot_general3A_34 = arith.constant dense<0.000000e+00> : vector<1000x128xf32>
    %dot_general3A_35 = tpu.matmul %add3A, %get3A_33, %dot_general3A_34 {dimension_numbers = #tpu.dot_dimension_numbers<[1], [0], [0], [1], [0, 0, 1, 1], [], []>, transpose_lhs_hint = false} : vector<1000x128xf32>, vector<128x128xf32>, vector<1000x128xf32> -> vector<1000x128xf32>
    %mul3A = vector.broadcast %div3A_23 : vector<1000x1xf32> to vector<1000x128xf32>
    %mul3A_36 = arith.mulf %dot_general3A_35, %mul3A : vector<1000x128xf32>
    %add3A_37 = arith.addf %dot_general3A_30, %mul3A_36 : vector<1000x128xf32>
    %get3A_38 = arith.constant 0 : index
    %get3A_39 = arith.constant 0 : index
    %get3A_40 = vector.load %arg6[%get3A_38, %get3A_39] : memref<1x128xf32, #tpu.memory_space<vmem>>, vector<1x128xf32>
    %add3A_41 = vector.broadcast %get3A_40 : vector<1x128xf32> to vector<1000x128xf32>
    %add3A_42 = arith.addf %add3A_37, %add3A_41 : vector<1000x128xf32>
    %max3A_43 = arith.constant 0.000000e+00 : f32
    %max3A_44 = vector.broadcast %max3A_43 : f32 to vector<1000x128xf32>
    %max3A_45 = arith.maximumf %add3A_42, %max3A_44 : vector<1000x128xf32>
    %get3A_46 = arith.constant 0 : index
    %get3A_47 = arith.constant 0 : index
    %get3A_48 = vector.load %arg7[%get3A_46, %get3A_47] : memref<128x64xf32, #tpu.memory_space<vmem>>, vector<128x64xf32>
    %dot_general3A_49 = arith.constant dense<0.000000e+00> : vector<1000x64xf32>
    %dot_general3A_50 = tpu.matmul %max3A_45, %get3A_48, %dot_general3A_49 {dimension_numbers = #tpu.dot_dimension_numbers<[1], [0], [0], [1], [0, 0, 1, 1], [], []>, transpose_lhs_hint = false} : vector<1000x128xf32>, vector<128x64xf32>, vector<1000x64xf32> -> vector<1000x64xf32>
    %get3A_51 = arith.constant 0 : index
    %get3A_52 = arith.constant 0 : index
    %get3A_53 = vector.load %arg8[%get3A_51, %get3A_52] : memref<1x64xf32, #tpu.memory_space<vmem>>, vector<1x64xf32>
    %add3A_54 = vector.broadcast %get3A_53 : vector<1x64xf32> to vector<1000x64xf32>
    %add3A_55 = arith.addf %dot_general3A_50, %add3A_54 : vector<1000x64xf32>
    %max3A_56 = arith.constant 0.000000e+00 : f32
    %max3A_57 = vector.broadcast %max3A_56 : f32 to vector<1000x64xf32>
    %max3A_58 = arith.maximumf %add3A_55, %max3A_57 : vector<1000x64xf32>
    %get3A_59 = arith.constant 0 : index
    %get3A_60 = arith.constant 0 : index
    %get3A_61 = vector.load %arg9[%get3A_59, %get3A_60] : memref<64x1xf32, #tpu.memory_space<vmem>>, vector<64x1xf32>
    %dot_general3A_62 = arith.constant dense<0.000000e+00> : vector<1000x1xf32>
    %dot_general3A_63 = tpu.matmul %max3A_58, %get3A_61, %dot_general3A_62 {dimension_numbers = #tpu.dot_dimension_numbers<[1], [0], [0], [1], [0, 0, 1, 1], [], []>, transpose_lhs_hint = false} : vector<1000x64xf32>, vector<64x1xf32>, vector<1000x1xf32> -> vector<1000x1xf32>
    %get3A_64 = arith.constant 0 : index
    %get3A_65 = arith.constant 0 : index
    %get3A_66 = vector.load %arg10[%get3A_64, %get3A_65] : memref<1x1xf32, #tpu.memory_space<vmem>>, vector<1x1xf32>
    %add3A_67 = vector.broadcast %get3A_66 : vector<1x1xf32> to vector<1000x1xf32>
    %add3A_68 = arith.addf %dot_general3A_63, %add3A_67 : vector<1000x1xf32>
    %swap3A = arith.constant 0 : index
    %swap3A_69 = arith.constant 0 : index
    %swap3A_70 = vector.load %arg11[%swap3A, %swap3A_69] : memref<1000x1xf32, #tpu.memory_space<vmem>>, vector<1000x1xf32>
    tpu.vector_store %arg11[%swap3A, %swap3A_69], %add3A_68 {strides = array<i32>} : memref<1000x1xf32, #tpu.memory_space<vmem>>, vector<1000x1xf32>,
    return
  }
  func.func @transform_0(%arg0: i32) -> (i32, i32) {
    %c0_i32 = arith.constant 0 : i32
    %c0_i32_0 = arith.constant 0 : i32
    return %arg0, %c0_i32 : i32, i32
  }
  func.func @transform_1(%arg0: i32) -> (i32, i32, i32) {
    %c0_i32 = arith.constant 0 : i32
    %c0_i32_0 = arith.constant 0 : i32
    %c0_i32_1 = arith.constant 0 : i32
    return %c0_i32, %arg0, %c0_i32_0 : i32, i32, i32
  }
  func.func @transform_2(%arg0: i32) -> (i32, i32, i32) {
    %c0_i32 = arith.constant 0 : i32
    %c0_i32_0 = arith.constant 0 : i32
    %c0_i32_1 = arith.constant 0 : i32
    return %c0_i32, %arg0, %c0_i32_0 : i32, i32, i32
  }
  func.func @transform_3(%arg0: i32) -> (i32, i32) {
    %c0_i32 = arith.constant 0 : i32
    %c0_i32_0 = arith.constant 0 : i32
    %c0_i32_1 = arith.constant 0 : i32
    return %c0_i32, %c0_i32_0 : i32, i32
  }
  func.func @transform_4(%arg0: i32) -> (i32, i32) {
    %c0_i32 = arith.constant 0 : i32
    %c0_i32_0 = arith.constant 0 : i32
    %c0_i32_1 = arith.constant 0 : i32
    return %c0_i32, %c0_i32_0 : i32, i32
  }
  func.func @transform_5(%arg0: i32) -> (i32, i32) {
    %c0_i32 = arith.constant 0 : i32
    %c0_i32_0 = arith.constant 0 : i32
    %c0_i32_1 = arith.constant 0 : i32
    return %c0_i32, %c0_i32_0 : i32, i32
  }
  func.func @transform_6(%arg0: i32) -> (i32, i32) {
    %c0_i32 = arith.constant 0 : i32
    %c0_i32_0 = arith.constant 0 : i32
    %c0_i32_1 = arith.constant 0 : i32
    return %c0_i32, %c0_i32_0 : i32, i32
  }
  func.func @transform_7(%arg0: i32) -> (i32, i32) {
    %c0_i32 = arith.constant 0 : i32
    %c0_i32_0 = arith.constant 0 : i32
    %c0_i32_1 = arith.constant 0 : i32
    return %c0_i32, %c0_i32_0 : i32, i32
  }
  func.func @transform_8(%arg0: i32) -> (i32, i32) {
    %c0_i32 = arith.constant 0 : i32
    %c0_i32_0 = arith.constant 0 : i32
    %c0_i32_1 = arith.constant 0 : i32
    return %c0_i32, %c0_i32_0 : i32, i32
  }
  func.func @transform_9(%arg0: i32) -> (i32, i32) {
    %c0_i32 = arith.constant 0 : i32
    %c0_i32_0 = arith.constant 0 : i32
    %c0_i32_1 = arith.constant 0 : i32
    return %c0_i32, %c0_i32_0 : i32, i32
  }
  func.func @transform_10(%arg0: i32) -> (i32, i32) {
    %c0_i32 = arith.constant 0 : i32
    %c0_i32_0 = arith.constant 0 : i32
    return %arg0, %c0_i32 : i32, i32
  }
}

</mosaic_0001>

<sc_bundles>
// kernel: kernel.10.cloned.1.call-start
scs
__scs_entry_jumppad:
0x0: {  	(pc) =	sbr.rel $0x88, $3  }
0x1: {  	(tag) =	ssettag $0x0;
	lr =	simm.s32 $0x1  }
0x2: {  	[smem:$0x3F95] =	sst lr;
	_ =	strace $0xD0000000  }
0x3: {  	_ = 	snop  }
0x4: {  	_ = 	snop  }
0x5: {  	_ = 	snop  }
0x6: {  	_ = 	snop  }
0x7: {  	_ = 	snop  }
__scs_overlays_trampoline_lowered:
0x8: {  	[smem:$0x3FA4] =	sst s0  }
0x9: {  	[smem:$0x3FA5] =	sst s1  }
0xa: {  	[smem:$0x3FA6] =	sst s2  }
0xb: {  	[smem:$0x3FA7] =	sst s3  }
0xc: {  	[smem:$0x3FA8] =	sst s4  }
0xd: {  	[smem:$0x3FA9] =	sst s5  }
0xe: {  	[smem:$0x3FAA] =	sst s6  }
0xf: {  	[smem:$0x3FAB] =	sst s7  }
0x10: {  	[smem:$0x3FAC] =	sst s8  }
0x11: {  	[smem:$0x3FAD] =	sst s9;
	s0 =	simm.s32 @!p0 $0x0  }
0x12: {  	s1 =	sld [smem:$0x3F93];
	s0 =	simm.s32 @p0 $0x1  }
0x13: {  	[smem:$0x3FAE] =	sst s0;
	s0 =	simm.s32 @!p1 $0x0  }
0x14: {  	s2 =	sld [smem:$0x3F92];
	s0 =	simm.s32 @p1 $0x1  }
0x15: {  	[smem:$0x3FAF] =	sst s0;
	s0 =	simm.s32 @!p2 $0x0  }
0x16: {  	s3 =	sld [smem:$0x3FDB];
	s0 =	simm.s32 @p2 $0x1  }
0x17: {  	s4 =	simm.s32 $0x1BF5;
	[smem:$0x3FB1] =	sst s0  }
0x18: {  	s0 =	sld [smem:$0x3F94];
	_ =	swait.ge [sflag:s4], $0x0  }
0x19: {  	s7 =	sld [smem:$0x3F95]  }
0x1a: {  	s8 =	sadd.s32 $0xFFFFE003, lr  }
0x1b: {  	s9 =	sadd.s32 $0xFFFFFEF7, lr;
	s5 =	simm.s32 $0xFFFFFFFF;
	p2 =	slt.u32 s8, $0xFFFFF086  }
0x1c: {  	p1 =	slt.u32 s9, $0xF7A;
	s5 =	simm.s32 @!p2 $0x0  }
0x1d: {  	s5 =	simm.s32 @p1 $0x1;
	p0 =	seq.s32 s7, s2  }
0x1e: {  	s7 =	smul.u32 @!p0 $0xF7A, s2;
	p2 =	seq.s32 @!p0 s5, $0x0  }
0x1f: {  	s9 =	smul.u32 $0xF7A, s1;
	s8 =	simm.s32 @!p0 $0x1BF5;
	p2 =	por !p2, p0  }
0x20: {  	[sflag:s8] =	ssyncset.s32 @!p0 $0xFFFFF086;
	s6 =	sadd.s32 @!p0 s3, s7;
	s7 =	simm.s32 @!p0 $0x108  }
0x21: {  	s3 =	sadd.s32 s3, s9;
	s6 =	sadd.s32 @!p0 $0x88, s6;
	s7 =	simm.s32 @p2 $0x1082  }
0x22: {  	[simem:s7], [sflag:s8] =	dma.local @!p0 [hbm:s6], $0xF7A  }
0x23: {  	s9 =	sor.u32 $0xD0000000, s2;
	s6 =	simm.s32 $0x108;
	_ =	swait.ge @!p0 [sflag:s8], $0x0  }
0x24: {  	s3 =	sadd.s32 $0x88, s3;
	s6 =	simm.s32 @!p1 $0x1082;
	[sflag:s4] =	ssyncset.s32 $0xFFFFF086  }
0x25: {  	[simem:s6], [sflag:s4] =	dma.local [hbm:s3], $0xF7A  }
0x26: {  	[smem:$0x3F95] =	sst s1;
	(tag) =	ssettag s2;
	_ =	strace s9  }
0x27: {  	s1 =	sld [smem:$0x3FA5]  }
0x28: {  	s2 =	sld [smem:$0x3FA6]  }
0x29: {  	s4 =	sld [smem:$0x3FA8]  }
0x2a: {  	p0 =	seq.s32 s5, $0x0;
	s5 =	sld [smem:$0x3FA9]  }
0x2b: {  	s6 =	sld [smem:$0x3FAA]  }
0x2c: {  	s7 =	sld [smem:$0x3FAB]  }
0x2d: {  	s3 =	simm.s32 $0x108;
	s8 =	sld [smem:$0x3FAC]  }
0x2e: {  	s3 =	simm.s32 @!p0 $0x1082;
	s9 =	sld [smem:$0x3FAD]  }
0x2f: {  	lr =	sadd.s32 s0, s3;
	s0 =	sld [smem:$0x3FA4]  }
0x30: {  	s3 =	sld [smem:$0x3FA7]  }
0x31: {  	[smem:$0x3FB0] =	sst s10  }
0x32: {  	s10 =	sld [smem:$0x3FAE];
	_ =	sdelay $0x3  }
0x33: {  	p0 =	seq.s32 s10, $0x1;
	s10 =	sld [smem:$0x3FB0];
	_ =	sdelay $0x3  }
0x34: {  	[smem:$0x3FB0] =	sst s10  }
0x35: {  	s10 =	sld [smem:$0x3FAF];
	_ =	sdelay $0x3  }
0x36: {  	p1 =	seq.s32 s10, $0x1;
	s10 =	sld [smem:$0x3FB0];
	_ =	sdelay $0x3  }
0x37: {  	[smem:$0x3FB0] =	sst s10  }
0x38: {  	s10 =	sld [smem:$0x3FB1]  }
0x39: {  	_ = 	snop;
	(pc) =	sbr.ind lr, $3  }
0x3a: {  	_ = 	snop  }
0x3b: {  	_ = 	snop  }
0x3c: {  	p2 =	seq.s32 s10, $0x1;
	s10 =	sld [smem:$0x3FB0]  }
0x3d: {  	_ =	shalt  }
0x3e: {  	_ =	shalt  }
0x3f: {  	_ =	shalt  }
0x40: {  	_ =	shalt  }
0x41: {  	_ =	shalt  }
0x42: {  	_ =	shalt  }
0x43: {  	_ =	shalt  }
0x44: {  	_ =	shalt  }
0x45: {  	_ =	shalt  }
0x46: {  	_ =	shalt  }
0x47: {  	_ =	shalt  }
0x48: {  	_ =	shalt  }
0x49: {  	_ =	shalt  }
0x4a: {  	_ =	shalt  }
0x4b: {  	_ =	shalt  }
0x4c: {  	_ =	shalt  }
0x4d: {  	_ =	shalt  }
0x4e: {  	_ =	shalt  }
0x4f: {  	_ =	shalt  }
0x50: {  	_ =	shalt  }
0x51: {  	_ =	shalt  }
0x52: {  	_ =	shalt  }
0x53: {  	_ =	shalt  }
0x54: {  	_ =	shalt  }
0x55: {  	_ =	shalt  }
0x56: {  	_ =	shalt  }
0x57: {  	_ =	shalt  }
0x58: {  	_ =	shalt  }
0x59: {  	_ =	shalt  }
0x5a: {  	_ =	shalt  }
0x5b: {  	_ =	shalt  }
0x5c: {  	_ =	shalt  }
0x5d: {  	_ =	shalt  }
0x5e: {  	_ =	shalt  }
0x5f: {  	_ =	shalt  }
0x60: {  	_ =	shalt  }
0x61: {  	_ =	shalt  }
0x62: {  	_ =	shalt  }
0x63: {  	_ =	shalt  }
0x64: {  	_ =	shalt  }
0x65: {  	_ =	shalt  }
0x66: {  	_ =	shalt  }
0x67: {  	_ =	shalt  }
0x68: {  	_ =	shalt  }
0x69: {  	_ =	shalt  }
0x6a: {  	_ =	shalt  }
0x6b: {  	_ =	shalt  }
0x6c: {  	_ =	shalt  }
0x6d: {  	_ =	shalt  }
0x6e: {  	_ =	shalt  }
0x6f: {  	_ =	shalt  }
0x70: {  	_ =	shalt  }
0x71: {  	_ =	shalt  }
0x72: {  	_ =	shalt  }
0x73: {  	_ =	shalt  }
0x74: {  	_ =	shalt  }
0x75: {  	_ =	shalt  }
0x76: {  	_ =	shalt  }
0x77: {  	_ =	shalt  }
0x78: {  	_ =	shalt  }
0x79: {  	_ =	shalt  }
0x7a: {  	_ =	shalt  }
0x7b: {  	_ =	shalt  }
0x7c: {  	_ =	shalt  }
0x7d: {  	_ =	shalt  }
0x7e: {  	_ =	shalt  }
0x7f: {  	_ =	shalt  }
0x80: {  	_ =	shalt  }
0x81: {  	_ =	shalt  }
0x82: {  	_ =	shalt  }
0x83: {  	_ =	shalt  }
0x84: {  	_ =	shalt  }
0x85: {  	_ =	shalt  }
0x86: {  	_ =	shalt  }
0x87: {  	_ =	shalt  }
.Lfunc_end0:
.L_simem_size_0:
called_computation.1_lowered:
.L_overlay_start_0:
0x88: {  	s2 =	sld [smem:$0x3FD9]  }
0x89: {  	s3 =	sld [smem:$0x3FFE];
	_ =	sdelay $0x1  }
0x8a: {  	s1 =	srdreg.scid  }
0x8b: {  	s0 =	sand.u32 $0x1, s1  }
0x8c: {  	s16 =	sshll.u32 s0, $0xA;
	s2 =	sadd.s32 s3, s2  }
0x8d: {  	s2 =	sadd.s32 s2, s16  }
0x8e: {  	[smem:$0x3FBC] =	sst s2  }
0x8f: {  	_ = 	snop  }
0x90: {  	(tm) =	ssettm $0x1  }
0x91: {  	s17 =	sld [smem:$0x3FFB];
	_ =	sdelay $0x3  }
0x92: {  	_ =	strace s17  }
0x93: {  	s2 =	sld [smem:$0x3FFC];
	_ =	sdelay $0x3  }
0x94: {  	_ =	strace s2  }
0x95: {  	s2 =	sld [smem:$0x3FFD];
	_ =	sdelay $0x3  }
0x96: {  	_ =	strace s2  }
0x97: {  	_ =	strace $0x8FFFFFFF  }
0x98: {  	s18 =	sld [smem:$0x3FDB];
	_ =	sdelay $0x1  }
0x99: {  	s19 =	simm.s32 $_scs_section_size  }
0x9a: {  	s4 =	simm.s32 $_size__tile_overlayer_lowered;
	s5 =	simm.s32 $_tile_overlayer_lowered  }
0x9b: {  	s22 =	simm.s32 $0x1BFF;
	s21 =	sshll.u32 s5, $0x1;
	s2 =	sadd.s32 s19, s18  }
0x9c: {  	s6 =	simm.s32 $0x0;
	s20 =	sshll.u32 s4, $0x1;
	s4 =	sadd.s32 s21, s2  }
0x9d: {  	[timem:s6], [sflag:s22] =	dma.local [hbm:s4], s20  }
0x9e: {  	_ =	swait.ge [sflag:s22], s20  }
0x9f: {  	s3 =	ssub.s32 $0x0, s20;
	[sflag:s22] =	ssyncset.done $0x0  }
0xa0: {  	[sflag:s22] =	ssyncadd.s32 s3;
	_ =	sdelay $0x1  }
0xa1: {  	s23 =	simm.s32 $0x1B8B  }
0xa2: {  	_ =	swait.ge [sflag:s23], $0x1  }
0xa3: {  	[sflag:s23] =	ssyncset.done $0x0  }
0xa4: {  	s25 =	simm.s32 $0x1B8E;
	s24 =	sld [smem:$0x3FFE];
	[sflag:s23] =	ssyncadd.s32 $0xFFFFFFFF  }
0xa5: {  	s26 =	simm.s32 $execute0_lowered;
	[smem:$0x3FD2] =	sst s25  }
0xa6: {  	s4 =	sshll.u32 s26, $0x1;
	_ =	strace $0x80000049;
	[dreg:$0x1] =	wrdreg $0xFFFFFFFF  }
0xa7: {  	s28 =	simm.s32 $_size_execute0_lowered;
	s2 =	sadd.s32 s2, s4;
	[dreg:$0x0] =	wrdreg $0x0  }
0xa8: {  	s4 =	sshll.u32 s28, $0x1;
	[dreg:$0x2] =	wrdreg s2  }
0xa9: {  	[dreg:$0x3] =	wrdreg s4  }
0xaa: {  	[dreg:$0x4] =	wrdreg $0xC0  }
0xab: {  	_ =	task [dreg:s6], $0x5FFFF  }
0xac: {  	[dreg:$0x1] =	wrdreg $0xFFFFFFFF  }
0xad: {  	[dreg:$0x0] =	wrdreg $0x60  }
0xae: {  	[dreg:$0x2] =	wrdreg s24  }
0xaf: {  	[dreg:$0x3] =	wrdreg $0x94000  }
0xb0: {  	[dreg:$0x4] =	wrdreg $0x9  }
0xb1: {  	_ =	task.clear_ibuf [dreg:s6], $0x5FFFF;
	_ =	strace $0x90000049  }
0xb2: {  	s29 =	simm.s32 $0x9;
	_ =	strace $0x8000004B  }
0xb3: {  	_ =	swait.ge [sflag:s29], $0x1  }
0xb4: {  	[sflag:s29] =	ssyncadd.s32 $0xFFFFFFFF  }
0xb5: {  	_ =	strace $0x9000004B  }
0xb6: {  	_ =	sfence  }
0xb7: {  	s30 =	sld [smem:$0x0];
	_ =	sdelay $0x2  }
0xb8: {  	s31 =	sshll.u32 s1, $0xD;
	s1 =	sshrl.u32 s1, $0x2  }
0xb9: {  	s3 =	sand.u32 $0x4000, s31;
	s1 =	sadd.s32 s1, s30  }
0xba: {  	s0 =	sor.u32 s3, s0;
	s1 =	sshll.u32 s1, $0x11  }
0xbb: {  	s0 =	sor.u32 s1, s0  }
0xbc: {  	s0 =	sadd.s32 $0x8F2B, s0  }
0xbd: {  	[sflag:s0] =	ssyncadd.remote.s32 $0x1  }
0xbe: {  	_ =	sfence.sel $0xFFFF  }
0xbf: {  	[dreg:$0x0] =	wrdreg $0xFFFFFFFF;
	(pc) =	sbr.abs _section_cstart, $3  }
0xc0: {  	[dreg:$0x1] =	wrdreg $0xFFFFFFFF  }
0xc1: {  	_ =	task.clear_ibuf [dreg:s6], $0x2FFFF;
	_ =	strace $0x9FFFFFFF  }
0xc2: {  	(tm) =	ssettm $0x7FFFFFFF  }
0xc3: {  	_ =	shalt  }
tec
execute0_lowered:
.L_overlay_start_1:
0x0: {  	(tag) =	ssettag $0x1  }
0x1: {  	s0 =	rddreg [dreg:$0x0]  }
0x2: {  	s2 =	rddreg [dreg:$0x1]  }
0x3: {  	s1 =	srdreg.scid;
	s10 =	stileid.u32  }
0x4: {  	s3 =	simm.s32 $0x0;
	s30 =	simm.s32 $0x5400;
	s5 =	smul.u32 $0x280, s10  }
0x5: {  	s1 =	sand.u32 $0x1, s1;
	[smem:$0x7FF] =	sst s3;
	s7 =	smul.u32 $0x50000, s10  }
0x6: {  	s4 =	sadd.s32 $0x70E00, s0;
	s8 =	sadd.s32 $0x2200, s0;
	s10 =	smul.u32 $0x2710, s10  }
0x7: {  	s9 =	sadd.s32 $0xC000, s0;
	s11 =	sadd.s32 $0x1FE00, s0;
	s6 =	smul.u32 $0x2800, s1  }
0x8: {  	_ =	strace $0x8000004A;
	s31 =	smul.u32 $0x27100, s1;
	s1 =	ssub.s32 $0x2, s1  }
0x9: {  	[dreg:$0xb] =	wrdreg s11;
	s11 =	sshrl.u32 s1, $0x1;
	s7 =	sshrl.u32 s7, $0x2  }
0xa: {  	s5 =	sadd.s32 s5, s6;
	s10 =	sadd.s32 s10, s31;
	s1 =	ssub.s32 s1, s11  }
0xb: {  	s20 =	sadd.s32 s7, s2;
	s11 =	simm.s32 $0x50;
	s5 =	sshll.u32 s5, $0x4  }
0xc: {  	s6 =	sadd.s32 $0x280, s10;
	s1 =	smax.u32 s1, $0x1;
	s28 =	sadd.s32 $0x10000, s20  }
0xd: {  	s0 =	sadd.s32 s5, s0;
	s5 =	sshrl.u32 s10, $0x3;
	[dreg:$0x18] =	wrdreg s1  }
0xe: {  	s1 =	simm.s32 $0x200;
	[smem:$0x7FD] =	sst s28;
	s12 =	sadd.s32 s8, s5  }
0xf: {  	s13 =	sadd.s32 s9, s5;
	s14 =	sadd.s32 $0xA, s5;
	[dreg:$0xc] =	wrdreg s12  }
0x10: {  	s17 =	sadd.s32 $0x14, s5;
	[dreg:$0xd] =	wrdreg s13;
	s15 =	sadd.s32 s8, s14  }
0x11: {  	s21 =	sadd.s32 $0x1E, s5;
	s16 =	sadd.s32 s9, s14;
	[dreg:$0xe] =	wrdreg s15  }
0x12: {  	s23 =	sadd.s32 $0x28, s5;
	s18 =	sadd.s32 s8, s17;
	[dreg:$0xf] =	wrdreg s16  }
0x13: {  	s5 =	sadd.s32 $0x32, s5;
	s19 =	sadd.s32 s9, s17;
	[dreg:$0x10] =	wrdreg s18  }
0x14: {  	s22 =	sadd.s32 s8, s21;
	s12 =	sadd.s32 $0x2D0, s10;
	[dreg:$0x11] =	wrdreg s19  }
0x15: {  	s24 =	sadd.s32 s9, s21;
	s25 =	sadd.s32 s8, s23;
	[dreg:$0x12] =	wrdreg s22  }
0x16: {  	s29 =	sadd.s32 s9, s23;
	s13 =	sshrl.u32 s6, $0x3;
	[dreg:$0x13] =	wrdreg s24  }
0x17: {  	s23 =	sadd.s32 $0x98000, s0;
	[dreg:$0x14] =	wrdreg s25;
	s26 =	sshrl.u32 s12, $0x3  }
0x18: {  	[dreg:$0x15] =	wrdreg s29;
	s14 =	sadd.s32 s13, s9;
	s15 =	sadd.s32 s8, s5  }
0x19: {  	s16 =	sadd.s32 $0x230, s10;
	s5 =	sadd.s32 s9, s5;
	[dreg:$0x1a] =	wrdreg s23  }
0x1a: {  	s17 =	sadd.s32 s13, s8;
	s10 =	sadd.s32 $0x1E0, s10;
	[dreg:$0x16] =	wrdreg s15  }
0x1b: {  	s24 =	sadd.s32 $0x4000, s20;
	s25 =	sadd.s32 $0x98800, s0;
	[dreg:$0x5] =	wrdreg s14  }
0x1c: {  	s29 =	sadd.s32 $0x99000, s0;
	s12 =	simm.s32 $0x400;
	[dreg:$0x17] =	wrdreg s5  }
0x1d: {  	s13 =	simm.s32 $0x1;
	s23 =	simm.s32 $0x0;
	[dreg:$0x6] =	wrdreg s17  }
0x1e: {  	s31 =	sadd.s32 s26, s9;
	s7 =	sadd.s32 s26, s8;
	[dreg:$0x1b] =	wrdreg s25  }
0x1f: {  	s21 =	sshrl.u32 s10, $0x3;
	[dreg:$0x1c] =	wrdreg s29;
	s25 =	sadd.s32 $0x8000, s20  }
0x20: {  	s5 =	simm.s32 $0x80;
	s10 =	simm.s32 $0x4;
	[dreg:$0x19] =	wrdreg s24  }
0x21: {  	s14 =	simm.s32 $0x180;
	s15 =	simm.s32 $0x380;
	[dreg:$0x3] =	wrdreg s31  }
0x22: {  	s17 =	simm.s32 $0x2C00;
	[dreg:$0x4] =	wrdreg s7;
	s7 =	sshrl.u32 s16, $0x3  }
0x23: {  	s22 =	sadd.s32 s21, s9;
	s26 =	sadd.s32 s21, s8;
	[dreg:$0x1f] =	wrdreg s25  }
0x24: {  	s31 =	sadd.s32 $0x99800, s0;
	s0 =	sadd.s32 $0x9A000, s0;
	[dreg:$0x9] =	wrdreg s22  }
0x25: {  	s16 =	simm.s32 $0x5;
	s21 =	simm.s32 $0x3;
	[dreg:$0xa] =	wrdreg s26  }
0x26: {  	s18 =	sadd.s32 s7, s9;
	s19 =	sadd.s32 s7, s8;
	[dreg:$0x1d] =	wrdreg s31  }
0x27: {  	[dreg:$0x1e] =	wrdreg s0;
	s26 =	sadd.s32 $0xC000, s20;
	s0 =	simm.s32 $0x9  }
0x28: {  	s7 =	simm.s32 $0x280;
	s8 =	simm.s32 $0x100;
	[dreg:$0x7] =	wrdreg s18  }
0x29: {  	s9 =	simm.s32 $0x300;
	s22 =	simm.s32 $0x7;
	[dreg:$0x8] =	wrdreg s19  }
0x2a: {  	s18 =	simm.s32 $0x2;
	s19 =	simm.s32 $0x6;
	[smem:$0x7FC] =	sst s26  }
.LBB2_1:
0x2b: {  	s6 =	rddreg [dreg:$0xb];
	s31 =	simm.s32 $0x8  }
0x2c: {  	[tilespmem:s30], [sflag:$0x8] =	stream.linear.gather [hbm4b:s6+s3], $0x4000, $0x38;
	[tilespmem:$0x1D400] =	vst v63  }
0x2d: {  	_ =	swait.ge [sflag:s31], $0x4000  }
0x2e: {  	[sflag:s31] =	ssyncset.done $0x0  }
0x2f: {  	[sflag:s31] =	ssyncadd.s32 $0xFFFFC000  }
0x30: {  	[spmem:s20] =	stream.linear.scatter [tilespmem:s30], [sflag:$0x9], $0x4000, $0x38;
	[tilespmem:$0x1D400] =	vst v63  }
0x31: {  	_ =	swait.ge [sflag:s0], $0x4000  }
0x32: {  	[sflag:s0] =	ssyncset.done $0x0  }
0x33: {  	[sflag:s0] =	ssyncadd.s32 $0xFFFFC000  }
0x34: {  	[spmem:s24] =	stream.linear.scatter [tilespmem:s30], [sflag:$0x9], $0x4000, $0x38;
	[tilespmem:$0x1D400] =	vst v63  }
0x35: {  	_ =	swait.ge [sflag:s0], $0x4000  }
0x36: {  	[sflag:s0] =	ssyncset.done $0x0  }
0x37: {  	[sflag:s0] =	ssyncadd.s32 $0xFFFFC000  }
0x38: {  	[spmem:s25] =	stream.linear.scatter [tilespmem:s30], [sflag:$0x9], $0x4000, $0x38;
	[tilespmem:$0x1D400] =	vst v63  }
0x39: {  	_ =	swait.ge [sflag:s0], $0x4000  }
0x3a: {  	[sflag:s0] =	ssyncset.done $0x0  }
0x3b: {  	[sflag:s0] =	ssyncadd.s32 $0xFFFFC000  }
0x3c: {  	[spmem:s26] =	stream.linear.scatter [tilespmem:s30], [sflag:$0x9], $0x4000, $0x38;
	[tilespmem:$0x1D400] =	vst v63  }
0x3d: {  	_ =	swait.ge [sflag:s0], $0x4000  }
0x3e: {  	[sflag:s0] =	ssyncset.done $0x0  }
0x3f: {  	[sflag:s0] =	ssyncadd.s32 $0xFFFFC000  }
0x40: {  	[spmem:s28] =	stream.linear.scatter [tilespmem:s30], [sflag:$0x9], $0x4000, $0x38;
	[tilespmem:$0x1D400] =	vst v63  }
0x41: {  	_ =	swait.ge [sflag:s0], $0x4000  }
0x42: {  	[sflag:s0] =	ssyncset.done $0x0  }
0x43: {  	[sflag:s0] =	ssyncadd.s32 $0xFFFFC000  }
0x44: {  	[bflag:$0x0] =	sbarrier.arrive $0xFFFF  }
0x45: {  	s26 =	rddreg [dreg:$0xc]  }
0x46: {  	[tilespmem:s3], [sflag:$0x4] =	stream.linear.gather [hbm4b:s26+s3], $0x50, $0x38;
	[tilespmem:$0x1D400] =	vst v63  }
0x47: {  	s28 =	rddreg [dreg:$0xd]  }
0x48: {  	[tilespmem:s1], [sflag:$0x4] =	stream.linear.gather [hbm4b:s28+s3], $0x50, $0x38;
	[tilespmem:$0x1D400] =	vst v63  }
0x49: {  	s31 =	rddreg [dreg:$0xe]  }
0x4a: {  	[tilespmem:s5], [sflag:$0x5] =	stream.linear.gather [hbm4b:s31+s3], $0x50, $0x38;
	[tilespmem:$0x1D400] =	vst v63  }
0x4b: {  	s29 =	smov.u32 s20;
	s20 =	rddreg [dreg:$0xf]  }
0x4c: {  	[tilespmem:s7], [sflag:$0x5] =	stream.linear.gather [hbm4b:s20+s3], $0x50, $0x38;
	[tilespmem:$0x1D400] =	vst v63  }
0x4d: {  	s24 =	rddreg [dreg:$0x10]  }
0x4e: {  	[tilespmem:s8], [sflag:$0x6] =	stream.linear.gather [hbm4b:s24+s3], $0x50, $0x38;
	[tilespmem:$0x1D400] =	vst v63  }
0x4f: {  	s25 =	rddreg [dreg:$0x11]  }
0x50: {  	[tilespmem:s9], [sflag:$0x6] =	stream.linear.gather [hbm4b:s25+s3], $0x50, $0x38;
	[tilespmem:$0x1D400] =	vst v63  }
0x51: {  	_ =	swait.ge [sflag:s10], $0x50  }
0x52: {  	[sflag:s10] =	ssyncset.done $0x0  }
0x53: {  	[sflag:s10] =	ssyncadd.s32 $0xFFFFFFB0  }
0x54: {  	_ =	swait.ge [sflag:s10], $0x50  }
0x55: {  	[sflag:s10] =	ssyncset.done $0x0  }
0x56: {  	[sflag:s10] =	ssyncadd.s32 $0xFFFFFFB0  }
0x57: {  	[tilespmem:s12], [sflag:$0x1] =	stream.indirect.gather [hbm4b:s4+s11], $0x80, s3, s11, $0xb8;
	[tilespmem:$0x1D400] =	vst v63  }
0x58: {  	_ =	swait.ge [sflag:s13], $0x2800  }
0x59: {  	[sflag:s13] =	ssyncset.done $0x0  }
0x5a: {  	[sflag:s13] =	ssyncadd.s32 $0xFFFFD800  }
0x5b: {  	[spmem:s2] =	stream.indirect.scatter.add.f32 [tilespmem:s12], [sflag:$0x2], $0x80, s1, s11, $0xb8;
	[tilespmem:$0x1D400] =	vst v63  }
0x5c: {  	s26 =	rddreg [dreg:$0x12]  }
0x5d: {  	[tilespmem:s14], [sflag:$0x7] =	stream.linear.gather [hbm4b:s26+s3], $0x50, $0x38;
	[tilespmem:$0x1D400] =	vst v63  }
0x5e: {  	s28 =	rddreg [dreg:$0x13]  }
0x5f: {  	[tilespmem:s15], [sflag:$0x7] =	stream.linear.gather [hbm4b:s28+s3], $0x50, $0x38;
	[tilespmem:$0x1D400] =	vst v63  }
0x60: {  	_ =	swait.ge [sflag:s16], $0x50  }
0x61: {  	[sflag:s16] =	ssyncset.done $0x0  }
0x62: {  	[sflag:s16] =	ssyncadd.s32 $0xFFFFFFB0  }
0x63: {  	_ =	swait.ge [sflag:s16], $0x50  }
0x64: {  	[sflag:s16] =	ssyncset.done $0x0  }
0x65: {  	[sflag:s16] =	ssyncadd.s32 $0xFFFFFFB0  }
0x66: {  	[tilespmem:s17], [sflag:$0x1] =	stream.indirect.gather [hbm4b:s4+s11], $0x80, s5, s11, $0xb8;
	[tilespmem:$0x1D400] =	vst v63  }
0x67: {  	_ =	swait.ge [sflag:s13], $0x2800  }
0x68: {  	[sflag:s13] =	ssyncset.done $0x0  }
0x69: {  	[sflag:s13] =	ssyncadd.s32 $0xFFFFD800  }
0x6a: {  	[spmem:s2] =	stream.indirect.scatter.add.f32 [tilespmem:s17], [sflag:$0x3], $0x80, s7, s11, $0xb8;
	[tilespmem:$0x1D400] =	vst v63  }
0x6b: {  	_ =	swait.ge [sflag:s18], $0x2800  }
0x6c: {  	[sflag:s18] =	ssyncset.done $0x0  }
0x6d: {  	s31 =	rddreg [dreg:$0x14];
	[sflag:s18] =	ssyncadd.s32 $0xFFFFD800  }
0x6e: {  	[tilespmem:s3], [sflag:$0x4] =	stream.linear.gather [hbm4b:s31+s3], $0x50, $0x38;
	[tilespmem:$0x1D400] =	vst v63  }
0x6f: {  	s20 =	rddreg [dreg:$0x15]  }
0x70: {  	[tilespmem:s1], [sflag:$0x4] =	stream.linear.gather [hbm4b:s20+s3], $0x50, $0x38;
	[tilespmem:$0x1D400] =	vst v63  }
0x71: {  	_ =	swait.ge [sflag:s19], $0x50  }
0x72: {  	[sflag:s19] =	ssyncset.done $0x0  }
0x73: {  	[sflag:s19] =	ssyncadd.s32 $0xFFFFFFB0  }
0x74: {  	_ =	swait.ge [sflag:s19], $0x50  }
0x75: {  	[sflag:s19] =	ssyncset.done $0x0  }
0x76: {  	[sflag:s19] =	ssyncadd.s32 $0xFFFFFFB0  }
0x77: {  	[tilespmem:s12], [sflag:$0x1] =	stream.indirect.gather [hbm4b:s4+s11], $0x80, s8, s11, $0xb8;
	[tilespmem:$0x1D400] =	vst v63  }
0x78: {  	_ =	swait.ge [sflag:s13], $0x2800  }
0x79: {  	[sflag:s13] =	ssyncset.done $0x0  }
0x7a: {  	[sflag:s13] =	ssyncadd.s32 $0xFFFFD800  }
0x7b: {  	[spmem:s2] =	stream.indirect.scatter.add.f32 [tilespmem:s12], [sflag:$0x2], $0x80, s9, s11, $0xb8;
	[tilespmem:$0x1D400] =	vst v63  }
0x7c: {  	_ =	swait.ge [sflag:s21], $0x2800  }
0x7d: {  	[sflag:s21] =	ssyncset.done $0x0  }
0x7e: {  	s24 =	rddreg [dreg:$0x16];
	[sflag:s21] =	ssyncadd.s32 $0xFFFFD800  }
0x7f: {  	[tilespmem:s5], [sflag:$0x5] =	stream.linear.gather [hbm4b:s24+s3], $0x50, $0x38;
	[tilespmem:$0x1D400] =	vst v63  }
0x80: {  	s25 =	rddreg [dreg:$0x17]  }
0x81: {  	[tilespmem:s7], [sflag:$0x5] =	stream.linear.gather [hbm4b:s25+s3], $0x50, $0x38;
	[tilespmem:$0x1D400] =	vst v63  }
0x82: {  	_ =	swait.ge [sflag:s22], $0x50  }
0x83: {  	[sflag:s22] =	ssyncset.done $0x0  }
0x84: {  	[sflag:s22] =	ssyncadd.s32 $0xFFFFFFB0  }
0x85: {  	_ =	swait.ge [sflag:s22], $0x50  }
0x86: {  	[sflag:s22] =	ssyncset.done $0x0  }
0x87: {  	[sflag:s22] =	ssyncadd.s32 $0xFFFFFFB0  }
0x88: {  	[tilespmem:s17], [sflag:$0x1] =	stream.indirect.gather [hbm4b:s4+s11], $0x80, s14, s11, $0xb8;
	[tilespmem:$0x1D400] =	vst v63  }
0x89: {  	_ =	swait.ge [sflag:s13], $0x2800  }
0x8a: {  	[sflag:s13] =	ssyncset.done $0x0  }
0x8b: {  	[sflag:s13] =	ssyncadd.s32 $0xFFFFD800  }
0x8c: {  	[spmem:s2] =	stream.indirect.scatter.add.f32 [tilespmem:s17], [sflag:$0x3], $0x80, s15, s11, $0xb8;
	[tilespmem:$0x1D400] =	vst v63  }
0x8d: {  	_ =	swait.ge [sflag:s18], $0x2800  }
0x8e: {  	s26 =	rddreg [dreg:$0xa];
	[sflag:s18] =	ssyncset.done $0x0  }
0x8f: {  	s28 =	rddreg [dreg:$0x9];
	[sflag:s18] =	ssyncadd.s32 $0xFFFFD800;
	s24 =	sadd.s32 $0x0, s26  }
0x90: {  	[tilespmem:s8], [sflag:$0x6] =	stream.linear.gather [hbm4b:s24+s3], $0x50, $0x38;
	[tilespmem:$0x1D400] =	vst v63  }
0x91: {  	s31 =	sadd.s32 $0x0, s28  }
0x92: {  	[tilespmem:s9], [sflag:$0x6] =	stream.linear.gather [hbm4b:s31+s3], $0x50, $0x38;
	[tilespmem:$0x1D400] =	vst v63  }
0x93: {  	_ =	swait.ge [sflag:s10], $0x50  }
0x94: {  	[sflag:s10] =	ssyncset.done $0x0  }
0x95: {  	[sflag:s10] =	ssyncadd.s32 $0xFFFFFFB0  }
0x96: {  	_ =	swait.ge [sflag:s10], $0x50  }
0x97: {  	[sflag:s10] =	ssyncset.done $0x0  }
0x98: {  	[sflag:s10] =	ssyncadd.s32 $0xFFFFFFB0  }
0x99: {  	[tilespmem:s12], [sflag:$0x1] =	stream.indirect.gather [hbm4b:s4+s11], $0x80, s3, s11, $0xb8;
	[tilespmem:$0x1D400] =	vst v63  }
0x9a: {  	_ =	swait.ge [sflag:s13], $0x2800  }
0x9b: {  	[sflag:s13] =	ssyncset.done $0x0  }
0x9c: {  	[sflag:s13] =	ssyncadd.s32 $0xFFFFD800  }
0x9d: {  	[spmem:s2] =	stream.indirect.scatter.add.f32 [tilespmem:s12], [sflag:$0x2], $0x80, s1, s11, $0xb8;
	[tilespmem:$0x1D400] =	vst v63  }
0x9e: {  	_ =	swait.ge [sflag:s21], $0x2800  }
0x9f: {  	s6 =	rddreg [dreg:$0x8];
	[sflag:s21] =	ssyncset.done $0x0  }
0xa0: {  	s20 =	rddreg [dreg:$0x7];
	[sflag:s21] =	ssyncadd.s32 $0xFFFFD800;
	s24 =	sadd.s32 $0x0, s6  }
0xa1: {  	[tilespmem:s14], [sflag:$0x7] =	stream.linear.gather [hbm4b:s24+s3], $0x50, $0x38;
	[tilespmem:$0x1D400] =	vst v63  }
0xa2: {  	s25 =	sadd.s32 $0x0, s20  }
0xa3: {  	[tilespmem:s15], [sflag:$0x7] =	stream.linear.gather [hbm4b:s25+s3], $0x50, $0x38;
	[tilespmem:$0x1D400] =	vst v63  }
0xa4: {  	_ =	swait.ge [sflag:s16], $0x50  }
0xa5: {  	[sflag:s16] =	ssyncset.done $0x0  }
0xa6: {  	[sflag:s16] =	ssyncadd.s32 $0xFFFFFFB0  }
0xa7: {  	_ =	swait.ge [sflag:s16], $0x50  }
0xa8: {  	[sflag:s16] =	ssyncset.done $0x0  }
0xa9: {  	[sflag:s16] =	ssyncadd.s32 $0xFFFFFFB0  }
0xaa: {  	[tilespmem:s17], [sflag:$0x1] =	stream.indirect.gather [hbm4b:s4+s11], $0x80, s5, s11, $0xb8;
	[tilespmem:$0x1D400] =	vst v63  }
0xab: {  	_ =	swait.ge [sflag:s13], $0x2800  }
0xac: {  	[sflag:s13] =	ssyncset.done $0x0  }
0xad: {  	[sflag:s13] =	ssyncadd.s32 $0xFFFFD800  }
0xae: {  	[spmem:s2] =	stream.indirect.scatter.add.f32 [tilespmem:s17], [sflag:$0x3], $0x80, s7, s11, $0xb8;
	[tilespmem:$0x1D400] =	vst v63  }
0xaf: {  	_ =	swait.ge [sflag:s18], $0x2800  }
0xb0: {  	s26 =	rddreg [dreg:$0x6];
	[sflag:s18] =	ssyncset.done $0x0  }
0xb1: {  	s28 =	rddreg [dreg:$0x5];
	[sflag:s18] =	ssyncadd.s32 $0xFFFFD800;
	s24 =	sadd.s32 $0x0, s26  }
0xb2: {  	[tilespmem:s3], [sflag:$0x4] =	stream.linear.gather [hbm4b:s24+s3], $0x50, $0x38;
	[tilespmem:$0x1D400] =	vst v63  }
0xb3: {  	s31 =	sadd.s32 $0x0, s28  }
0xb4: {  	[tilespmem:s1], [sflag:$0x4] =	stream.linear.gather [hbm4b:s31+s3], $0x50, $0x38;
	[tilespmem:$0x1D400] =	vst v63  }
0xb5: {  	_ =	swait.ge [sflag:s19], $0x50  }
0xb6: {  	[sflag:s19] =	ssyncset.done $0x0  }
0xb7: {  	[sflag:s19] =	ssyncadd.s32 $0xFFFFFFB0  }
0xb8: {  	_ =	swait.ge [sflag:s19], $0x50  }
0xb9: {  	[sflag:s19] =	ssyncset.done $0x0  }
0xba: {  	[sflag:s19] =	ssyncadd.s32 $0xFFFFFFB0  }
0xbb: {  	[tilespmem:s12], [sflag:$0x1] =	stream.indirect.gather [hbm4b:s4+s11], $0x80, s8, s11, $0xb8;
	[tilespmem:$0x1D400] =	vst v63  }
0xbc: {  	_ =	swait.ge [sflag:s13], $0x2800  }
0xbd: {  	[sflag:s13] =	ssyncset.done $0x0  }
0xbe: {  	p0 =	por $0x0, $0x0;
	[sflag:s13] =	ssyncadd.s32 $0xFFFFD800  }
0xbf: {  	[spmem:s2] =	stream.indirect.scatter.add.f32 [tilespmem:s12], [sflag:$0x2], $0x80, s9, s11, $0xb8;
	[tilespmem:$0x1D400] =	vst v63  }
0xc0: {  	s6 =	simm.s32 @!p0 $0x80;
	_ =	swait.ge [sflag:s21], $0x2800  }
0xc1: {  	s31 =	simm.s32 @!p0 $0x0;
	s24 =	rddreg [dreg:$0x4];
	[sflag:s21] =	ssyncset.done $0x0  }
0xc2: {  	s25 =	rddreg [dreg:$0x3];
	[sflag:s21] =	ssyncadd.s32 $0xFFFFD800;
	s24 =	sadd.s32 @!p0 $0x0, s24  }
0xc3: {  	[tilespmem:s6], [sflag:$0x5] =	stream.linear.gather @!p0 [hbm4b:s24+s31], $0x50, $0x38;
	[tilespmem:$0x1D400] =	vst v63  }
0xc4: {  	s6 =	simm.s32 @!p0 $0x280;
	s24 =	sadd.s32 @!p0 $0x0, s25  }
0xc5: {  	[tilespmem:s6], [sflag:$0x5] =	stream.linear.gather @!p0 [hbm4b:s24+s31], $0x50, $0x38;
	[tilespmem:$0x1D400] =	vst v63  }
0xc6: {  	_ =	swait.ge [sflag:s22], $0x50  }
0xc7: {  	[sflag:s22] =	ssyncset.done $0x0  }
0xc8: {  	[sflag:s22] =	ssyncadd.s32 $0xFFFFFFB0  }
0xc9: {  	_ =	swait.ge [sflag:s22], $0x50  }
0xca: {  	[sflag:s22] =	ssyncset.done $0x0  }
0xcb: {  	[sflag:s22] =	ssyncadd.s32 $0xFFFFFFB0  }
0xcc: {  	[tilespmem:s17], [sflag:$0x1] =	stream.indirect.gather [hbm4b:s4+s11], $0x80, s14, s11, $0xb8;
	[tilespmem:$0x1D400] =	vst v63  }
0xcd: {  	_ =	swait.ge [sflag:s13], $0x2800  }
0xce: {  	s24 =	simm.s32 $0x28;
	[sflag:s13] =	ssyncset.done $0x0  }
.LBB2_2:
0xcf: {  	[sflag:s13] =	ssyncadd.s32 $0xFFFFD800  }
0xd0: {  	[spmem:s2] =	stream.indirect.scatter.add.f32 [tilespmem:s17], [sflag:$0x3], $0x80, s15, s11, $0xb8;
	[tilespmem:$0x1D400] =	vst v63  }
0xd1: {  	_ =	swait.ge [sflag:s18], $0x2800  }
0xd2: {  	s25 =	smov.u32 s24;
	s6 =	rddreg [dreg:$0xa];
	[sflag:s18] =	ssyncset.done $0x0  }
0xd3: {  	s31 =	rddreg [dreg:$0x9];
	[sflag:s18] =	ssyncadd.s32 $0xFFFFD800;
	s6 =	sadd.s32 s25, s6  }
0xd4: {  	[tilespmem:s8], [sflag:$0x6] =	stream.linear.gather [hbm4b:s6+s3], $0x50, $0x38;
	[tilespmem:$0x1D400] =	vst v63  }
0xd5: {  	s20 =	sadd.s32 s25, s31  }
0xd6: {  	[tilespmem:s9], [sflag:$0x6] =	stream.linear.gather [hbm4b:s20+s3], $0x50, $0x38;
	[tilespmem:$0x1D400] =	vst v63  }
0xd7: {  	_ =	swait.ge [sflag:s10], $0x50  }
0xd8: {  	[sflag:s10] =	ssyncset.done $0x0  }
0xd9: {  	[sflag:s10] =	ssyncadd.s32 $0xFFFFFFB0  }
0xda: {  	_ =	swait.ge [sflag:s10], $0x50  }
0xdb: {  	[sflag:s10] =	ssyncset.done $0x0  }
0xdc: {  	[sflag:s10] =	ssyncadd.s32 $0xFFFFFFB0  }
0xdd: {  	[tilespmem:s12], [sflag:$0x1] =	stream.indirect.gather [hbm4b:s4+s11], $0x80, s3, s11, $0xb8;
	[tilespmem:$0x1D400] =	vst v63  }
0xde: {  	_ =	swait.ge [sflag:s13], $0x2800  }
0xdf: {  	[sflag:s13] =	ssyncset.done $0x0  }
0xe0: {  	[sflag:s13] =	ssyncadd.s32 $0xFFFFD800  }
0xe1: {  	[spmem:s2] =	stream.indirect.scatter.add.f32 [tilespmem:s12], [sflag:$0x2], $0x80, s1, s11, $0xb8;
	[tilespmem:$0x1D400] =	vst v63  }
0xe2: {  	_ =	swait.ge [sflag:s21], $0x2800  }
0xe3: {  	s26 =	rddreg [dreg:$0x8];
	[sflag:s21] =	ssyncset.done $0x0  }
0xe4: {  	s28 =	rddreg [dreg:$0x7];
	[sflag:s21] =	ssyncadd.s32 $0xFFFFD800;
	s6 =	sadd.s32 s25, s26  }
0xe5: {  	[tilespmem:s14], [sflag:$0x7] =	stream.linear.gather [hbm4b:s6+s3], $0x50, $0x38;
	[tilespmem:$0x1D400] =	vst v63  }
0xe6: {  	s20 =	sadd.s32 s25, s28  }
0xe7: {  	[tilespmem:s15], [sflag:$0x7] =	stream.linear.gather [hbm4b:s20+s3], $0x50, $0x38;
	[tilespmem:$0x1D400] =	vst v63  }
0xe8: {  	_ =	swait.ge [sflag:s16], $0x50  }
0xe9: {  	[sflag:s16] =	ssyncset.done $0x0  }
0xea: {  	[sflag:s16] =	ssyncadd.s32 $0xFFFFFFB0  }
0xeb: {  	_ =	swait.ge [sflag:s16], $0x50  }
0xec: {  	[sflag:s16] =	ssyncset.done $0x0  }
0xed: {  	[sflag:s16] =	ssyncadd.s32 $0xFFFFFFB0  }
0xee: {  	[tilespmem:s17], [sflag:$0x1] =	stream.indirect.gather [hbm4b:s4+s11], $0x80, s5, s11, $0xb8;
	[tilespmem:$0x1D400] =	vst v63  }
0xef: {  	_ =	swait.ge [sflag:s13], $0x2800  }
0xf0: {  	[sflag:s13] =	ssyncset.done $0x0  }
0xf1: {  	[sflag:s13] =	ssyncadd.s32 $0xFFFFD800  }
0xf2: {  	[spmem:s2] =	stream.indirect.scatter.add.f32 [tilespmem:s17], [sflag:$0x3], $0x80, s7, s11, $0xb8;
	[tilespmem:$0x1D400] =	vst v63  }
0xf3: {  	_ =	swait.ge [sflag:s18], $0x2800  }
0xf4: {  	s26 =	rddreg [dreg:$0x6];
	[sflag:s18] =	ssyncset.done $0x0  }
0xf5: {  	s28 =	rddreg [dreg:$0x5];
	[sflag:s18] =	ssyncadd.s32 $0xFFFFD800;
	s6 =	sadd.s32 s25, s26  }
0xf6: {  	[tilespmem:s3], [sflag:$0x4] =	stream.linear.gather [hbm4b:s6+s3], $0x50, $0x38;
	[tilespmem:$0x1D400] =	vst v63  }
0xf7: {  	s31 =	sadd.s32 s25, s28  }
0xf8: {  	[tilespmem:s1], [sflag:$0x4] =	stream.linear.gather [hbm4b:s31+s3], $0x50, $0x38;
	[tilespmem:$0x1D400] =	vst v63  }
0xf9: {  	_ =	swait.ge [sflag:s19], $0x50  }
0xfa: {  	[sflag:s19] =	ssyncset.done $0x0  }
0xfb: {  	[sflag:s19] =	ssyncadd.s32 $0xFFFFFFB0  }
0xfc: {  	_ =	swait.ge [sflag:s19], $0x50  }
0xfd: {  	[sflag:s19] =	ssyncset.done $0x0  }
0xfe: {  	[sflag:s19] =	ssyncadd.s32 $0xFFFFFFB0  }
0xff: {  	[tilespmem:s12], [sflag:$0x1] =	stream.indirect.gather [hbm4b:s4+s11], $0x80, s8, s11, $0xb8;
	[tilespmem:$0x1D400] =	vst v63  }
0x100: {  	_ =	swait.ge [sflag:s13], $0x2800  }
0x101: {  	[sflag:s13] =	ssyncset.done $0x0  }
0x102: {  	p1 =	seq.s32 s25, $0x488;
	[sflag:s13] =	ssyncadd.s32 $0xFFFFD800  }
0x103: {  	[spmem:s2] =	stream.indirect.scatter.add.f32 [tilespmem:s12], [sflag:$0x2], $0x80, s9, s11, $0xb8;
	[tilespmem:$0x1D400] =	vst v63  }
0x104: {  	s20 =	simm.s32 @!p1 $0x0;
	_ =	swait.ge [sflag:s21], $0x2800  }
0x105: {  	s26 =	simm.s32 @!p1 $0x80;
	s6 =	rddreg [dreg:$0x4];
	[sflag:s21] =	ssyncset.done $0x0  }
0x106: {  	s31 =	rddreg [dreg:$0x3];
	[sflag:s21] =	ssyncadd.s32 $0xFFFFD800;
	s6 =	sadd.s32 @!p1 s25, s6  }
0x107: {  	[tilespmem:s26], [sflag:$0x5] =	stream.linear.gather @!p1 [hbm4b:s6+s20], $0x50, $0x38;
	[tilespmem:$0x1D400] =	vst v63  }
0x108: {  	s28 =	simm.s32 @!p1 $0x280;
	s6 =	sadd.s32 @!p1 s25, s31  }
0x109: {  	[tilespmem:s28], [sflag:$0x5] =	stream.linear.gather @!p1 [hbm4b:s6+s20], $0x50, $0x38;
	[tilespmem:$0x1D400] =	vst v63  }
0x10a: {  	_ =	swait.ge [sflag:s22], $0x50  }
0x10b: {  	[sflag:s22] =	ssyncset.done $0x0  }
0x10c: {  	s24 =	sadd.s32 $0x28, s24;
	[sflag:s22] =	ssyncadd.s32 $0xFFFFFFB0  }
0x10d: {  	p0 =	sne.s32 s24, $0x4B0;
	_ =	swait.ge [sflag:s22], $0x50  }
.Ltmp0:
0x10e: {  	[sflag:s22] =	ssyncset.done $0x0;
	(pc) =	sbr.rel @p0 .LBB2_2-.Ltmp0, $4  }
0x10f: {  	[sflag:s22] =	ssyncadd.s32 $0xFFFFFFB0  }
0x110: {  	[tilespmem:s17], [sflag:$0x1] =	stream.indirect.gather [hbm4b:s4+s11], $0x80, s14, s11, $0xb8;
	[tilespmem:$0x1D400] =	vst v63  }
0x111: {  	_ =	swait.ge [sflag:s13], $0x2800  }
0x112: {  	[sflag:s13] =	ssyncset.done $0x0  }
0x113: {  	[sflag:s13] =	ssyncadd.s32 $0xFFFFD800  }
0x114: {  	[spmem:s2] =	stream.indirect.scatter.add.f32 [tilespmem:s17], [sflag:$0x3], $0x80, s15, s11, $0xb8;
	[tilespmem:$0x1D400] =	vst v63  }
0x115: {  	_ =	swait.ge [sflag:s18], $0x2800  }
0x116: {  	[sflag:s18] =	ssyncset.done $0x0  }
0x117: {  	[sflag:s18] =	ssyncadd.s32 $0xFFFFD800  }
0x118: {  	_ =	swait.ge [sflag:s10], $0x50  }
0x119: {  	[sflag:s10] =	ssyncset.done $0x0  }
0x11a: {  	[sflag:s10] =	ssyncadd.s32 $0xFFFFFFB0  }
0x11b: {  	_ =	swait.ge [sflag:s10], $0x50  }
0x11c: {  	[sflag:s10] =	ssyncset.done $0x0  }
0x11d: {  	[sflag:s10] =	ssyncadd.s32 $0xFFFFFFB0  }
0x11e: {  	[tilespmem:s12], [sflag:$0x1] =	stream.indirect.gather [hbm4b:s4+s11], $0x80, s3, s11, $0xb8;
	[tilespmem:$0x1D400] =	vst v63  }
0x11f: {  	_ =	swait.ge [sflag:s13], $0x2800  }
0x120: {  	[sflag:s13] =	ssyncset.done $0x0  }
0x121: {  	[sflag:s13] =	ssyncadd.s32 $0xFFFFD800  }
0x122: {  	[spmem:s2] =	stream.indirect.scatter.add.f32 [tilespmem:s12], [sflag:$0x2], $0x80, s1, s11, $0xb8;
	[tilespmem:$0x1D400] =	vst v63  }
0x123: {  	_ =	swait.ge [sflag:s21], $0x2800  }
0x124: {  	[sflag:s21] =	ssyncset.done $0x0  }
0x125: {  	[sflag:s21] =	ssyncadd.s32 $0xFFFFD800  }
0x126: {  	_ =	swait.ge [sflag:s18], $0x2800  }
0x127: {  	[sflag:s18] =	ssyncset.done $0x0  }
0x128: {  	[sflag:s18] =	ssyncadd.s32 $0xFFFFD800  }
0x129: {  	[bflag:$0x0] =	sbarrier.arrive $0xFFFF  }
0x12a: {  	[tilespmem:s30], [sflag:$0x9] =	stream.linear.gather [spmem:s29], $0x4000, $0x38;
	[tilespmem:$0x1D400] =	vst v63  }
0x12b: {  	_ =	swait.ge [sflag:s0], $0x4000  }
0x12c: {  	[sflag:s0] =	ssyncset.done $0x0  }
0x12d: {  	s6 =	rddreg [dreg:$0x1a];
	[sflag:s0] =	ssyncadd.s32 $0xFFFFC000  }
0x12e: {  	[hbm4b:s6+s3] =	stream.linear.scatter [tilespmem:s30], [sflag:$0x9], $0x4000, $0x38;
	[tilespmem:$0x1D400] =	vst v63  }
0x12f: {  	_ =	swait.ge [sflag:s0], $0x4000  }
0x130: {  	[sflag:s0] =	ssyncset.done $0x0  }
0x131: {  	s24 =	rddreg [dreg:$0x19];
	[sflag:s0] =	ssyncadd.s32 $0xFFFFC000  }
0x132: {  	[tilespmem:s30], [sflag:$0x9] =	stream.linear.gather [spmem:s24], $0x4000, $0x38;
	[tilespmem:$0x1D400] =	vst v63  }
0x133: {  	_ =	swait.ge [sflag:s0], $0x4000  }
0x134: {  	[sflag:s0] =	ssyncset.done $0x0  }
0x135: {  	s26 =	rddreg [dreg:$0x1b];
	[sflag:s0] =	ssyncadd.s32 $0xFFFFC000  }
0x136: {  	[hbm4b:s26+s3] =	stream.linear.scatter [tilespmem:s30], [sflag:$0x9], $0x4000, $0x38;
	[tilespmem:$0x1D400] =	vst v63  }
0x137: {  	_ =	swait.ge [sflag:s0], $0x4000  }
0x138: {  	[sflag:s0] =	ssyncset.done $0x0  }
0x139: {  	s25 =	rddreg [dreg:$0x1f];
	[sflag:s0] =	ssyncadd.s32 $0xFFFFC000  }
0x13a: {  	[tilespmem:s30], [sflag:$0x9] =	stream.linear.gather [spmem:s25], $0x4000, $0x38;
	[tilespmem:$0x1D400] =	vst v63  }
0x13b: {  	_ =	swait.ge [sflag:s0], $0x4000  }
0x13c: {  	[sflag:s0] =	ssyncset.done $0x0  }
0x13d: {  	s20 =	smov.u32 s29;
	s29 =	rddreg [dreg:$0x1c];
	[sflag:s0] =	ssyncadd.s32 $0xFFFFC000  }
0x13e: {  	[hbm4b:s29+s3] =	stream.linear.scatter [tilespmem:s30], [sflag:$0x9], $0x4000, $0x38;
	[tilespmem:$0x1D400] =	vst v63  }
0x13f: {  	_ =	swait.ge [sflag:s0], $0x4000  }
0x140: {  	s26 =	sld [smem:$0x7FC]  }
0x141: {  	[sflag:s0] =	ssyncset.done $0x0  }
0x142: {  	[sflag:s0] =	ssyncadd.s32 $0xFFFFC000  }
0x143: {  	[tilespmem:s30], [sflag:$0x9] =	stream.linear.gather [spmem:s26], $0x4000, $0x38;
	[tilespmem:$0x1D400] =	vst v63  }
0x144: {  	_ =	swait.ge [sflag:s0], $0x4000  }
0x145: {  	[sflag:s0] =	ssyncset.done $0x0  }
0x146: {  	s31 =	rddreg [dreg:$0x1d];
	[sflag:s0] =	ssyncadd.s32 $0xFFFFC000  }
0x147: {  	[hbm4b:s31+s3] =	stream.linear.scatter [tilespmem:s30], [sflag:$0x9], $0x4000, $0x38;
	[tilespmem:$0x1D400] =	vst v63  }
0x148: {  	_ =	swait.ge [sflag:s0], $0x4000  }
0x149: {  	s28 =	sld [smem:$0x7FD]  }
0x14a: {  	[sflag:s0] =	ssyncset.done $0x0  }
0x14b: {  	[sflag:s0] =	ssyncadd.s32 $0xFFFFC000  }
0x14c: {  	[tilespmem:s30], [sflag:$0x9] =	stream.linear.gather [spmem:s28], $0x4000, $0x38;
	[tilespmem:$0x1D400] =	vst v63  }
0x14d: {  	_ =	swait.ge [sflag:s0], $0x4000  }
0x14e: {  	[sflag:s0] =	ssyncset.done $0x0  }
0x14f: {  	s29 =	rddreg [dreg:$0x1e];
	[sflag:s0] =	ssyncadd.s32 $0xFFFFC000  }
0x150: {  	[hbm4b:s29+s3] =	stream.linear.scatter [tilespmem:s30], [sflag:$0x9], $0x4000, $0x38;
	[tilespmem:$0x1D400] =	vst v63  }
0x151: {  	_ =	swait.ge [sflag:s0], $0x4000  }
0x152: {  	s23 =	sadd.s32 $0x1, s23;
	s31 =	rddreg [dreg:$0x18]  }
0x153: {  	p0 =	sne.s32 s23, s31  }
.Ltmp1:
0x154: {  	_ = 	snop;
	(pc) =	sbr.rel @p0 .LBB2_1-.Ltmp1, $3  }
0x155: {  	_ =	sdelay $0x1  }
0x156: {  	[sflag:s0] =	ssyncset.done $0x0  }
0x157: {  	[sflag:s0] =	ssyncadd.s32 $0xFFFFC000  }
0x158: {  	_ =	sfence.sel $0x180000  }
0x159: {  	[bflag:$0x0] =	sbarrier.arrive $0xFFFF  }
0x15a: {  	_ =	strace $0x9000004A  }
0x15b: {  	s0 =	stileid.u32;
	[bflag:$0x2] =	sbarrier.arrive $0xFFFF  }
0x15c: {  	p0 =	sne.s32 s0, $0x0;
	s0 =	rddreg [dreg:$0x2]  }
0x15d: {  	s0 =	sadd.s32 @!p0 $0x100000, s0  }
0x15e: {  	[sflag:s0] =	ssyncadd.tile.s32 @!p0 $0x1;
	_ =	shalt  }
.Lfunc_end2:
_tile_overlayer_lowered:
.L_overlay_start_2:
0x15f: {  	(tag) =	ssettag $0x2  }
0x160: {  	s0 =	rddreg [dreg:$0x0];
	s2 =	stileid.u32  }
0x161: {  	s1 =	rddreg [dreg:$0x1];
	p0 =	sne.s32 s2, $0x0  }
0x162: {  	s3 =	rddreg [dreg:$0x2];
	[bflag:$0x3] =	sbarrier.arrive $0xFFFF;
	s2 =	simm.s32 @!p0 $0x1C09  }
0x163: {  	[timem:s3], [sflag:s2] =	dma.local @!p0 [hbm:s0], s1  }
0x164: {  	s0 =	simm.s32 @!p0 $0x9  }
0x165: {  	_ =	swait.ge @!p0 [sflag:s0], s1  }
0x166: {  	s1 =	ssub.s32 @!p0 $0x0, s1;
	[sflag:s0] =	ssyncset.done @!p0 $0x0  }
0x167: {  	[sflag:s0] =	ssyncadd.s32 @!p0 s1  }
0x168: {  	[bflag:$0x3] =	sbarrier.arrive $0xFFFF  }
0x169: {  	_ =	shalt  }

// kernel: kernel.13.cloned.1.call-start
scs
__scs_entry_jumppad:
0x0: {  	(pc) =	sbr.rel $0x88, $3  }
0x1: {  	(tag) =	ssettag $0x0;
	lr =	simm.s32 $0x1  }
0x2: {  	[smem:$0x3F95] =	sst lr;
	_ =	strace $0xD0000000  }
0x3: {  	_ = 	snop  }
0x4: {  	_ = 	snop  }
0x5: {  	_ = 	snop  }
0x6: {  	_ = 	snop  }
0x7: {  	_ = 	snop  }
__scs_overlays_trampoline_lowered:
0x8: {  	[smem:$0x3FA4] =	sst s0  }
0x9: {  	[smem:$0x3FA5] =	sst s1  }
0xa: {  	[smem:$0x3FA6] =	sst s2  }
0xb: {  	[smem:$0x3FA7] =	sst s3  }
0xc: {  	[smem:$0x3FA8] =	sst s4  }
0xd: {  	[smem:$0x3FA9] =	sst s5  }
0xe: {  	[smem:$0x3FAA] =	sst s6  }
0xf: {  	[smem:$0x3FAB] =	sst s7  }
0x10: {  	[smem:$0x3FAC] =	sst s8  }
0x11: {  	[smem:$0x3FAD] =	sst s9;
	s0 =	simm.s32 @!p0 $0x0  }
0x12: {  	s1 =	sld [smem:$0x3F93];
	s0 =	simm.s32 @p0 $0x1  }
0x13: {  	[smem:$0x3FAE] =	sst s0;
	s0 =	simm.s32 @!p1 $0x0  }
0x14: {  	s2 =	sld [smem:$0x3F92];
	s0 =	simm.s32 @p1 $0x1  }
0x15: {  	[smem:$0x3FAF] =	sst s0;
	s0 =	simm.s32 @!p2 $0x0  }
0x16: {  	s3 =	sld [smem:$0x3FDB];
	s0 =	simm.s32 @p2 $0x1  }
0x17: {  	s4 =	simm.s32 $0x1BF5;
	[smem:$0x3FB1] =	sst s0  }
0x18: {  	s0 =	sld [smem:$0x3F94];
	_ =	swait.ge [sflag:s4], $0x0  }
0x19: {  	s7 =	sld [smem:$0x3F95]  }
0x1a: {  	s8 =	sadd.s32 $0xFFFFE003, lr  }
0x1b: {  	s9 =	sadd.s32 $0xFFFFFEF7, lr;
	s5 =	simm.s32 $0xFFFFFFFF;
	p2 =	slt.u32 s8, $0xFFFFF086  }
0x1c: {  	p1 =	slt.u32 s9, $0xF7A;
	s5 =	simm.s32 @!p2 $0x0  }
0x1d: {  	s5 =	simm.s32 @p1 $0x1;
	p0 =	seq.s32 s7, s2  }
0x1e: {  	s7 =	smul.u32 @!p0 $0xF7A, s2;
	p2 =	seq.s32 @!p0 s5, $0x0  }
0x1f: {  	s9 =	smul.u32 $0xF7A, s1;
	s8 =	simm.s32 @!p0 $0x1BF5;
	p2 =	por !p2, p0  }
0x20: {  	[sflag:s8] =	ssyncset.s32 @!p0 $0xFFFFF086;
	s6 =	sadd.s32 @!p0 s3, s7;
	s7 =	simm.s32 @!p0 $0x108  }
0x21: {  	s3 =	sadd.s32 s3, s9;
	s6 =	sadd.s32 @!p0 $0x88, s6;
	s7 =	simm.s32 @p2 $0x1082  }
0x22: {  	[simem:s7], [sflag:s8] =	dma.local @!p0 [hbm:s6], $0xF7A  }
0x23: {  	s9 =	sor.u32 $0xD0000000, s2;
	s6 =	simm.s32 $0x108;
	_ =	swait.ge @!p0 [sflag:s8], $0x0  }
0x24: {  	s3 =	sadd.s32 $0x88, s3;
	s6 =	simm.s32 @!p1 $0x1082;
	[sflag:s4] =	ssyncset.s32 $0xFFFFF086  }
0x25: {  	[simem:s6], [sflag:s4] =	dma.local [hbm:s3], $0xF7A  }
0x26: {  	[smem:$0x3F95] =	sst s1;
	(tag) =	ssettag s2;
	_ =	strace s9  }
0x27: {  	s1 =	sld [smem:$0x3FA5]  }
0x28: {  	s2 =	sld [smem:$0x3FA6]  }
0x29: {  	s4 =	sld [smem:$0x3FA8]  }
0x2a: {  	p0 =	seq.s32 s5, $0x0;
	s5 =	sld [smem:$0x3FA9]  }
0x2b: {  	s6 =	sld [smem:$0x3FAA]  }
0x2c: {  	s7 =	sld [smem:$0x3FAB]  }
0x2d: {  	s3 =	simm.s32 $0x108;
	s8 =	sld [smem:$0x3FAC]  }
0x2e: {  	s3 =	simm.s32 @!p0 $0x1082;
	s9 =	sld [smem:$0x3FAD]  }
0x2f: {  	lr =	sadd.s32 s0, s3;
	s0 =	sld [smem:$0x3FA4]  }
0x30: {  	s3 =	sld [smem:$0x3FA7]  }
0x31: {  	[smem:$0x3FB0] =	sst s10  }
0x32: {  	s10 =	sld [smem:$0x3FAE];
	_ =	sdelay $0x3  }
0x33: {  	p0 =	seq.s32 s10, $0x1;
	s10 =	sld [smem:$0x3FB0];
	_ =	sdelay $0x3  }
0x34: {  	[smem:$0x3FB0] =	sst s10  }
0x35: {  	s10 =	sld [smem:$0x3FAF];
	_ =	sdelay $0x3  }
0x36: {  	p1 =	seq.s32 s10, $0x1;
	s10 =	sld [smem:$0x3FB0];
	_ =	sdelay $0x3  }
0x37: {  	[smem:$0x3FB0] =	sst s10  }
0x38: {  	s10 =	sld [smem:$0x3FB1]  }
0x39: {  	_ = 	snop;
	(pc) =	sbr.ind lr, $3  }
0x3a: {  	_ = 	snop  }
0x3b: {  	_ = 	snop  }
0x3c: {  	p2 =	seq.s32 s10, $0x1;
	s10 =	sld [smem:$0x3FB0]  }
0x3d: {  	_ =	shalt  }
0x3e: {  	_ =	shalt  }
0x3f: {  	_ =	shalt  }
0x40: {  	_ =	shalt  }
0x41: {  	_ =	shalt  }
0x42: {  	_ =	shalt  }
0x43: {  	_ =	shalt  }
0x44: {  	_ =	shalt  }
0x45: {  	_ =	shalt  }
0x46: {  	_ =	shalt  }
0x47: {  	_ =	shalt  }
0x48: {  	_ =	shalt  }
0x49: {  	_ =	shalt  }
0x4a: {  	_ =	shalt  }
0x4b: {  	_ =	shalt  }
0x4c: {  	_ =	shalt  }
0x4d: {  	_ =	shalt  }
0x4e: {  	_ =	shalt  }
0x4f: {  	_ =	shalt  }
0x50: {  	_ =	shalt  }
0x51: {  	_ =	shalt  }
0x52: {  	_ =	shalt  }
0x53: {  	_ =	shalt  }
0x54: {  	_ =	shalt  }
0x55: {  	_ =	shalt  }
0x56: {  	_ =	shalt  }
0x57: {  	_ =	shalt  }
0x58: {  	_ =	shalt  }
0x59: {  	_ =	shalt  }
0x5a: {  	_ =	shalt  }
0x5b: {  	_ =	shalt  }
0x5c: {  	_ =	shalt  }
0x5d: {  	_ =	shalt  }
0x5e: {  	_ =	shalt  }
0x5f: {  	_ =	shalt  }
0x60: {  	_ =	shalt  }
0x61: {  	_ =	shalt  }
0x62: {  	_ =	shalt  }
0x63: {  	_ =	shalt  }
0x64: {  	_ =	shalt  }
0x65: {  	_ =	shalt  }
0x66: {  	_ =	shalt  }
0x67: {  	_ =	shalt  }
0x68: {  	_ =	shalt  }
0x69: {  	_ =	shalt  }
0x6a: {  	_ =	shalt  }
0x6b: {  	_ =	shalt  }
0x6c: {  	_ =	shalt  }
0x6d: {  	_ =	shalt  }
0x6e: {  	_ =	shalt  }
0x6f: {  	_ =	shalt  }
0x70: {  	_ =	shalt  }
0x71: {  	_ =	shalt  }
0x72: {  	_ =	shalt  }
0x73: {  	_ =	shalt  }
0x74: {  	_ =	shalt  }
0x75: {  	_ =	shalt  }
0x76: {  	_ =	shalt  }
0x77: {  	_ =	shalt  }
0x78: {  	_ =	shalt  }
0x79: {  	_ =	shalt  }
0x7a: {  	_ =	shalt  }
0x7b: {  	_ =	shalt  }
0x7c: {  	_ =	shalt  }
0x7d: {  	_ =	shalt  }
0x7e: {  	_ =	shalt  }
0x7f: {  	_ =	shalt  }
0x80: {  	_ =	shalt  }
0x81: {  	_ =	shalt  }
0x82: {  	_ =	shalt  }
0x83: {  	_ =	shalt  }
0x84: {  	_ =	shalt  }
0x85: {  	_ =	shalt  }
0x86: {  	_ =	shalt  }
0x87: {  	_ =	shalt  }
.Lfunc_end0:
.L_simem_size_0:
called_computation.2_lowered:
.L_overlay_start_0:
0x88: {  	s2 =	sld [smem:$0x3FD9]  }
0x89: {  	s3 =	sld [smem:$0x3FFE];
	_ =	sdelay $0x1  }
0x8a: {  	s1 =	srdreg.scid  }
0x8b: {  	s0 =	sand.u32 $0x1, s1  }
0x8c: {  	s16 =	sshll.u32 s0, $0xA;
	s2 =	sadd.s32 s3, s2  }
0x8d: {  	s2 =	sadd.s32 s2, s16  }
0x8e: {  	[smem:$0x3FBC] =	sst s2  }
0x8f: {  	_ = 	snop  }
0x90: {  	(tm) =	ssettm $0x1  }
0x91: {  	s17 =	sld [smem:$0x3FFB];
	_ =	sdelay $0x3  }
0x92: {  	_ =	strace s17  }
0x93: {  	s2 =	sld [smem:$0x3FFC];
	_ =	sdelay $0x3  }
0x94: {  	_ =	strace s2  }
0x95: {  	s2 =	sld [smem:$0x3FFD];
	_ =	sdelay $0x3  }
0x96: {  	_ =	strace s2  }
0x97: {  	_ =	strace $0x8FFFFFFF  }
0x98: {  	s18 =	sld [smem:$0x3FDB];
	_ =	sdelay $0x1  }
0x99: {  	s19 =	simm.s32 $_scs_section_size  }
0x9a: {  	s4 =	simm.s32 $_size__tile_overlayer_lowered;
	s5 =	simm.s32 $_tile_overlayer_lowered  }
0x9b: {  	s22 =	simm.s32 $0x1BFF;
	s21 =	sshll.u32 s5, $0x1;
	s2 =	sadd.s32 s19, s18  }
0x9c: {  	s6 =	simm.s32 $0x0;
	s20 =	sshll.u32 s4, $0x1;
	s4 =	sadd.s32 s21, s2  }
0x9d: {  	[timem:s6], [sflag:s22] =	dma.local [hbm:s4], s20  }
0x9e: {  	_ =	swait.ge [sflag:s22], s20  }
0x9f: {  	s3 =	ssub.s32 $0x0, s20;
	[sflag:s22] =	ssyncset.done $0x0  }
0xa0: {  	[sflag:s22] =	ssyncadd.s32 s3;
	_ =	sdelay $0x1  }
0xa1: {  	s23 =	simm.s32 $0x1B8B  }
0xa2: {  	_ =	swait.ge [sflag:s23], $0x1  }
0xa3: {  	[sflag:s23] =	ssyncset.done $0x0  }
0xa4: {  	s25 =	simm.s32 $0x1B8E;
	s24 =	sld [smem:$0x3FFE];
	[sflag:s23] =	ssyncadd.s32 $0xFFFFFFFF  }
0xa5: {  	s26 =	simm.s32 $execute0_lowered;
	[smem:$0x3FD2] =	sst s25  }
0xa6: {  	s4 =	sshll.u32 s26, $0x1;
	_ =	strace $0x8000004C;
	[dreg:$0x1] =	wrdreg $0xFFFFFFFF  }
0xa7: {  	s28 =	simm.s32 $_size_execute0_lowered;
	s2 =	sadd.s32 s2, s4;
	[dreg:$0x0] =	wrdreg $0x0  }
0xa8: {  	s4 =	sshll.u32 s28, $0x1;
	[dreg:$0x2] =	wrdreg s2  }
0xa9: {  	[dreg:$0x3] =	wrdreg s4  }
0xaa: {  	[dreg:$0x4] =	wrdreg $0xC0  }
0xab: {  	_ =	task [dreg:s6], $0x5FFFF  }
0xac: {  	[dreg:$0x1] =	wrdreg $0xFFFFFFFF  }
0xad: {  	[dreg:$0x0] =	wrdreg $0x60  }
0xae: {  	[dreg:$0x2] =	wrdreg s24  }
0xaf: {  	[dreg:$0x3] =	wrdreg $0x94000  }
0xb0: {  	[dreg:$0x4] =	wrdreg $0x9  }
0xb1: {  	_ =	task.clear_ibuf [dreg:s6], $0x5FFFF;
	_ =	strace $0x9000004C  }
0xb2: {  	s29 =	simm.s32 $0x9;
	_ =	strace $0x8000004E  }
0xb3: {  	_ =	swait.ge [sflag:s29], $0x1  }
0xb4: {  	[sflag:s29] =	ssyncadd.s32 $0xFFFFFFFF  }
0xb5: {  	_ =	strace $0x9000004E  }
0xb6: {  	_ =	sfence  }
0xb7: {  	s30 =	sld [smem:$0x0];
	_ =	sdelay $0x2  }
0xb8: {  	s31 =	sshll.u32 s1, $0xD;
	s1 =	sshrl.u32 s1, $0x2  }
0xb9: {  	s3 =	sand.u32 $0x4000, s31;
	s1 =	sadd.s32 s1, s30  }
0xba: {  	s0 =	sor.u32 s3, s0;
	s1 =	sshll.u32 s1, $0x11  }
0xbb: {  	s0 =	sor.u32 s1, s0  }
0xbc: {  	s0 =	sadd.s32 $0x8F2B, s0  }
0xbd: {  	[sflag:s0] =	ssyncadd.remote.s32 $0x1  }
0xbe: {  	_ =	sfence.sel $0xFFFF  }
0xbf: {  	[dreg:$0x0] =	wrdreg $0xFFFFFFFF;
	(pc) =	sbr.abs _section_cstart, $3  }
0xc0: {  	[dreg:$0x1] =	wrdreg $0xFFFFFFFF  }
0xc1: {  	_ =	task.clear_ibuf [dreg:s6], $0x2FFFF;
	_ =	strace $0x9FFFFFFF  }
0xc2: {  	(tm) =	ssettm $0x7FFFFFFF  }
0xc3: {  	_ =	shalt  }
tec
execute0_lowered:
.L_overlay_start_1:
0x0: {  	(tag) =	ssettag $0x1  }
0x1: {  	s0 =	rddreg [dreg:$0x0]  }
0x2: {  	s2 =	rddreg [dreg:$0x1]  }
0x3: {  	s1 =	srdreg.scid;
	s10 =	stileid.u32  }
0x4: {  	s3 =	simm.s32 $0x0;
	s30 =	simm.s32 $0x5400;
	s5 =	smul.u32 $0x280, s10  }
0x5: {  	s1 =	sand.u32 $0x1, s1;
	[smem:$0x7FF] =	sst s3;
	s7 =	smul.u32 $0x50000, s10  }
0x6: {  	s4 =	sadd.s32 $0x70E00, s0;
	s8 =	sadd.s32 $0x2200, s0;
	s10 =	smul.u32 $0x2710, s10  }
0x7: {  	s9 =	sadd.s32 $0xC000, s0;
	s11 =	sadd.s32 $0x1FE00, s0;
	s6 =	smul.u32 $0x2800, s1  }
0x8: {  	_ =	strace $0x8000004D;
	s31 =	smul.u32 $0x27100, s1;
	s1 =	ssub.s32 $0x2, s1  }
0x9: {  	[dreg:$0xb] =	wrdreg s11;
	s11 =	sshrl.u32 s1, $0x1;
	s7 =	sshrl.u32 s7, $0x2  }
0xa: {  	s5 =	sadd.s32 s5, s6;
	s10 =	sadd.s32 s10, s31;
	s1 =	ssub.s32 s1, s11  }
0xb: {  	s20 =	sadd.s32 s7, s2;
	s11 =	simm.s32 $0x50;
	s5 =	sshll.u32 s5, $0x4  }
0xc: {  	s6 =	sadd.s32 $0x280, s10;
	s1 =	smax.u32 s1, $0x1;
	s28 =	sadd.s32 $0x10000, s20  }
0xd: {  	s0 =	sadd.s32 s5, s0;
	s5 =	sshrl.u32 s10, $0x3;
	[dreg:$0x18] =	wrdreg s1  }
0xe: {  	s1 =	simm.s32 $0x200;
	[smem:$0x7FD] =	sst s28;
	s12 =	sadd.s32 s8, s5  }
0xf: {  	s13 =	sadd.s32 s9, s5;
	s14 =	sadd.s32 $0xA, s5;
	[dreg:$0xc] =	wrdreg s12  }
0x10: {  	s17 =	sadd.s32 $0x14, s5;
	[dreg:$0xd] =	wrdreg s13;
	s15 =	sadd.s32 s8, s14  }
0x11: {  	s21 =	sadd.s32 $0x1E, s5;
	s16 =	sadd.s32 s9, s14;
	[dreg:$0xe] =	wrdreg s15  }
0x12: {  	s23 =	sadd.s32 $0x28, s5;
	s18 =	sadd.s32 s8, s17;
	[dreg:$0xf] =	wrdreg s16  }
0x13: {  	s5 =	sadd.s32 $0x32, s5;
	s19 =	sadd.s32 s9, s17;
	[dreg:$0x10] =	wrdreg s18  }
0x14: {  	s22 =	sadd.s32 s8, s21;
	s12 =	sadd.s32 $0x2D0, s10;
	[dreg:$0x11] =	wrdreg s19  }
0x15: {  	s24 =	sadd.s32 s9, s21;
	s25 =	sadd.s32 s8, s23;
	[dreg:$0x12] =	wrdreg s22  }
0x16: {  	s29 =	sadd.s32 s9, s23;
	s13 =	sshrl.u32 s6, $0x3;
	[dreg:$0x13] =	wrdreg s24  }
0x17: {  	s23 =	sadd.s32 $0x98000, s0;
	[dreg:$0x14] =	wrdreg s25;
	s26 =	sshrl.u32 s12, $0x3  }
0x18: {  	[dreg:$0x15] =	wrdreg s29;
	s14 =	sadd.s32 s13, s9;
	s15 =	sadd.s32 s8, s5  }
0x19: {  	s16 =	sadd.s32 $0x230, s10;
	s5 =	sadd.s32 s9, s5;
	[dreg:$0x1a] =	wrdreg s23  }
0x1a: {  	s17 =	sadd.s32 s13, s8;
	s10 =	sadd.s32 $0x1E0, s10;
	[dreg:$0x16] =	wrdreg s15  }
0x1b: {  	s24 =	sadd.s32 $0x4000, s20;
	s25 =	sadd.s32 $0x98800, s0;
	[dreg:$0x5] =	wrdreg s14  }
0x1c: {  	s29 =	sadd.s32 $0x99000, s0;
	s12 =	simm.s32 $0x400;
	[dreg:$0x17] =	wrdreg s5  }
0x1d: {  	s13 =	simm.s32 $0x1;
	s23 =	simm.s32 $0x0;
	[dreg:$0x6] =	wrdreg s17  }
0x1e: {  	s31 =	sadd.s32 s26, s9;
	s7 =	sadd.s32 s26, s8;
	[dreg:$0x1b] =	wrdreg s25  }
0x1f: {  	s21 =	sshrl.u32 s10, $0x3;
	[dreg:$0x1c] =	wrdreg s29;
	s25 =	sadd.s32 $0x8000, s20  }
0x20: {  	s5 =	simm.s32 $0x80;
	s10 =	simm.s32 $0x4;
	[dreg:$0x19] =	wrdreg s24  }
0x21: {  	s14 =	simm.s32 $0x180;
	s15 =	simm.s32 $0x380;
	[dreg:$0x3] =	wrdreg s31  }
0x22: {  	s17 =	simm.s32 $0x2C00;
	[dreg:$0x4] =	wrdreg s7;
	s7 =	sshrl.u32 s16, $0x3  }
0x23: {  	s22 =	sadd.s32 s21, s9;
	s26 =	sadd.s32 s21, s8;
	[dreg:$0x1f] =	wrdreg s25  }
0x24: {  	s31 =	sadd.s32 $0x99800, s0;
	s0 =	sadd.s32 $0x9A000, s0;
	[dreg:$0x9] =	wrdreg s22  }
0x25: {  	s16 =	simm.s32 $0x5;
	s21 =	simm.s32 $0x3;
	[dreg:$0xa] =	wrdreg s26  }
0x26: {  	s18 =	sadd.s32 s7, s9;
	s19 =	sadd.s32 s7, s8;
	[dreg:$0x1d] =	wrdreg s31  }
0x27: {  	[dreg:$0x1e] =	wrdreg s0;
	s26 =	sadd.s32 $0xC000, s20;
	s0 =	simm.s32 $0x9  }
0x28: {  	s7 =	simm.s32 $0x280;
	s8 =	simm.s32 $0x100;
	[dreg:$0x7] =	wrdreg s18  }
0x29: {  	s9 =	simm.s32 $0x300;
	s22 =	simm.s32 $0x7;
	[dreg:$0x8] =	wrdreg s19  }
0x2a: {  	s18 =	simm.s32 $0x2;
	s19 =	simm.s32 $0x6;
	[smem:$0x7FC] =	sst s26  }
.LBB2_1:
0x2b: {  	s6 =	rddreg [dreg:$0xb];
	s31 =	simm.s32 $0x8  }
0x2c: {  	[tilespmem:s30], [sflag:$0x8] =	stream.linear.gather [hbm4b:s6+s3], $0x4000, $0x38;
	[tilespmem:$0x1D400] =	vst v63  }
0x2d: {  	_ =	swait.ge [sflag:s31], $0x4000  }
0x2e: {  	[sflag:s31] =	ssyncset.done $0x0  }
0x2f: {  	[sflag:s31] =	ssyncadd.s32 $0xFFFFC000  }
0x30: {  	[spmem:s20] =	stream.linear.scatter [tilespmem:s30], [sflag:$0x9], $0x4000, $0x38;
	[tilespmem:$0x1D400] =	vst v63  }
0x31: {  	_ =	swait.ge [sflag:s0], $0x4000  }
0x32: {  	[sflag:s0] =	ssyncset.done $0x0  }
0x33: {  	[sflag:s0] =	ssyncadd.s32 $0xFFFFC000  }
0x34: {  	[spmem:s24] =	stream.linear.scatter [tilespmem:s30], [sflag:$0x9], $0x4000, $0x38;
	[tilespmem:$0x1D400] =	vst v63  }
0x35: {  	_ =	swait.ge [sflag:s0], $0x4000  }
0x36: {  	[sflag:s0] =	ssyncset.done $0x0  }
0x37: {  	[sflag:s0] =	ssyncadd.s32 $0xFFFFC000  }
0x38: {  	[spmem:s25] =	stream.linear.scatter [tilespmem:s30], [sflag:$0x9], $0x4000, $0x38;
	[tilespmem:$0x1D400] =	vst v63  }
0x39: {  	_ =	swait.ge [sflag:s0], $0x4000  }
0x3a: {  	[sflag:s0] =	ssyncset.done $0x0  }
0x3b: {  	[sflag:s0] =	ssyncadd.s32 $0xFFFFC000  }
0x3c: {  	[spmem:s26] =	stream.linear.scatter [tilespmem:s30], [sflag:$0x9], $0x4000, $0x38;
	[tilespmem:$0x1D400] =	vst v63  }
0x3d: {  	_ =	swait.ge [sflag:s0], $0x4000  }
0x3e: {  	[sflag:s0] =	ssyncset.done $0x0  }
0x3f: {  	[sflag:s0] =	ssyncadd.s32 $0xFFFFC000  }
0x40: {  	[spmem:s28] =	stream.linear.scatter [tilespmem:s30], [sflag:$0x9], $0x4000, $0x38;
	[tilespmem:$0x1D400] =	vst v63  }
0x41: {  	_ =	swait.ge [sflag:s0], $0x4000  }
0x42: {  	[sflag:s0] =	ssyncset.done $0x0  }
0x43: {  	[sflag:s0] =	ssyncadd.s32 $0xFFFFC000  }
0x44: {  	[bflag:$0x0] =	sbarrier.arrive $0xFFFF  }
0x45: {  	s26 =	rddreg [dreg:$0xc]  }
0x46: {  	[tilespmem:s3], [sflag:$0x4] =	stream.linear.gather [hbm4b:s26+s3], $0x50, $0x38;
	[tilespmem:$0x1D400] =	vst v63  }
0x47: {  	s28 =	rddreg [dreg:$0xd]  }
0x48: {  	[tilespmem:s1], [sflag:$0x4] =	stream.linear.gather [hbm4b:s28+s3], $0x50, $0x38;
	[tilespmem:$0x1D400] =	vst v63  }
0x49: {  	s31 =	rddreg [dreg:$0xe]  }
0x4a: {  	[tilespmem:s5], [sflag:$0x5] =	stream.linear.gather [hbm4b:s31+s3], $0x50, $0x38;
	[tilespmem:$0x1D400] =	vst v63  }
0x4b: {  	s29 =	smov.u32 s20;
	s20 =	rddreg [dreg:$0xf]  }
0x4c: {  	[tilespmem:s7], [sflag:$0x5] =	stream.linear.gather [hbm4b:s20+s3], $0x50, $0x38;
	[tilespmem:$0x1D400] =	vst v63  }
0x4d: {  	s24 =	rddreg [dreg:$0x10]  }
0x4e: {  	[tilespmem:s8], [sflag:$0x6] =	stream.linear.gather [hbm4b:s24+s3], $0x50, $0x38;
	[tilespmem:$0x1D400] =	vst v63  }
0x4f: {  	s25 =	rddreg [dreg:$0x11]  }
0x50: {  	[tilespmem:s9], [sflag:$0x6] =	stream.linear.gather [hbm4b:s25+s3], $0x50, $0x38;
	[tilespmem:$0x1D400] =	vst v63  }
0x51: {  	_ =	swait.ge [sflag:s10], $0x50  }
0x52: {  	[sflag:s10] =	ssyncset.done $0x0  }
0x53: {  	[sflag:s10] =	ssyncadd.s32 $0xFFFFFFB0  }
0x54: {  	_ =	swait.ge [sflag:s10], $0x50  }
0x55: {  	[sflag:s10] =	ssyncset.done $0x0  }
0x56: {  	[sflag:s10] =	ssyncadd.s32 $0xFFFFFFB0  }
0x57: {  	[tilespmem:s12], [sflag:$0x1] =	stream.indirect.gather [hbm4b:s4+s11], $0x80, s3, s11, $0xb8;
	[tilespmem:$0x1D400] =	vst v63  }
0x58: {  	_ =	swait.ge [sflag:s13], $0x2800  }
0x59: {  	[sflag:s13] =	ssyncset.done $0x0  }
0x5a: {  	[sflag:s13] =	ssyncadd.s32 $0xFFFFD800  }
0x5b: {  	[spmem:s2] =	stream.indirect.scatter.add.f32 [tilespmem:s12], [sflag:$0x2], $0x80, s1, s11, $0xb8;
	[tilespmem:$0x1D400] =	vst v63  }
0x5c: {  	s26 =	rddreg [dreg:$0x12]  }
0x5d: {  	[tilespmem:s14], [sflag:$0x7] =	stream.linear.gather [hbm4b:s26+s3], $0x50, $0x38;
	[tilespmem:$0x1D400] =	vst v63  }
0x5e: {  	s28 =	rddreg [dreg:$0x13]  }
0x5f: {  	[tilespmem:s15], [sflag:$0x7] =	stream.linear.gather [hbm4b:s28+s3], $0x50, $0x38;
	[tilespmem:$0x1D400] =	vst v63  }
0x60: {  	_ =	swait.ge [sflag:s16], $0x50  }
0x61: {  	[sflag:s16] =	ssyncset.done $0x0  }
0x62: {  	[sflag:s16] =	ssyncadd.s32 $0xFFFFFFB0  }
0x63: {  	_ =	swait.ge [sflag:s16], $0x50  }
0x64: {  	[sflag:s16] =	ssyncset.done $0x0  }
0x65: {  	[sflag:s16] =	ssyncadd.s32 $0xFFFFFFB0  }
0x66: {  	[tilespmem:s17], [sflag:$0x1] =	stream.indirect.gather [hbm4b:s4+s11], $0x80, s5, s11, $0xb8;
	[tilespmem:$0x1D400] =	vst v63  }
0x67: {  	_ =	swait.ge [sflag:s13], $0x2800  }
0x68: {  	[sflag:s13] =	ssyncset.done $0x0  }
0x69: {  	[sflag:s13] =	ssyncadd.s32 $0xFFFFD800  }
0x6a: {  	[spmem:s2] =	stream.indirect.scatter.add.f32 [tilespmem:s17], [sflag:$0x3], $0x80, s7, s11, $0xb8;
	[tilespmem:$0x1D400] =	vst v63  }
0x6b: {  	_ =	swait.ge [sflag:s18], $0x2800  }
0x6c: {  	[sflag:s18] =	ssyncset.done $0x0  }
0x6d: {  	s31 =	rddreg [dreg:$0x14];
	[sflag:s18] =	ssyncadd.s32 $0xFFFFD800  }
0x6e: {  	[tilespmem:s3], [sflag:$0x4] =	stream.linear.gather [hbm4b:s31+s3], $0x50, $0x38;
	[tilespmem:$0x1D400] =	vst v63  }
0x6f: {  	s20 =	rddreg [dreg:$0x15]  }
0x70: {  	[tilespmem:s1], [sflag:$0x4] =	stream.linear.gather [hbm4b:s20+s3], $0x50, $0x38;
	[tilespmem:$0x1D400] =	vst v63  }
0x71: {  	_ =	swait.ge [sflag:s19], $0x50  }
0x72: {  	[sflag:s19] =	ssyncset.done $0x0  }
0x73: {  	[sflag:s19] =	ssyncadd.s32 $0xFFFFFFB0  }
0x74: {  	_ =	swait.ge [sflag:s19], $0x50  }
0x75: {  	[sflag:s19] =	ssyncset.done $0x0  }
0x76: {  	[sflag:s19] =	ssyncadd.s32 $0xFFFFFFB0  }
0x77: {  	[tilespmem:s12], [sflag:$0x1] =	stream.indirect.gather [hbm4b:s4+s11], $0x80, s8, s11, $0xb8;
	[tilespmem:$0x1D400] =	vst v63  }
0x78: {  	_ =	swait.ge [sflag:s13], $0x2800  }
0x79: {  	[sflag:s13] =	ssyncset.done $0x0  }
0x7a: {  	[sflag:s13] =	ssyncadd.s32 $0xFFFFD800  }
0x7b: {  	[spmem:s2] =	stream.indirect.scatter.add.f32 [tilespmem:s12], [sflag:$0x2], $0x80, s9, s11, $0xb8;
	[tilespmem:$0x1D400] =	vst v63  }
0x7c: {  	_ =	swait.ge [sflag:s21], $0x2800  }
0x7d: {  	[sflag:s21] =	ssyncset.done $0x0  }
0x7e: {  	s24 =	rddreg [dreg:$0x16];
	[sflag:s21] =	ssyncadd.s32 $0xFFFFD800  }
0x7f: {  	[tilespmem:s5], [sflag:$0x5] =	stream.linear.gather [hbm4b:s24+s3], $0x50, $0x38;
	[tilespmem:$0x1D400] =	vst v63  }
0x80: {  	s25 =	rddreg [dreg:$0x17]  }
0x81: {  	[tilespmem:s7], [sflag:$0x5] =	stream.linear.gather [hbm4b:s25+s3], $0x50, $0x38;
	[tilespmem:$0x1D400] =	vst v63  }
0x82: {  	_ =	swait.ge [sflag:s22], $0x50  }
0x83: {  	[sflag:s22] =	ssyncset.done $0x0  }
0x84: {  	[sflag:s22] =	ssyncadd.s32 $0xFFFFFFB0  }
0x85: {  	_ =	swait.ge [sflag:s22], $0x50  }
0x86: {  	[sflag:s22] =	ssyncset.done $0x0  }
0x87: {  	[sflag:s22] =	ssyncadd.s32 $0xFFFFFFB0  }
0x88: {  	[tilespmem:s17], [sflag:$0x1] =	stream.indirect.gather [hbm4b:s4+s11], $0x80, s14, s11, $0xb8;
	[tilespmem:$0x1D400] =	vst v63  }
0x89: {  	_ =	swait.ge [sflag:s13], $0x2800  }
0x8a: {  	[sflag:s13] =	ssyncset.done $0x0  }
0x8b: {  	[sflag:s13] =	ssyncadd.s32 $0xFFFFD800  }
0x8c: {  	[spmem:s2] =	stream.indirect.scatter.add.f32 [tilespmem:s17], [sflag:$0x3], $0x80, s15, s11, $0xb8;
	[tilespmem:$0x1D400] =	vst v63  }
0x8d: {  	_ =	swait.ge [sflag:s18], $0x2800  }
0x8e: {  	s26 =	rddreg [dreg:$0xa];
	[sflag:s18] =	ssyncset.done $0x0  }
0x8f: {  	s28 =	rddreg [dreg:$0x9];
	[sflag:s18] =	ssyncadd.s32 $0xFFFFD800;
	s24 =	sadd.s32 $0x0, s26  }
0x90: {  	[tilespmem:s8], [sflag:$0x6] =	stream.linear.gather [hbm4b:s24+s3], $0x50, $0x38;
	[tilespmem:$0x1D400] =	vst v63  }
0x91: {  	s31 =	sadd.s32 $0x0, s28  }
0x92: {  	[tilespmem:s9], [sflag:$0x6] =	stream.linear.gather [hbm4b:s31+s3], $0x50, $0x38;
	[tilespmem:$0x1D400] =	vst v63  }
0x93: {  	_ =	swait.ge [sflag:s10], $0x50  }
0x94: {  	[sflag:s10] =	ssyncset.done $0x0  }
0x95: {  	[sflag:s10] =	ssyncadd.s32 $0xFFFFFFB0  }
0x96: {  	_ =	swait.ge [sflag:s10], $0x50  }
0x97: {  	[sflag:s10] =	ssyncset.done $0x0  }
0x98: {  	[sflag:s10] =	ssyncadd.s32 $0xFFFFFFB0  }
0x99: {  	[tilespmem:s12], [sflag:$0x1] =	stream.indirect.gather [hbm4b:s4+s11], $0x80, s3, s11, $0xb8;
	[tilespmem:$0x1D400] =	vst v63  }
0x9a: {  	_ =	swait.ge [sflag:s13], $0x2800  }
0x9b: {  	[sflag:s13] =	ssyncset.done $0x0  }
0x9c: {  	[sflag:s13] =	ssyncadd.s32 $0xFFFFD800  }
0x9d: {  	[spmem:s2] =	stream.indirect.scatter.add.f32 [tilespmem:s12], [sflag:$0x2], $0x80, s1, s11, $0xb8;
	[tilespmem:$0x1D400] =	vst v63  }
0x9e: {  	_ =	swait.ge [sflag:s21], $0x2800  }
0x9f: {  	s6 =	rddreg [dreg:$0x8];
	[sflag:s21] =	ssyncset.done $0x0  }
0xa0: {  	s20 =	rddreg [dreg:$0x7];
	[sflag:s21] =	ssyncadd.s32 $0xFFFFD800;
	s24 =	sadd.s32 $0x0, s6  }
0xa1: {  	[tilespmem:s14], [sflag:$0x7] =	stream.linear.gather [hbm4b:s24+s3], $0x50, $0x38;
	[tilespmem:$0x1D400] =	vst v63  }
0xa2: {  	s25 =	sadd.s32 $0x0, s20  }
0xa3: {  	[tilespmem:s15], [sflag:$0x7] =	stream.linear.gather [hbm4b:s25+s3], $0x50, $0x38;
	[tilespmem:$0x1D400] =	vst v63  }
0xa4: {  	_ =	swait.ge [sflag:s16], $0x50  }
0xa5: {  	[sflag:s16] =	ssyncset.done $0x0  }
0xa6: {  	[sflag:s16] =	ssyncadd.s32 $0xFFFFFFB0  }
0xa7: {  	_ =	swait.ge [sflag:s16], $0x50  }
0xa8: {  	[sflag:s16] =	ssyncset.done $0x0  }
0xa9: {  	[sflag:s16] =	ssyncadd.s32 $0xFFFFFFB0  }
0xaa: {  	[tilespmem:s17], [sflag:$0x1] =	stream.indirect.gather [hbm4b:s4+s11], $0x80, s5, s11, $0xb8;
	[tilespmem:$0x1D400] =	vst v63  }
0xab: {  	_ =	swait.ge [sflag:s13], $0x2800  }
0xac: {  	[sflag:s13] =	ssyncset.done $0x0  }
0xad: {  	[sflag:s13] =	ssyncadd.s32 $0xFFFFD800  }
0xae: {  	[spmem:s2] =	stream.indirect.scatter.add.f32 [tilespmem:s17], [sflag:$0x3], $0x80, s7, s11, $0xb8;
	[tilespmem:$0x1D400] =	vst v63  }
0xaf: {  	_ =	swait.ge [sflag:s18], $0x2800  }
0xb0: {  	s26 =	rddreg [dreg:$0x6];
	[sflag:s18] =	ssyncset.done $0x0  }
0xb1: {  	s28 =	rddreg [dreg:$0x5];
	[sflag:s18] =	ssyncadd.s32 $0xFFFFD800;
	s24 =	sadd.s32 $0x0, s26  }
0xb2: {  	[tilespmem:s3], [sflag:$0x4] =	stream.linear.gather [hbm4b:s24+s3], $0x50, $0x38;
	[tilespmem:$0x1D400] =	vst v63  }
0xb3: {  	s31 =	sadd.s32 $0x0, s28  }
0xb4: {  	[tilespmem:s1], [sflag:$0x4] =	stream.linear.gather [hbm4b:s31+s3], $0x50, $0x38;
	[tilespmem:$0x1D400] =	vst v63  }
0xb5: {  	_ =	swait.ge [sflag:s19], $0x50  }
0xb6: {  	[sflag:s19] =	ssyncset.done $0x0  }
0xb7: {  	[sflag:s19] =	ssyncadd.s32 $0xFFFFFFB0  }
0xb8: {  	_ =	swait.ge [sflag:s19], $0x50  }
0xb9: {  	[sflag:s19] =	ssyncset.done $0x0  }
0xba: {  	[sflag:s19] =	ssyncadd.s32 $0xFFFFFFB0  }
0xbb: {  	[tilespmem:s12], [sflag:$0x1] =	stream.indirect.gather [hbm4b:s4+s11], $0x80, s8, s11, $0xb8;
	[tilespmem:$0x1D400] =	vst v63  }
0xbc: {  	_ =	swait.ge [sflag:s13], $0x2800  }
0xbd: {  	[sflag:s13] =	ssyncset.done $0x0  }
0xbe: {  	p0 =	por $0x0, $0x0;
	[sflag:s13] =	ssyncadd.s32 $0xFFFFD800  }
0xbf: {  	[spmem:s2] =	stream.indirect.scatter.add.f32 [tilespmem:s12], [sflag:$0x2], $0x80, s9, s11, $0xb8;
	[tilespmem:$0x1D400] =	vst v63  }
0xc0: {  	s6 =	simm.s32 @!p0 $0x80;
	_ =	swait.ge [sflag:s21], $0x2800  }
0xc1: {  	s31 =	simm.s32 @!p0 $0x0;
	s24 =	rddreg [dreg:$0x4];
	[sflag:s21] =	ssyncset.done $0x0  }
0xc2: {  	s25 =	rddreg [dreg:$0x3];
	[sflag:s21] =	ssyncadd.s32 $0xFFFFD800;
	s24 =	sadd.s32 @!p0 $0x0, s24  }
0xc3: {  	[tilespmem:s6], [sflag:$0x5] =	stream.linear.gather @!p0 [hbm4b:s24+s31], $0x50, $0x38;
	[tilespmem:$0x1D400] =	vst v63  }
0xc4: {  	s6 =	simm.s32 @!p0 $0x280;
	s24 =	sadd.s32 @!p0 $0x0, s25  }
0xc5: {  	[tilespmem:s6], [sflag:$0x5] =	stream.linear.gather @!p0 [hbm4b:s24+s31], $0x50, $0x38;
	[tilespmem:$0x1D400] =	vst v63  }
0xc6: {  	_ =	swait.ge [sflag:s22], $0x50  }
0xc7: {  	[sflag:s22] =	ssyncset.done $0x0  }
0xc8: {  	[sflag:s22] =	ssyncadd.s32 $0xFFFFFFB0  }
0xc9: {  	_ =	swait.ge [sflag:s22], $0x50  }
0xca: {  	[sflag:s22] =	ssyncset.done $0x0  }
0xcb: {  	[sflag:s22] =	ssyncadd.s32 $0xFFFFFFB0  }
0xcc: {  	[tilespmem:s17], [sflag:$0x1] =	stream.indirect.gather [hbm4b:s4+s11], $0x80, s14, s11, $0xb8;
	[tilespmem:$0x1D400] =	vst v63  }
0xcd: {  	_ =	swait.ge [sflag:s13], $0x2800  }
0xce: {  	s24 =	simm.s32 $0x28;
	[sflag:s13] =	ssyncset.done $0x0  }
.LBB2_2:
0xcf: {  	[sflag:s13] =	ssyncadd.s32 $0xFFFFD800  }
0xd0: {  	[spmem:s2] =	stream.indirect.scatter.add.f32 [tilespmem:s17], [sflag:$0x3], $0x80, s15, s11, $0xb8;
	[tilespmem:$0x1D400] =	vst v63  }
0xd1: {  	_ =	swait.ge [sflag:s18], $0x2800  }
0xd2: {  	s25 =	smov.u32 s24;
	s6 =	rddreg [dreg:$0xa];
	[sflag:s18] =	ssyncset.done $0x0  }
0xd3: {  	s31 =	rddreg [dreg:$0x9];
	[sflag:s18] =	ssyncadd.s32 $0xFFFFD800;
	s6 =	sadd.s32 s25, s6  }
0xd4: {  	[tilespmem:s8], [sflag:$0x6] =	stream.linear.gather [hbm4b:s6+s3], $0x50, $0x38;
	[tilespmem:$0x1D400] =	vst v63  }
0xd5: {  	s20 =	sadd.s32 s25, s31  }
0xd6: {  	[tilespmem:s9], [sflag:$0x6] =	stream.linear.gather [hbm4b:s20+s3], $0x50, $0x38;
	[tilespmem:$0x1D400] =	vst v63  }
0xd7: {  	_ =	swait.ge [sflag:s10], $0x50  }
0xd8: {  	[sflag:s10] =	ssyncset.done $0x0  }
0xd9: {  	[sflag:s10] =	ssyncadd.s32 $0xFFFFFFB0  }
0xda: {  	_ =	swait.ge [sflag:s10], $0x50  }
0xdb: {  	[sflag:s10] =	ssyncset.done $0x0  }
0xdc: {  	[sflag:s10] =	ssyncadd.s32 $0xFFFFFFB0  }
0xdd: {  	[tilespmem:s12], [sflag:$0x1] =	stream.indirect.gather [hbm4b:s4+s11], $0x80, s3, s11, $0xb8;
	[tilespmem:$0x1D400] =	vst v63  }
0xde: {  	_ =	swait.ge [sflag:s13], $0x2800  }
0xdf: {  	[sflag:s13] =	ssyncset.done $0x0  }
0xe0: {  	[sflag:s13] =	ssyncadd.s32 $0xFFFFD800  }
0xe1: {  	[spmem:s2] =	stream.indirect.scatter.add.f32 [tilespmem:s12], [sflag:$0x2], $0x80, s1, s11, $0xb8;
	[tilespmem:$0x1D400] =	vst v63  }
0xe2: {  	_ =	swait.ge [sflag:s21], $0x2800  }
0xe3: {  	s26 =	rddreg [dreg:$0x8];
	[sflag:s21] =	ssyncset.done $0x0  }
0xe4: {  	s28 =	rddreg [dreg:$0x7];
	[sflag:s21] =	ssyncadd.s32 $0xFFFFD800;
	s6 =	sadd.s32 s25, s26  }
0xe5: {  	[tilespmem:s14], [sflag:$0x7] =	stream.linear.gather [hbm4b:s6+s3], $0x50, $0x38;
	[tilespmem:$0x1D400] =	vst v63  }
0xe6: {  	s20 =	sadd.s32 s25, s28  }
0xe7: {  	[tilespmem:s15], [sflag:$0x7] =	stream.linear.gather [hbm4b:s20+s3], $0x50, $0x38;
	[tilespmem:$0x1D400] =	vst v63  }
0xe8: {  	_ =	swait.ge [sflag:s16], $0x50  }
0xe9: {  	[sflag:s16] =	ssyncset.done $0x0  }
0xea: {  	[sflag:s16] =	ssyncadd.s32 $0xFFFFFFB0  }
0xeb: {  	_ =	swait.ge [sflag:s16], $0x50  }
0xec: {  	[sflag:s16] =	ssyncset.done $0x0  }
0xed: {  	[sflag:s16] =	ssyncadd.s32 $0xFFFFFFB0  }
0xee: {  	[tilespmem:s17], [sflag:$0x1] =	stream.indirect.gather [hbm4b:s4+s11], $0x80, s5, s11, $0xb8;
	[tilespmem:$0x1D400] =	vst v63  }
0xef: {  	_ =	swait.ge [sflag:s13], $0x2800  }
0xf0: {  	[sflag:s13] =	ssyncset.done $0x0  }
0xf1: {  	[sflag:s13] =	ssyncadd.s32 $0xFFFFD800  }
0xf2: {  	[spmem:s2] =	stream.indirect.scatter.add.f32 [tilespmem:s17], [sflag:$0x3], $0x80, s7, s11, $0xb8;
	[tilespmem:$0x1D400] =	vst v63  }
0xf3: {  	_ =	swait.ge [sflag:s18], $0x2800  }
0xf4: {  	s26 =	rddreg [dreg:$0x6];
	[sflag:s18] =	ssyncset.done $0x0  }
0xf5: {  	s28 =	rddreg [dreg:$0x5];
	[sflag:s18] =	ssyncadd.s32 $0xFFFFD800;
	s6 =	sadd.s32 s25, s26  }
0xf6: {  	[tilespmem:s3], [sflag:$0x4] =	stream.linear.gather [hbm4b:s6+s3], $0x50, $0x38;
	[tilespmem:$0x1D400] =	vst v63  }
0xf7: {  	s31 =	sadd.s32 s25, s28  }
0xf8: {  	[tilespmem:s1], [sflag:$0x4] =	stream.linear.gather [hbm4b:s31+s3], $0x50, $0x38;
	[tilespmem:$0x1D400] =	vst v63  }
0xf9: {  	_ =	swait.ge [sflag:s19], $0x50  }
0xfa: {  	[sflag:s19] =	ssyncset.done $0x0  }
0xfb: {  	[sflag:s19] =	ssyncadd.s32 $0xFFFFFFB0  }
0xfc: {  	_ =	swait.ge [sflag:s19], $0x50  }
0xfd: {  	[sflag:s19] =	ssyncset.done $0x0  }
0xfe: {  	[sflag:s19] =	ssyncadd.s32 $0xFFFFFFB0  }
0xff: {  	[tilespmem:s12], [sflag:$0x1] =	stream.indirect.gather [hbm4b:s4+s11], $0x80, s8, s11, $0xb8;
	[tilespmem:$0x1D400] =	vst v63  }
0x100: {  	_ =	swait.ge [sflag:s13], $0x2800  }
0x101: {  	[sflag:s13] =	ssyncset.done $0x0  }
0x102: {  	p1 =	seq.s32 s25, $0x488;
	[sflag:s13] =	ssyncadd.s32 $0xFFFFD800  }
0x103: {  	[spmem:s2] =	stream.indirect.scatter.add.f32 [tilespmem:s12], [sflag:$0x2], $0x80, s9, s11, $0xb8;
	[tilespmem:$0x1D400] =	vst v63  }
0x104: {  	s20 =	simm.s32 @!p1 $0x0;
	_ =	swait.ge [sflag:s21], $0x2800  }
0x105: {  	s26 =	simm.s32 @!p1 $0x80;
	s6 =	rddreg [dreg:$0x4];
	[sflag:s21] =	ssyncset.done $0x0  }
0x106: {  	s31 =	rddreg [dreg:$0x3];
	[sflag:s21] =	ssyncadd.s32 $0xFFFFD800;
	s6 =	sadd.s32 @!p1 s25, s6  }
0x107: {  	[tilespmem:s26], [sflag:$0x5] =	stream.linear.gather @!p1 [hbm4b:s6+s20], $0x50, $0x38;
	[tilespmem:$0x1D400] =	vst v63  }
0x108: {  	s28 =	simm.s32 @!p1 $0x280;
	s6 =	sadd.s32 @!p1 s25, s31  }
0x109: {  	[tilespmem:s28], [sflag:$0x5] =	stream.linear.gather @!p1 [hbm4b:s6+s20], $0x50, $0x38;
	[tilespmem:$0x1D400] =	vst v63  }
0x10a: {  	_ =	swait.ge [sflag:s22], $0x50  }
0x10b: {  	[sflag:s22] =	ssyncset.done $0x0  }
0x10c: {  	s24 =	sadd.s32 $0x28, s24;
	[sflag:s22] =	ssyncadd.s32 $0xFFFFFFB0  }
0x10d: {  	p0 =	sne.s32 s24, $0x4B0;
	_ =	swait.ge [sflag:s22], $0x50  }
.Ltmp0:
0x10e: {  	[sflag:s22] =	ssyncset.done $0x0;
	(pc) =	sbr.rel @p0 .LBB2_2-.Ltmp0, $4  }
0x10f: {  	[sflag:s22] =	ssyncadd.s32 $0xFFFFFFB0  }
0x110: {  	[tilespmem:s17], [sflag:$0x1] =	stream.indirect.gather [hbm4b:s4+s11], $0x80, s14, s11, $0xb8;
	[tilespmem:$0x1D400] =	vst v63  }
0x111: {  	_ =	swait.ge [sflag:s13], $0x2800  }
0x112: {  	[sflag:s13] =	ssyncset.done $0x0  }
0x113: {  	[sflag:s13] =	ssyncadd.s32 $0xFFFFD800  }
0x114: {  	[spmem:s2] =	stream.indirect.scatter.add.f32 [tilespmem:s17], [sflag:$0x3], $0x80, s15, s11, $0xb8;
	[tilespmem:$0x1D400] =	vst v63  }
0x115: {  	_ =	swait.ge [sflag:s18], $0x2800  }
0x116: {  	[sflag:s18] =	ssyncset.done $0x0  }
0x117: {  	[sflag:s18] =	ssyncadd.s32 $0xFFFFD800  }
0x118: {  	_ =	swait.ge [sflag:s10], $0x50  }
0x119: {  	[sflag:s10] =	ssyncset.done $0x0  }
0x11a: {  	[sflag:s10] =	ssyncadd.s32 $0xFFFFFFB0  }
0x11b: {  	_ =	swait.ge [sflag:s10], $0x50  }
0x11c: {  	[sflag:s10] =	ssyncset.done $0x0  }
0x11d: {  	[sflag:s10] =	ssyncadd.s32 $0xFFFFFFB0  }
0x11e: {  	[tilespmem:s12], [sflag:$0x1] =	stream.indirect.gather [hbm4b:s4+s11], $0x80, s3, s11, $0xb8;
	[tilespmem:$0x1D400] =	vst v63  }
0x11f: {  	_ =	swait.ge [sflag:s13], $0x2800  }
0x120: {  	[sflag:s13] =	ssyncset.done $0x0  }
0x121: {  	[sflag:s13] =	ssyncadd.s32 $0xFFFFD800  }
0x122: {  	[spmem:s2] =	stream.indirect.scatter.add.f32 [tilespmem:s12], [sflag:$0x2], $0x80, s1, s11, $0xb8;
	[tilespmem:$0x1D400] =	vst v63  }
0x123: {  	_ =	swait.ge [sflag:s21], $0x2800  }
0x124: {  	[sflag:s21] =	ssyncset.done $0x0  }
0x125: {  	[sflag:s21] =	ssyncadd.s32 $0xFFFFD800  }
0x126: {  	_ =	swait.ge [sflag:s18], $0x2800  }
0x127: {  	[sflag:s18] =	ssyncset.done $0x0  }
0x128: {  	[sflag:s18] =	ssyncadd.s32 $0xFFFFD800  }
0x129: {  	[bflag:$0x0] =	sbarrier.arrive $0xFFFF  }
0x12a: {  	[tilespmem:s30], [sflag:$0x9] =	stream.linear.gather [spmem:s29], $0x4000, $0x38;
	[tilespmem:$0x1D400] =	vst v63  }
0x12b: {  	_ =	swait.ge [sflag:s0], $0x4000  }
0x12c: {  	[sflag:s0] =	ssyncset.done $0x0  }
0x12d: {  	s6 =	rddreg [dreg:$0x1a];
	[sflag:s0] =	ssyncadd.s32 $0xFFFFC000  }
0x12e: {  	[hbm4b:s6+s3] =	stream.linear.scatter [tilespmem:s30], [sflag:$0x9], $0x4000, $0x38;
	[tilespmem:$0x1D400] =	vst v63  }
0x12f: {  	_ =	swait.ge [sflag:s0], $0x4000  }
0x130: {  	[sflag:s0] =	ssyncset.done $0x0  }
0x131: {  	s24 =	rddreg [dreg:$0x19];
	[sflag:s0] =	ssyncadd.s32 $0xFFFFC000  }
0x132: {  	[tilespmem:s30], [sflag:$0x9] =	stream.linear.gather [spmem:s24], $0x4000, $0x38;
	[tilespmem:$0x1D400] =	vst v63  }
0x133: {  	_ =	swait.ge [sflag:s0], $0x4000  }
0x134: {  	[sflag:s0] =	ssyncset.done $0x0  }
0x135: {  	s26 =	rddreg [dreg:$0x1b];
	[sflag:s0] =	ssyncadd.s32 $0xFFFFC000  }
0x136: {  	[hbm4b:s26+s3] =	stream.linear.scatter [tilespmem:s30], [sflag:$0x9], $0x4000, $0x38;
	[tilespmem:$0x1D400] =	vst v63  }
0x137: {  	_ =	swait.ge [sflag:s0], $0x4000  }
0x138: {  	[sflag:s0] =	ssyncset.done $0x0  }
0x139: {  	s25 =	rddreg [dreg:$0x1f];
	[sflag:s0] =	ssyncadd.s32 $0xFFFFC000  }
0x13a: {  	[tilespmem:s30], [sflag:$0x9] =	stream.linear.gather [spmem:s25], $0x4000, $0x38;
	[tilespmem:$0x1D400] =	vst v63  }
0x13b: {  	_ =	swait.ge [sflag:s0], $0x4000  }
0x13c: {  	[sflag:s0] =	ssyncset.done $0x0  }
0x13d: {  	s20 =	smov.u32 s29;
	s29 =	rddreg [dreg:$0x1c];
	[sflag:s0] =	ssyncadd.s32 $0xFFFFC000  }
0x13e: {  	[hbm4b:s29+s3] =	stream.linear.scatter [tilespmem:s30], [sflag:$0x9], $0x4000, $0x38;
	[tilespmem:$0x1D400] =	vst v63  }
0x13f: {  	_ =	swait.ge [sflag:s0], $0x4000  }
0x140: {  	s26 =	sld [smem:$0x7FC]  }
0x141: {  	[sflag:s0] =	ssyncset.done $0x0  }
0x142: {  	[sflag:s0] =	ssyncadd.s32 $0xFFFFC000  }
0x143: {  	[tilespmem:s30], [sflag:$0x9] =	stream.linear.gather [spmem:s26], $0x4000, $0x38;
	[tilespmem:$0x1D400] =	vst v63  }
0x144: {  	_ =	swait.ge [sflag:s0], $0x4000  }
0x145: {  	[sflag:s0] =	ssyncset.done $0x0  }
0x146: {  	s31 =	rddreg [dreg:$0x1d];
	[sflag:s0] =	ssyncadd.s32 $0xFFFFC000  }
0x147: {  	[hbm4b:s31+s3] =	stream.linear.scatter [tilespmem:s30], [sflag:$0x9], $0x4000, $0x38;
	[tilespmem:$0x1D400] =	vst v63  }
0x148: {  	_ =	swait.ge [sflag:s0], $0x4000  }
0x149: {  	s28 =	sld [smem:$0x7FD]  }
0x14a: {  	[sflag:s0] =	ssyncset.done $0x0  }
0x14b: {  	[sflag:s0] =	ssyncadd.s32 $0xFFFFC000  }
0x14c: {  	[tilespmem:s30], [sflag:$0x9] =	stream.linear.gather [spmem:s28], $0x4000, $0x38;
	[tilespmem:$0x1D400] =	vst v63  }
0x14d: {  	_ =	swait.ge [sflag:s0], $0x4000  }
0x14e: {  	[sflag:s0] =	ssyncset.done $0x0  }
0x14f: {  	s29 =	rddreg [dreg:$0x1e];
	[sflag:s0] =	ssyncadd.s32 $0xFFFFC000  }
0x150: {  	[hbm4b:s29+s3] =	stream.linear.scatter [tilespmem:s30], [sflag:$0x9], $0x4000, $0x38;
	[tilespmem:$0x1D400] =	vst v63  }
0x151: {  	_ =	swait.ge [sflag:s0], $0x4000  }
0x152: {  	s23 =	sadd.s32 $0x1, s23;
	s31 =	rddreg [dreg:$0x18]  }
0x153: {  	p0 =	sne.s32 s23, s31  }
.Ltmp1:
0x154: {  	_ = 	snop;
	(pc) =	sbr.rel @p0 .LBB2_1-.Ltmp1, $3  }
0x155: {  	_ =	sdelay $0x1  }
0x156: {  	[sflag:s0] =	ssyncset.done $0x0  }
0x157: {  	[sflag:s0] =	ssyncadd.s32 $0xFFFFC000  }
0x158: {  	_ =	sfence.sel $0x180000  }
0x159: {  	[bflag:$0x0] =	sbarrier.arrive $0xFFFF  }
0x15a: {  	_ =	strace $0x9000004D  }
0x15b: {  	s0 =	stileid.u32;
	[bflag:$0x2] =	sbarrier.arrive $0xFFFF  }
0x15c: {  	p0 =	sne.s32 s0, $0x0;
	s0 =	rddreg [dreg:$0x2]  }
0x15d: {  	s0 =	sadd.s32 @!p0 $0x100000, s0  }
0x15e: {  	[sflag:s0] =	ssyncadd.tile.s32 @!p0 $0x1;
	_ =	shalt  }
.Lfunc_end2:
_tile_overlayer_lowered:
.L_overlay_start_2:
0x15f: {  	(tag) =	ssettag $0x2  }
0x160: {  	s0 =	rddreg [dreg:$0x0];
	s2 =	stileid.u32  }
0x161: {  	s1 =	rddreg [dreg:$0x1];
	p0 =	sne.s32 s2, $0x0  }
0x162: {  	s3 =	rddreg [dreg:$0x2];
	[bflag:$0x3] =	sbarrier.arrive $0xFFFF;
	s2 =	simm.s32 @!p0 $0x1C09  }
0x163: {  	[timem:s3], [sflag:s2] =	dma.local @!p0 [hbm:s0], s1  }
0x164: {  	s0 =	simm.s32 @!p0 $0x9  }
0x165: {  	_ =	swait.ge @!p0 [sflag:s0], s1  }
0x166: {  	s1 =	ssub.s32 @!p0 $0x0, s1;
	[sflag:s0] =	ssyncset.done @!p0 $0x0  }
0x167: {  	[sflag:s0] =	ssyncadd.s32 @!p0 s1  }
0x168: {  	[bflag:$0x3] =	sbarrier.arrive $0xFFFF  }
0x169: {  	_ =	shalt  }

// kernel: kernel.7.cloned.1.call-start
scs
__scs_entry_jumppad:
0x0: {  	(pc) =	sbr.rel $0x88, $3  }
0x1: {  	(tag) =	ssettag $0x0;
	lr =	simm.s32 $0x1  }
0x2: {  	[smem:$0x3F95] =	sst lr;
	_ =	strace $0xD0000000  }
0x3: {  	_ = 	snop  }
0x4: {  	_ = 	snop  }
0x5: {  	_ = 	snop  }
0x6: {  	_ = 	snop  }
0x7: {  	_ = 	snop  }
__scs_overlays_trampoline_lowered:
0x8: {  	[smem:$0x3FA4] =	sst s0  }
0x9: {  	[smem:$0x3FA5] =	sst s1  }
0xa: {  	[smem:$0x3FA6] =	sst s2  }
0xb: {  	[smem:$0x3FA7] =	sst s3  }
0xc: {  	[smem:$0x3FA8] =	sst s4  }
0xd: {  	[smem:$0x3FA9] =	sst s5  }
0xe: {  	[smem:$0x3FAA] =	sst s6  }
0xf: {  	[smem:$0x3FAB] =	sst s7  }
0x10: {  	[smem:$0x3FAC] =	sst s8  }
0x11: {  	[smem:$0x3FAD] =	sst s9;
	s0 =	simm.s32 @!p0 $0x0  }
0x12: {  	s1 =	sld [smem:$0x3F93];
	s0 =	simm.s32 @p0 $0x1  }
0x13: {  	[smem:$0x3FAE] =	sst s0;
	s0 =	simm.s32 @!p1 $0x0  }
0x14: {  	s2 =	sld [smem:$0x3F92];
	s0 =	simm.s32 @p1 $0x1  }
0x15: {  	[smem:$0x3FAF] =	sst s0;
	s0 =	simm.s32 @!p2 $0x0  }
0x16: {  	s3 =	sld [smem:$0x3FDB];
	s0 =	simm.s32 @p2 $0x1  }
0x17: {  	s4 =	simm.s32 $0x1BF5;
	[smem:$0x3FB1] =	sst s0  }
0x18: {  	s0 =	sld [smem:$0x3F94];
	_ =	swait.ge [sflag:s4], $0x0  }
0x19: {  	s7 =	sld [smem:$0x3F95]  }
0x1a: {  	s8 =	sadd.s32 $0xFFFFE003, lr  }
0x1b: {  	s9 =	sadd.s32 $0xFFFFFEF7, lr;
	s5 =	simm.s32 $0xFFFFFFFF;
	p2 =	slt.u32 s8, $0xFFFFF086  }
0x1c: {  	p1 =	slt.u32 s9, $0xF7A;
	s5 =	simm.s32 @!p2 $0x0  }
0x1d: {  	s5 =	simm.s32 @p1 $0x1;
	p0 =	seq.s32 s7, s2  }
0x1e: {  	s7 =	smul.u32 @!p0 $0xF7A, s2;
	p2 =	seq.s32 @!p0 s5, $0x0  }
0x1f: {  	s9 =	smul.u32 $0xF7A, s1;
	s8 =	simm.s32 @!p0 $0x1BF5;
	p2 =	por !p2, p0  }
0x20: {  	[sflag:s8] =	ssyncset.s32 @!p0 $0xFFFFF086;
	s6 =	sadd.s32 @!p0 s3, s7;
	s7 =	simm.s32 @!p0 $0x108  }
0x21: {  	s3 =	sadd.s32 s3, s9;
	s6 =	sadd.s32 @!p0 $0x88, s6;
	s7 =	simm.s32 @p2 $0x1082  }
0x22: {  	[simem:s7], [sflag:s8] =	dma.local @!p0 [hbm:s6], $0xF7A  }
0x23: {  	s9 =	sor.u32 $0xD0000000, s2;
	s6 =	simm.s32 $0x108;
	_ =	swait.ge @!p0 [sflag:s8], $0x0  }
0x24: {  	s3 =	sadd.s32 $0x88, s3;
	s6 =	simm.s32 @!p1 $0x1082;
	[sflag:s4] =	ssyncset.s32 $0xFFFFF086  }
0x25: {  	[simem:s6], [sflag:s4] =	dma.local [hbm:s3], $0xF7A  }
0x26: {  	[smem:$0x3F95] =	sst s1;
	(tag) =	ssettag s2;
	_ =	strace s9  }
0x27: {  	s1 =	sld [smem:$0x3FA5]  }
0x28: {  	s2 =	sld [smem:$0x3FA6]  }
0x29: {  	s4 =	sld [smem:$0x3FA8]  }
0x2a: {  	p0 =	seq.s32 s5, $0x0;
	s5 =	sld [smem:$0x3FA9]  }
0x2b: {  	s6 =	sld [smem:$0x3FAA]  }
0x2c: {  	s7 =	sld [smem:$0x3FAB]  }
0x2d: {  	s3 =	simm.s32 $0x108;
	s8 =	sld [smem:$0x3FAC]  }
0x2e: {  	s3 =	simm.s32 @!p0 $0x1082;
	s9 =	sld [smem:$0x3FAD]  }
0x2f: {  	lr =	sadd.s32 s0, s3;
	s0 =	sld [smem:$0x3FA4]  }
0x30: {  	s3 =	sld [smem:$0x3FA7]  }
0x31: {  	[smem:$0x3FB0] =	sst s10  }
0x32: {  	s10 =	sld [smem:$0x3FAE];
	_ =	sdelay $0x3  }
0x33: {  	p0 =	seq.s32 s10, $0x1;
	s10 =	sld [smem:$0x3FB0];
	_ =	sdelay $0x3  }
0x34: {  	[smem:$0x3FB0] =	sst s10  }
0x35: {  	s10 =	sld [smem:$0x3FAF];
	_ =	sdelay $0x3  }
0x36: {  	p1 =	seq.s32 s10, $0x1;
	s10 =	sld [smem:$0x3FB0];
	_ =	sdelay $0x3  }
0x37: {  	[smem:$0x3FB0] =	sst s10  }
0x38: {  	s10 =	sld [smem:$0x3FB1]  }
0x39: {  	_ = 	snop;
	(pc) =	sbr.ind lr, $3  }
0x3a: {  	_ = 	snop  }
0x3b: {  	_ = 	snop  }
0x3c: {  	p2 =	seq.s32 s10, $0x1;
	s10 =	sld [smem:$0x3FB0]  }
0x3d: {  	_ =	shalt  }
0x3e: {  	_ =	shalt  }
0x3f: {  	_ =	shalt  }
0x40: {  	_ =	shalt  }
0x41: {  	_ =	shalt  }
0x42: {  	_ =	shalt  }
0x43: {  	_ =	shalt  }
0x44: {  	_ =	shalt  }
0x45: {  	_ =	shalt  }
0x46: {  	_ =	shalt  }
0x47: {  	_ =	shalt  }
0x48: {  	_ =	shalt  }
0x49: {  	_ =	shalt  }
0x4a: {  	_ =	shalt  }
0x4b: {  	_ =	shalt  }
0x4c: {  	_ =	shalt  }
0x4d: {  	_ =	shalt  }
0x4e: {  	_ =	shalt  }
0x4f: {  	_ =	shalt  }
0x50: {  	_ =	shalt  }
0x51: {  	_ =	shalt  }
0x52: {  	_ =	shalt  }
0x53: {  	_ =	shalt  }
0x54: {  	_ =	shalt  }
0x55: {  	_ =	shalt  }
0x56: {  	_ =	shalt  }
0x57: {  	_ =	shalt  }
0x58: {  	_ =	shalt  }
0x59: {  	_ =	shalt  }
0x5a: {  	_ =	shalt  }
0x5b: {  	_ =	shalt  }
0x5c: {  	_ =	shalt  }
0x5d: {  	_ =	shalt  }
0x5e: {  	_ =	shalt  }
0x5f: {  	_ =	shalt  }
0x60: {  	_ =	shalt  }
0x61: {  	_ =	shalt  }
0x62: {  	_ =	shalt  }
0x63: {  	_ =	shalt  }
0x64: {  	_ =	shalt  }
0x65: {  	_ =	shalt  }
0x66: {  	_ =	shalt  }
0x67: {  	_ =	shalt  }
0x68: {  	_ =	shalt  }
0x69: {  	_ =	shalt  }
0x6a: {  	_ =	shalt  }
0x6b: {  	_ =	shalt  }
0x6c: {  	_ =	shalt  }
0x6d: {  	_ =	shalt  }
0x6e: {  	_ =	shalt  }
0x6f: {  	_ =	shalt  }
0x70: {  	_ =	shalt  }
0x71: {  	_ =	shalt  }
0x72: {  	_ =	shalt  }
0x73: {  	_ =	shalt  }
0x74: {  	_ =	shalt  }
0x75: {  	_ =	shalt  }
0x76: {  	_ =	shalt  }
0x77: {  	_ =	shalt  }
0x78: {  	_ =	shalt  }
0x79: {  	_ =	shalt  }
0x7a: {  	_ =	shalt  }
0x7b: {  	_ =	shalt  }
0x7c: {  	_ =	shalt  }
0x7d: {  	_ =	shalt  }
0x7e: {  	_ =	shalt  }
0x7f: {  	_ =	shalt  }
0x80: {  	_ =	shalt  }
0x81: {  	_ =	shalt  }
0x82: {  	_ =	shalt  }
0x83: {  	_ =	shalt  }
0x84: {  	_ =	shalt  }
0x85: {  	_ =	shalt  }
0x86: {  	_ =	shalt  }
0x87: {  	_ =	shalt  }
.Lfunc_end0:
.L_simem_size_0:
called_computation_lowered:
.L_overlay_start_0:
0x88: {  	s2 =	sld [smem:$0x3FD9]  }
0x89: {  	s3 =	sld [smem:$0x3FFE];
	_ =	sdelay $0x1  }
0x8a: {  	s1 =	srdreg.scid  }
0x8b: {  	s0 =	sand.u32 $0x1, s1  }
0x8c: {  	s16 =	sshll.u32 s0, $0xA;
	s2 =	sadd.s32 s3, s2  }
0x8d: {  	s2 =	sadd.s32 s2, s16  }
0x8e: {  	[smem:$0x3FBC] =	sst s2  }
0x8f: {  	_ = 	snop  }
0x90: {  	(tm) =	ssettm $0x1  }
0x91: {  	s17 =	sld [smem:$0x3FFB];
	_ =	sdelay $0x3  }
0x92: {  	_ =	strace s17  }
0x93: {  	s2 =	sld [smem:$0x3FFC];
	_ =	sdelay $0x3  }
0x94: {  	_ =	strace s2  }
0x95: {  	s2 =	sld [smem:$0x3FFD];
	_ =	sdelay $0x3  }
0x96: {  	_ =	strace s2  }
0x97: {  	_ =	strace $0x8FFFFFFF  }
0x98: {  	s18 =	sld [smem:$0x3FDB];
	_ =	sdelay $0x1  }
0x99: {  	s19 =	simm.s32 $_scs_section_size  }
0x9a: {  	s4 =	simm.s32 $_size__tile_overlayer_lowered;
	s5 =	simm.s32 $_tile_overlayer_lowered  }
0x9b: {  	s22 =	simm.s32 $0x1BFF;
	s21 =	sshll.u32 s5, $0x1;
	s2 =	sadd.s32 s19, s18  }
0x9c: {  	s6 =	simm.s32 $0x0;
	s20 =	sshll.u32 s4, $0x1;
	s4 =	sadd.s32 s21, s2  }
0x9d: {  	[timem:s6], [sflag:s22] =	dma.local [hbm:s4], s20  }
0x9e: {  	_ =	swait.ge [sflag:s22], s20  }
0x9f: {  	s3 =	ssub.s32 $0x0, s20;
	[sflag:s22] =	ssyncset.done $0x0  }
0xa0: {  	[sflag:s22] =	ssyncadd.s32 s3;
	_ =	sdelay $0x1  }
0xa1: {  	s23 =	simm.s32 $0x1B8B  }
0xa2: {  	_ =	swait.ge [sflag:s23], $0x1  }
0xa3: {  	[sflag:s23] =	ssyncset.done $0x0  }
0xa4: {  	s25 =	simm.s32 $0x1B8E;
	s24 =	sld [smem:$0x3FFE];
	[sflag:s23] =	ssyncadd.s32 $0xFFFFFFFF  }
0xa5: {  	s26 =	simm.s32 $execute0_lowered;
	[smem:$0x3FD2] =	sst s25  }
0xa6: {  	s4 =	sshll.u32 s26, $0x1;
	_ =	strace $0x80000046;
	[dreg:$0x1] =	wrdreg $0xFFFFFFFF  }
0xa7: {  	s28 =	simm.s32 $_size_execute0_lowered;
	s2 =	sadd.s32 s2, s4;
	[dreg:$0x0] =	wrdreg $0x0  }
0xa8: {  	s4 =	sshll.u32 s28, $0x1;
	[dreg:$0x2] =	wrdreg s2  }
0xa9: {  	[dreg:$0x3] =	wrdreg s4  }
0xaa: {  	[dreg:$0x4] =	wrdreg $0xC0  }
0xab: {  	_ =	task [dreg:s6], $0x5FFFF  }
0xac: {  	[dreg:$0x1] =	wrdreg $0xFFFFFFFF  }
0xad: {  	[dreg:$0x0] =	wrdreg $0x60  }
0xae: {  	[dreg:$0x2] =	wrdreg s24  }
0xaf: {  	[dreg:$0x3] =	wrdreg $0x68000  }
0xb0: {  	[dreg:$0x4] =	wrdreg $0x9  }
0xb1: {  	_ =	task.clear_ibuf [dreg:s6], $0x5FFFF;
	_ =	strace $0x90000046  }
0xb2: {  	s29 =	simm.s32 $0x9;
	_ =	strace $0x80000048  }
0xb3: {  	_ =	swait.ge [sflag:s29], $0x1  }
0xb4: {  	[sflag:s29] =	ssyncadd.s32 $0xFFFFFFFF  }
0xb5: {  	_ =	strace $0x90000048  }
0xb6: {  	_ =	sfence  }
0xb7: {  	s30 =	sld [smem:$0x0];
	_ =	sdelay $0x2  }
0xb8: {  	s31 =	sshll.u32 s1, $0xD;
	s1 =	sshrl.u32 s1, $0x2  }
0xb9: {  	s3 =	sand.u32 $0x4000, s31;
	s1 =	sadd.s32 s1, s30  }
0xba: {  	s0 =	sor.u32 s3, s0;
	s1 =	sshll.u32 s1, $0x11  }
0xbb: {  	s0 =	sor.u32 s1, s0  }
0xbc: {  	s0 =	sadd.s32 $0x8F2B, s0  }
0xbd: {  	[sflag:s0] =	ssyncadd.remote.s32 $0x1  }
0xbe: {  	_ =	sfence.sel $0xFFFF  }
0xbf: {  	[dreg:$0x0] =	wrdreg $0xFFFFFFFF;
	(pc) =	sbr.abs _section_cstart, $3  }
0xc0: {  	[dreg:$0x1] =	wrdreg $0xFFFFFFFF  }
0xc1: {  	_ =	task.clear_ibuf [dreg:s6], $0x2FFFF;
	_ =	strace $0x9FFFFFFF  }
0xc2: {  	(tm) =	ssettm $0x7FFFFFFF  }
0xc3: {  	_ =	shalt  }
tec
execute0_lowered:
.L_overlay_start_1:
0x0: {  	(tag) =	ssettag $0x1  }
0x1: {  	s0 =	srdreg.scid;
	s6 =	rddreg [dreg:$0x0];
	s18 =	simm.s32 $0x2  }
0x2: {  	s19 =	simm.s32 $0x2800;
	s20 =	simm.s32 $0x3;
	s21 =	simm.s32 $0x80  }
0x3: {  	s22 =	simm.s32 $0x100;
	s23 =	simm.s32 $0x180;
	s24 =	simm.s32 $0x200  }
0x4: {  	s25 =	simm.s32 $0x280;
	s1 =	sand.u32 $0x1, s0;
	s0 =	stileid.u32  }
0x5: {  	s26 =	simm.s32 $0x300;
	s28 =	simm.s32 $0x380;
	s5 =	smul.u32 $0x280, s0  }
0x6: {  	s29 =	simm.s32 $0x1;
	s30 =	simm.s32 $0x0;
	s7 =	smul.u32 $0x2800, s1  }
0x7: {  	s2 =	sshll.u32 s1, $0x4;
	s1 =	ssub.s32 $0x2, s1;
	s9 =	smul.u32 $0x50000, s0  }
0x8: {  	s3 =	sor.u32 s0, s2;
	s2 =	rddreg [dreg:$0x1];
	s10 =	sshrl.u32 s1, $0x1  }
0x9: {  	s4 =	smul.u32 $0x500, s3;
	s3 =	simm.s32 $0x0;
	s7 =	sadd.s32 s5, s7  }
0xa: {  	s5 =	sadd.s32 $0x20600, s6;
	s1 =	ssub.s32 s1, s10;
	[smem:$0x7FF] =	sst s3  }
0xb: {  	s31 =	sshrl.u32 s9, $0x2;
	s7 =	sshll.u32 s7, $0x4;
	_ =	strace $0x80000047  }
0xc: {  	s8 =	sadd.s32 s4, s6;
	s4 =	sadd.s32 $0x1FE00, s6;
	s17 =	sadd.s32 s7, s6  }
0xd: {  	s7 =	sadd.s32 s31, s2;
	s6 =	sadd.s32 $0x15E00, s8;
	s8 =	smax.u32 s1, $0x1  }
0xe: {  	s9 =	sadd.s32 $0x4000, s7;
	s10 =	sadd.s32 $0x8000, s7;
	s11 =	sadd.s32 $0xC000, s7  }
0xf: {  	s12 =	sadd.s32 $0x10000, s7;
	s13 =	sadd.s32 $0x20E00, s17;
	s14 =	sadd.s32 $0x21600, s17  }
0x10: {  	s15 =	sadd.s32 $0x21E00, s17;
	s16 =	sadd.s32 $0x22600, s17;
	s17 =	sadd.s32 $0x22E00, s17  }
.LBB2_1:
0x11: {  	[tilespmem:s3], [sflag:$0x2] =	stream.linear.gather [hbm4b:s6+s3], $0x2800, $0x38;
	[tilespmem:$0x1A800] =	vst v63  }
0x12: {  	_ =	swait.ge [sflag:s18], $0x2800  }
0x13: {  	[sflag:s18] =	ssyncset.done $0x0  }
0x14: {  	[sflag:s18] =	ssyncadd.s32 $0xFFFFD800  }
0x15: {  	[tilespmem:s19], [sflag:$0x2] =	stream.linear.gather [hbm4b:s4+s3], $0x4000, $0x38;
	[tilespmem:$0x1A800] =	vst v63  }
0x16: {  	_ =	swait.ge [sflag:s18], $0x4000  }
0x17: {  	[sflag:s18] =	ssyncset.done $0x0  }
0x18: {  	[sflag:s18] =	ssyncadd.s32 $0xFFFFC000  }
0x19: {  	[spmem:s7] =	stream.linear.scatter [tilespmem:s19], [sflag:$0x3], $0x4000, $0x38;
	[tilespmem:$0x1A800] =	vst v63  }
0x1a: {  	_ =	swait.ge [sflag:s20], $0x4000  }
0x1b: {  	[sflag:s20] =	ssyncset.done $0x0  }
0x1c: {  	[sflag:s20] =	ssyncadd.s32 $0xFFFFC000  }
0x1d: {  	[spmem:s9] =	stream.linear.scatter [tilespmem:s19], [sflag:$0x3], $0x4000, $0x38;
	[tilespmem:$0x1A800] =	vst v63  }
0x1e: {  	_ =	swait.ge [sflag:s20], $0x4000  }
0x1f: {  	[sflag:s20] =	ssyncset.done $0x0  }
0x20: {  	[sflag:s20] =	ssyncadd.s32 $0xFFFFC000  }
0x21: {  	[spmem:s10] =	stream.linear.scatter [tilespmem:s19], [sflag:$0x3], $0x4000, $0x38;
	[tilespmem:$0x1A800] =	vst v63  }
0x22: {  	_ =	swait.ge [sflag:s20], $0x4000  }
0x23: {  	[sflag:s20] =	ssyncset.done $0x0  }
0x24: {  	[sflag:s20] =	ssyncadd.s32 $0xFFFFC000  }
0x25: {  	[spmem:s11] =	stream.linear.scatter [tilespmem:s19], [sflag:$0x3], $0x4000, $0x38;
	[tilespmem:$0x1A800] =	vst v63  }
0x26: {  	_ =	swait.ge [sflag:s20], $0x4000  }
0x27: {  	[sflag:s20] =	ssyncset.done $0x0  }
0x28: {  	[sflag:s20] =	ssyncadd.s32 $0xFFFFC000  }
0x29: {  	[spmem:s12] =	stream.linear.scatter [tilespmem:s19], [sflag:$0x3], $0x4000, $0x38;
	[tilespmem:$0x1A800] =	vst v63  }
0x2a: {  	_ =	swait.ge [sflag:s20], $0x4000  }
0x2b: {  	[sflag:s20] =	ssyncset.done $0x0  }
0x2c: {  	[sflag:s20] =	ssyncadd.s32 $0xFFFFC000  }
0x2d: {  	[bflag:$0x0] =	sbarrier.arrive $0xFFFF  }
0x2e: {  	[tilespmem:s19], [sflag:$0x2] =	stream.linear.gather [hbm4b:s5+s3], $0x4000, $0x38;
	[tilespmem:$0x1A800] =	vst v63  }
0x2f: {  	_ =	swait.ge [sflag:s18], $0x4000  }
0x30: {  	[sflag:s18] =	ssyncset.done $0x0  }
0x31: {  	[sflag:s18] =	ssyncadd.s32 $0xFFFFC000  }
0x32: {  	[spmem:s2] =	stream.indirect.scatter.add.f32 [tilespmem:s19], [sflag:$0x1], $0x80, s3, s21, $0xb8;
	[tilespmem:$0x1A800] =	vst v63  }
0x33: {  	_ = 	snop  }
0x34: {  	[spmem:s2] =	stream.indirect.scatter.add.f32 [tilespmem:s19], [sflag:$0x1], $0x80, s21, s21, $0xb8;
	[tilespmem:$0x1A800] =	vst v63  }
0x35: {  	_ = 	snop  }
0x36: {  	[spmem:s2] =	stream.indirect.scatter.add.f32 [tilespmem:s19], [sflag:$0x1], $0x80, s22, s21, $0xb8;
	[tilespmem:$0x1A800] =	vst v63  }
0x37: {  	_ = 	snop  }
0x38: {  	[spmem:s2] =	stream.indirect.scatter.add.f32 [tilespmem:s19], [sflag:$0x1], $0x80, s23, s21, $0xb8;
	[tilespmem:$0x1A800] =	vst v63  }
0x39: {  	_ = 	snop  }
0x3a: {  	[spmem:s2] =	stream.indirect.scatter.add.f32 [tilespmem:s19], [sflag:$0x1], $0x80, s24, s21, $0xb8;
	[tilespmem:$0x1A800] =	vst v63  }
0x3b: {  	_ = 	snop  }
0x3c: {  	[spmem:s2] =	stream.indirect.scatter.add.f32 [tilespmem:s19], [sflag:$0x1], $0x80, s25, s21, $0xb8;
	[tilespmem:$0x1A800] =	vst v63  }
0x3d: {  	_ = 	snop  }
0x3e: {  	[spmem:s2] =	stream.indirect.scatter.add.f32 [tilespmem:s19], [sflag:$0x1], $0x80, s26, s21, $0xb8;
	[tilespmem:$0x1A800] =	vst v63  }
0x3f: {  	_ = 	snop  }
0x40: {  	[spmem:s2] =	stream.indirect.scatter.add.f32 [tilespmem:s19], [sflag:$0x1], $0x80, s28, s21, $0xb8;
	[tilespmem:$0x1A800] =	vst v63  }
0x41: {  	_ =	swait.ge [sflag:s29], $0x4000  }
0x42: {  	[sflag:s29] =	ssyncset.done $0x0  }
0x43: {  	s31 =	simm.s32 $0x1200;
	s1 =	simm.s32 $0x400;
	[sflag:s29] =	ssyncadd.s32 $0xFFFFC000  }
.LBB2_2:
0x44: {  	[spmem:s2] =	stream.indirect.scatter.add.f32 [tilespmem:s19], [sflag:$0x1], $0x80, s1, s21, $0xb8;
	[tilespmem:$0x1A800] =	vst v63  }
0x45: {  	s1 =	smov.u32 s31;
	p0 =	sne.s32 s31, $0x9E00  }
.Ltmp0:
0x46: {  	s31 =	sadd.s32 $0x200, s31;
	(pc) =	sbr.rel @p0 .LBB2_2-.Ltmp0, $4  }
0x47: {  	_ = 	snop  }
0x48: {  	_ =	swait.ge [sflag:s29], $0x4000  }
0x49: {  	[sflag:s29] =	ssyncset.done $0x0  }
0x4a: {  	s1 =	sshra.s32 s1, $0x2;
	[sflag:s29] =	ssyncadd.s32 $0xFFFFC000  }
0x4b: {  	[spmem:s2] =	stream.indirect.scatter.add.f32 [tilespmem:s19], [sflag:$0x1], $0x80, s1, s21, $0xb8;
	[tilespmem:$0x1A800] =	vst v63  }
0x4c: {  	_ =	swait.ge [sflag:s29], $0x4000  }
0x4d: {  	[sflag:s29] =	ssyncset.done $0x0  }
0x4e: {  	[sflag:s29] =	ssyncadd.s32 $0xFFFFC000  }
0x4f: {  	_ =	swait.ge [sflag:s29], $0x4000  }
0x50: {  	[sflag:s29] =	ssyncset.done $0x0  }
0x51: {  	[sflag:s29] =	ssyncadd.s32 $0xFFFFC000  }
0x52: {  	_ =	swait.ge [sflag:s29], $0x4000  }
0x53: {  	[sflag:s29] =	ssyncset.done $0x0  }
0x54: {  	[sflag:s29] =	ssyncadd.s32 $0xFFFFC000  }
0x55: {  	_ =	swait.ge [sflag:s29], $0x4000  }
0x56: {  	[sflag:s29] =	ssyncset.done $0x0  }
0x57: {  	[sflag:s29] =	ssyncadd.s32 $0xFFFFC000  }
0x58: {  	_ =	swait.ge [sflag:s29], $0x4000  }
0x59: {  	[sflag:s29] =	ssyncset.done $0x0  }
0x5a: {  	[sflag:s29] =	ssyncadd.s32 $0xFFFFC000  }
0x5b: {  	_ =	swait.ge [sflag:s29], $0x4000  }
0x5c: {  	[sflag:s29] =	ssyncset.done $0x0  }
0x5d: {  	[sflag:s29] =	ssyncadd.s32 $0xFFFFC000  }
0x5e: {  	_ =	swait.ge [sflag:s29], $0x4000  }
0x5f: {  	[sflag:s29] =	ssyncset.done $0x0  }
0x60: {  	[sflag:s29] =	ssyncadd.s32 $0xFFFFC000  }
0x61: {  	_ =	swait.ge [sflag:s29], $0x4000  }
0x62: {  	[sflag:s29] =	ssyncset.done $0x0  }
0x63: {  	[sflag:s29] =	ssyncadd.s32 $0xFFFFC000  }
0x64: {  	[bflag:$0x0] =	sbarrier.arrive $0xFFFF  }
0x65: {  	[tilespmem:s19], [sflag:$0x3] =	stream.linear.gather [spmem:s7], $0x4000, $0x38;
	[tilespmem:$0x1A800] =	vst v63  }
0x66: {  	_ =	swait.ge [sflag:s20], $0x4000  }
0x67: {  	[sflag:s20] =	ssyncset.done $0x0  }
0x68: {  	[sflag:s20] =	ssyncadd.s32 $0xFFFFC000  }
0x69: {  	[hbm4b:s13+s3] =	stream.linear.scatter [tilespmem:s19], [sflag:$0x3], $0x4000, $0x38;
	[tilespmem:$0x1A800] =	vst v63  }
0x6a: {  	_ =	swait.ge [sflag:s20], $0x4000  }
0x6b: {  	[sflag:s20] =	ssyncset.done $0x0  }
0x6c: {  	[sflag:s20] =	ssyncadd.s32 $0xFFFFC000  }
0x6d: {  	[tilespmem:s19], [sflag:$0x3] =	stream.linear.gather [spmem:s9], $0x4000, $0x38;
	[tilespmem:$0x1A800] =	vst v63  }
0x6e: {  	_ =	swait.ge [sflag:s20], $0x4000  }
0x6f: {  	[sflag:s20] =	ssyncset.done $0x0  }
0x70: {  	[sflag:s20] =	ssyncadd.s32 $0xFFFFC000  }
0x71: {  	[hbm4b:s14+s3] =	stream.linear.scatter [tilespmem:s19], [sflag:$0x3], $0x4000, $0x38;
	[tilespmem:$0x1A800] =	vst v63  }
0x72: {  	_ =	swait.ge [sflag:s20], $0x4000  }
0x73: {  	[sflag:s20] =	ssyncset.done $0x0  }
0x74: {  	[sflag:s20] =	ssyncadd.s32 $0xFFFFC000  }
0x75: {  	[tilespmem:s19], [sflag:$0x3] =	stream.linear.gather [spmem:s10], $0x4000, $0x38;
	[tilespmem:$0x1A800] =	vst v63  }
0x76: {  	_ =	swait.ge [sflag:s20], $0x4000  }
0x77: {  	[sflag:s20] =	ssyncset.done $0x0  }
0x78: {  	[sflag:s20] =	ssyncadd.s32 $0xFFFFC000  }
0x79: {  	[hbm4b:s15+s3] =	stream.linear.scatter [tilespmem:s19], [sflag:$0x3], $0x4000, $0x38;
	[tilespmem:$0x1A800] =	vst v63  }
0x7a: {  	_ =	swait.ge [sflag:s20], $0x4000  }
0x7b: {  	[sflag:s20] =	ssyncset.done $0x0  }
0x7c: {  	[sflag:s20] =	ssyncadd.s32 $0xFFFFC000  }
0x7d: {  	[tilespmem:s19], [sflag:$0x3] =	stream.linear.gather [spmem:s11], $0x4000, $0x38;
	[tilespmem:$0x1A800] =	vst v63  }
0x7e: {  	_ =	swait.ge [sflag:s20], $0x4000  }
0x7f: {  	[sflag:s20] =	ssyncset.done $0x0  }
0x80: {  	[sflag:s20] =	ssyncadd.s32 $0xFFFFC000  }
0x81: {  	[hbm4b:s16+s3] =	stream.linear.scatter [tilespmem:s19], [sflag:$0x3], $0x4000, $0x38;
	[tilespmem:$0x1A800] =	vst v63  }
0x82: {  	_ =	swait.ge [sflag:s20], $0x4000  }
0x83: {  	[sflag:s20] =	ssyncset.done $0x0  }
0x84: {  	[sflag:s20] =	ssyncadd.s32 $0xFFFFC000  }
0x85: {  	[tilespmem:s19], [sflag:$0x3] =	stream.linear.gather [spmem:s12], $0x4000, $0x38;
	[tilespmem:$0x1A800] =	vst v63  }
0x86: {  	s30 =	sadd.s32 $0x1, s30;
	_ =	swait.ge [sflag:s20], $0x4000  }
0x87: {  	p0 =	sne.s32 s30, s8;
	[sflag:s20] =	ssyncset.done $0x0  }
.Ltmp1:
0x88: {  	[sflag:s20] =	ssyncadd.s32 $0xFFFFC000;
	(pc) =	sbr.rel @p0 .LBB2_1-.Ltmp1, $4  }
0x89: {  	[hbm4b:s17+s3] =	stream.linear.scatter [tilespmem:s19], [sflag:$0x3], $0x4000, $0x38;
	[tilespmem:$0x1A800] =	vst v63  }
0x8a: {  	_ =	swait.ge [sflag:s20], $0x4000  }
0x8b: {  	[sflag:s20] =	ssyncset.done $0x0  }
0x8c: {  	[sflag:s20] =	ssyncadd.s32 $0xFFFFC000  }
0x8d: {  	_ =	sfence.sel $0x180000  }
0x8e: {  	[bflag:$0x0] =	sbarrier.arrive $0xFFFF  }
0x8f: {  	_ =	strace $0x90000047  }
0x90: {  	[bflag:$0x2] =	sbarrier.arrive $0xFFFF  }
0x91: {  	p0 =	sne.s32 s0, $0x0;
	s0 =	rddreg [dreg:$0x2]  }
0x92: {  	s0 =	sadd.s32 @!p0 $0x100000, s0  }
0x93: {  	[sflag:s0] =	ssyncadd.tile.s32 @!p0 $0x1;
	_ =	shalt  }
.Lfunc_end2:
_tile_overlayer_lowered:
.L_overlay_start_2:
0x94: {  	(tag) =	ssettag $0x2  }
0x95: {  	s0 =	rddreg [dreg:$0x0];
	s2 =	stileid.u32  }
0x96: {  	s1 =	rddreg [dreg:$0x1];
	p0 =	sne.s32 s2, $0x0  }
0x97: {  	s3 =	rddreg [dreg:$0x2];
	[bflag:$0x3] =	sbarrier.arrive $0xFFFF;
	s2 =	simm.s32 @!p0 $0x1C03  }
0x98: {  	[timem:s3], [sflag:s2] =	dma.local @!p0 [hbm:s0], s1  }
0x99: {  	s0 =	simm.s32 @!p0 $0x3  }
0x9a: {  	_ =	swait.ge @!p0 [sflag:s0], s1  }
0x9b: {  	s1 =	ssub.s32 @!p0 $0x0, s1;
	[sflag:s0] =	ssyncset.done @!p0 $0x0  }
0x9c: {  	[sflag:s0] =	ssyncadd.s32 @!p0 s1  }
0x9d: {  	[bflag:$0x3] =	sbarrier.arrive $0xFFFF  }
0x9e: {  	_ =	shalt  }

</sc_bundles>
